<compile_context>
chip_gen: v7x
topology: tpu7x:2x2x1
jax: 0.10.2.dev20260603
libtpu: 0.0.44.dev20260713+nightly
codegen_flags: <defaults>
</compile_context>

<pallas_src>
import functools

import jax
import jax.numpy as jnp
from jax import lax
from jax.experimental import pallas as pl
from jax.experimental.pallas import tpu as pltpu
from jax.experimental.pallas import tpu_sc as plsc

N = 10000
E = 320000
D = 128
G = 128
EPS = 1e-5

NC = 2
NS = 16
NW = NC * NS
EPW = E // NW
K = 80
C = EPW // K
NP = 10112
RPS = NP // NS

NB = 10
BR = N // NB


def _make_sc_agg(W: int):
  mesh = plsc.VectorSubcoreMesh(core_axis_name="c", subcore_axis_name="s")

  def body(table_hbm, src_hbm, dst_hbm, out_hbm,
           src_v, dst_v, rows0, rows1, accum, g0, g1, s0, s1):
    cid = lax.axis_index("c")
    sid = lax.axis_index("s")
    wid = sid * NC + cid

    pltpu.sync_copy(src_hbm.at[wid], src_v)
    pltpu.sync_copy(dst_hbm.at[wid], dst_v)

    def zrow(r, carry):
      for l in range(W // 16):
        rows1[r, pl.ds(l * 16, 16)] = jnp.zeros((16,), jnp.float32)
      return carry
    lax.fori_loop(0, K, zrow, 0)
    for q in range(RPS // K):
      pltpu.sync_copy(rows1, accum.at[pl.ds(sid * RPS + q * K, K)])
    if RPS % K:
      pltpu.sync_copy(rows1.at[pl.ds(0, RPS % K)],
                      accum.at[pl.ds(sid * RPS + (RPS // K) * K, RPS % K)])
    plsc.subcore_barrier()

    def gather_start(j, rows, sem):
      pltpu.async_copy(table_hbm.at[src_v.at[pl.ds(j * K, K)]], rows, sem)

    def gather_wait(j, rows, sem):
      pltpu.make_async_copy(table_hbm.at[src_v.at[pl.ds(j * K, K)]], rows,
                            sem).wait()

    def scatter_start(j, rows, sem):
      pltpu.async_copy(rows, accum.at[dst_v.at[j]], sem, add=True)

    def scatter_wait(j, rows, sem):
      pltpu.make_async_copy(rows, accum.at[dst_v.at[j]], sem).wait()

    gather_start(0, rows0, g0)
    gather_start(1, rows1, g1)

    def pair(jj, carry):
      j0 = 2 * jj
      j1 = j0 + 1
      gather_wait(j0, rows0, g0)
      scatter_start(j0, rows0, s0)
      gather_wait(j1, rows1, g1)
      scatter_wait(j0, rows0, s0)

      @pl.when(j0 + 2 < C)
      def _():
        gather_start(j0 + 2, rows0, g0)

      scatter_start(j1, rows1, s1)
      scatter_wait(j1, rows1, s1)

      @pl.when(j1 + 2 < C)
      def _():
        gather_start(j1 + 2, rows1, g1)

      return carry
    lax.fori_loop(0, C // 2, pair, 0)
    if C % 2:
      j = C - 1
      gather_wait(j, rows0, g0)
      scatter_start(j, rows0, s0)
      scatter_wait(j, rows0, s0)
    plsc.subcore_barrier()

    pltpu.sync_copy(accum.at[pl.ds(sid * RPS, RPS)],
                    out_hbm.at[cid, pl.ds(sid * RPS, RPS)])

  return pl.kernel(
      body,
      out_type=jax.ShapeDtypeStruct((NC, NP, W), jnp.float32),
      mesh=mesh,
      scratch_types=[
          pltpu.VMEM((EPW,), jnp.int32),
          pltpu.VMEM((C, K), jnp.int32),
          pltpu.VMEM((K, W), jnp.float32),
          pltpu.VMEM((K, W), jnp.float32),
          pltpu.VMEM_SHARED((NP, W), jnp.float32),
          pltpu.SemaphoreType.DMA,
          pltpu.SemaphoreType.DMA,
          pltpu.SemaphoreType.DMA,
          pltpu.SemaphoreType.DMA,
      ],
  )


_sc_agg_feat = _make_sc_agg(D)


def _sc_cnt_body(dst_hbm, out_hbm, dst_v, acc_v):
  cid = lax.axis_index("c")
  sid = lax.axis_index("s")
  wid = sid * NC + cid

  def zrow(i, carry):
    acc_v[pl.ds(i * 16, 16)] = jnp.zeros((16,), jnp.float32)
    return carry
  lax.fori_loop(0, NP // 16, zrow, 0)

  pltpu.sync_copy(dst_hbm.at[wid], dst_v)

  ones16 = jnp.full((16,), 1.0, jnp.float32)

  def step(i, carry):
    idx = dst_v[pl.ds(i * 16, 16)]
    plsc.addupdate_scatter(acc_v, [idx], ones16)
    return carry
  lax.fori_loop(0, EPW // 16, step, 0)

  pltpu.sync_copy(acc_v, out_hbm.at[wid])


_sc_cnt = pl.kernel(
    _sc_cnt_body,
    out_type=jax.ShapeDtypeStruct((NW, NP), jnp.float32),
    mesh=plsc.VectorSubcoreMesh(core_axis_name="c", subcore_axis_name="s"),
    scratch_types=[
        pltpu.VMEM((EPW,), jnp.int32),
        pltpu.VMEM((NP,), jnp.float32),
    ],
    compiler_params=pltpu.CompilerParams(needs_layout_passes=False),
)


def _tc_zr_body(h_ref, Wr_ref, out_ref):
  out_ref[...] = lax.dot_general(h_ref[...], Wr_ref[...],
                                 (((1,), (1,)), ((), ())),
                                 preferred_element_type=jnp.float32)


def _tc_zr(h, Wr):
  return pl.pallas_call(
      _tc_zr_body,
      grid=(NB,),
      in_specs=[
          pl.BlockSpec((BR, D), lambda i: (i, 0)),
          pl.BlockSpec((D, D), lambda i: (0, 0)),
      ],
      out_specs=pl.BlockSpec((BR, D), lambda i: (i, 0)),
      out_shape=jax.ShapeDtypeStruct((N, D), jnp.float32),
  )(h, Wr)


def _make_tc_layer_body(final: bool):
  def body(*refs):
    if final:
      (part_ref, cntp_ref, zr_ref, Wl_ref, bl_ref, gamma_ref, beta_ref,
       batch_ref, fcW1_ref, fcb1_ref, fcW2_ref, fcb2_ref,
       out_ref, head_ref, z_s, stats_s, pooled_s) = refs
    else:
      (part_ref, cntp_ref, zr_ref, Wl_ref, bl_ref, gamma_ref, beta_ref,
       out_ref, z_s, stats_s) = refs
    p = pl.program_id(0)
    i = pl.program_id(1)

    @pl.when(p == 0)
    def _():
      agg = part_ref[0] + part_ref[1]
      cnt = jnp.sum(cntp_ref[...], axis=1, keepdims=True)
      mean = agg / jnp.maximum(cnt, 1.0)
      z = (lax.dot_general(mean, Wl_ref[...], (((1,), (1,)), ((), ())),
                           preferred_element_type=jnp.float32)
           + zr_ref[...] + bl_ref[...])
      z_s[pl.ds(i * BR, BR), :] = z

      @pl.when(i == 0)
      def _():
        stats_s[...] = jnp.zeros_like(stats_s)

      stats_s[0:1, :] += jnp.sum(z, axis=0, keepdims=True)
      stats_s[1:2, :] += jnp.sum(z * z, axis=0, keepdims=True)

    @pl.when(p == 1)
    def _():
      mu = stats_s[0:1, :] / N
      var = stats_s[1:2, :] / N - mu * mu
      scale = gamma_ref[...] * lax.rsqrt(var + EPS)
      z = z_s[pl.ds(i * BR, BR), :]
      h_new = jnp.maximum((z - mu) * scale + beta_ref[...], 0.0)
      out_ref[...] = h_new

      if final:
        @pl.when(i == 0)
        def _():
          pooled_s[...] = jnp.zeros_like(pooled_s)

        gids = lax.broadcasted_iota(jnp.int32, (1, G), 1)
        oh = (batch_ref[...] == gids).astype(jnp.float32)
        pooled_s[...] += lax.dot_general(
            oh, h_new, (((0,), (0,)), ((), ())),
            preferred_element_type=jnp.float32)

        @pl.when(i == NB - 1)
        def _():
          hid = lax.dot_general(pooled_s[...], fcW1_ref[...],
                                (((1,), (1,)), ((), ())),
                                preferred_element_type=jnp.float32
                                ) + fcb1_ref[...]
          hid = jnp.maximum(hid, 0.0)
          head_ref[...] = lax.dot_general(hid, fcW2_ref[...],
                                          (((1,), (1,)), ((), ())),
                                          preferred_element_type=jnp.float32
                                          ) + fcb2_ref[...]
  return body


def _make_tc_layer(final: bool):
  in_specs = [
      pl.BlockSpec((NC, BR, D), lambda p, i: (0, i * (1 - p), 0)),
      pl.BlockSpec((BR, NW), lambda p, i: (i * (1 - p), 0)),
      pl.BlockSpec((BR, D), lambda p, i: (i * (1 - p), 0)),
      pl.BlockSpec((D, D), lambda p, i: (0, 0)),
      pl.BlockSpec((1, D), lambda p, i: (0, 0)),
      pl.BlockSpec((1, D), lambda p, i: (0, 0)),
      pl.BlockSpec((1, D), lambda p, i: (0, 0)),
  ]
  out_specs = [pl.BlockSpec((BR, D), lambda p, i: (i * p, 0))]
  out_shape = [jax.ShapeDtypeStruct((N, D), jnp.float32)]
  scratch = [
      pltpu.VMEM((N, D), jnp.float32),
      pltpu.VMEM((2, D), jnp.float32),
  ]
  if final:
    in_specs += [
        pl.BlockSpec((BR, 1), lambda p, i: (i * p, 0)),
        pl.BlockSpec((G // 2, D), lambda p, i: (0, 0)),
        pl.BlockSpec((G, G // 2), lambda p, i: (0, 0)),
        pl.BlockSpec((G, G // 2), lambda p, i: (0, 0)),
        pl.BlockSpec((G, G), lambda p, i: (0, 0)),
    ]
    out_specs += [pl.BlockSpec((G, G), lambda p, i: (0, 0))]
    out_shape += [jax.ShapeDtypeStruct((G, G), jnp.float32)]
    scratch += [pltpu.VMEM((G, D), jnp.float32)]
  return pl.pallas_call(
      _make_tc_layer_body(final),
      grid=(2, NB),
      in_specs=in_specs,
      out_specs=out_specs,
      out_shape=out_shape,
      scratch_shapes=scratch,
  )


_tc_layer_mid = _make_tc_layer(False)
_tc_layer_fin = _make_tc_layer(True)


def kernel(x, edge_index, batch,
           Wl0, bl0, Wr0, gamma0, beta0,
           Wl1, bl1, Wr1, gamma1, beta1,
           Wl2, bl2, Wr2, gamma2, beta2,
           fcW1, fcb1, fcW2, fcb2):
  src2 = edge_index[0].reshape(NW, EPW)
  dst3 = edge_index[1].reshape(NW, C, K)
  dst2 = edge_index[1].reshape(NW, EPW)
  batch2 = batch.reshape(N, 1)

  cntp = _sc_cnt(dst2).T

  fcb1b = jnp.broadcast_to(fcb1.reshape(1, G // 2), (G, G // 2))
  fcW2p = jnp.zeros((G, G // 2), jnp.float32).at[0, :].set(fcW2[0])
  fcb2p = jnp.zeros((G, G), jnp.float32).at[:, 0].set(fcb2[0])

  h = x
  for li, (Wl, bl, Wr, gamma, beta) in enumerate((
      (Wl0, bl0, Wr0, gamma0, beta0),
      (Wl1, bl1, Wr1, gamma1, beta1),
      (Wl2, bl2, Wr2, gamma2, beta2),
  )):
    zr = _tc_zr(h, Wr)
    part = _sc_agg_feat(h, src2, dst3)
    args = (part, cntp, zr, Wl, bl.reshape(1, D),
            gamma.reshape(1, D), beta.reshape(1, D))
    if li < 2:
      (h,) = _tc_layer_mid(*args)
    else:
      _, head = _tc_layer_fin(*args, batch2, fcW1, fcb1b, fcW2p, fcb2p)
  return head[:, :1]

# --- scband reference (transcript-rebuilt; emitter-appended) ---
"""Pipeline reference for scband-graph-relation-network-89996744720585 (READ-ONLY COPY).

The authoritative reference and input builder live on the scoring server;
editing this copy changes nothing except your own understanding.
"""

import jax, jax.numpy as jnp
import numpy as np

N = 10000
E = 320000
D = 128
H = 128
O = 128
G = 128
EPS = 1e-5


def setup_inputs(seed: int = 0) -> dict:
    key = jax.random.key(seed)
    ks = jax.random.split(key, 32)
    inp = {}
    inp["x"] = jax.random.normal(ks[0], (N, D), dtype=jnp.float32)
    inp["edge_index"] = jax.random.randint(ks[1], (2, E), 0, N, dtype=jnp.int32)
    inp["batch"] = jnp.sort(jax.random.randint(ks[2], (N,), 0, G, dtype=jnp.int32))
    dims = [(D, H), (H, H), (H, O)]
    ki = 3
    for i, (din, dout) in enumerate(dims):
        s = 1.0 / np.sqrt(din)
        inp[f"Wl{i}"] = jax.random.uniform(ks[ki], (dout, din), jnp.float32, -s, s); ki += 1
        inp[f"bl{i}"] = jnp.zeros((dout,), jnp.float32)
        inp[f"Wr{i}"] = jax.random.uniform(ks[ki], (dout, din), jnp.float32, -s, s); ki += 1
        inp[f"gamma{i}"] = jnp.ones((dout,), jnp.float32)
        inp[f"beta{i}"] = jnp.zeros((dout,), jnp.float32)
    s1 = 1.0 / np.sqrt(O)
    inp["fcW1"] = jax.random.uniform(ks[ki], (O // 2, O), jnp.float32, -s1, s1); ki += 1
    inp["fcb1"] = jnp.zeros((O // 2,), jnp.float32)
    s2 = 1.0 / np.sqrt(O // 2)
    inp["fcW2"] = jax.random.uniform(ks[ki], (1, O // 2), jnp.float32, -s2, s2); ki += 1
    inp["fcb2"] = jnp.zeros((1,), jnp.float32)
    return inp


def _sage_bn_relu(h, src, dst, Wl, bl, Wr, gamma, beta):
    msg = h[src]
    agg = jax.ops.segment_sum(msg, dst, num_segments=N)
    cnt = jax.ops.segment_sum(jnp.ones((E,), jnp.float32), dst, num_segments=N)
    mean_nbr = agg / jnp.clip(cnt, 1.0)[:, None]
    h = mean_nbr @ Wl.T + bl + h @ Wr.T
    mu = jnp.mean(h, axis=0)
    var = jnp.var(h, axis=0)
    h = (h - mu) / jnp.sqrt(var + EPS) * gamma + beta
    return jax.nn.relu(h)


def reference(x, edge_index, batch,
              Wl0, bl0, Wr0, gamma0, beta0,
              Wl1, bl1, Wr1, gamma1, beta1,
              Wl2, bl2, Wr2, gamma2, beta2,
              fcW1, fcb1, fcW2, fcb2):
    src = edge_index[0]
    dst = edge_index[1]
    h = x
    h = _sage_bn_relu(h, src, dst, Wl0, bl0, Wr0, gamma0, beta0)
    h = _sage_bn_relu(h, src, dst, Wl1, bl1, Wr1, gamma1, beta1)
    h = _sage_bn_relu(h, src, dst, Wl2, bl2, Wr2, gamma2, beta2)
    pooled = jax.ops.segment_sum(h, batch, num_segments=G)
    hid = jax.nn.relu(pooled @ fcW1.T + fcb1)
    out = hid @ fcW2.T + fcb2
    return out

if __name__ == "__main__":
    import jax
    _d = setup_inputs()
    print(jax.jit(kernel)(*tuple(_d.values())))

</pallas_src>

<mosaic_0001>
#map = affine_map<(d0, d1) -> (0, 0)>
module attributes {stable_mosaic.version = 14 : i64} {
  func.func @_sc_cnt_body(%arg0: i32, %arg1: i32, %arg2: memref<32x10000xi32, #tpu.memory_space<hbm>>, %arg3: memref<32x10112xf32, #tpu.memory_space<hbm>>, %arg4: memref<10000xi32, #tpu.memory_space<vmem>>, %arg5: memref<10112xf32, #tpu.memory_space<vmem>>) attributes {dimension_semantics = [#tpu.dimension_semantics<core_parallel>, #tpu.dimension_semantics<subcore_parallel>], iteration_bounds = array<i64: 2, 16>, scalar_prefetch = 0 : i64, scratch_operands = 2 : i64, tpu.core_type = #tpu.core_type<sc_vector_subcore>, window_params = [{transform_indices = #map}, {transform_indices = #map}]} {
    %mul3A = arith.constant 2 : i32
    %mul3A_0 = arith.muli %arg1, %mul3A : i32
    %add3A = arith.addi %mul3A_0, %arg0 : i32
    %scan3A = arith.constant 0 : i32
    %scan3A_1 = arith.constant 0 : i32
    %scan3A_2 = arith.constant 632 : i32
    %scan3A_3 = arith.addi %scan3A_1, %scan3A_2 : i32
    %scan3A_4 = arith.constant 1 : i32
    scf.for %scan3A_13 = %scan3A_1 to %scan3A_3 step %scan3A_4  : i32 {
      %broadcast_in_dim3A_14 = arith.constant 0.000000e+00 : f32
      %broadcast_in_dim3A_15 = vector.broadcast %broadcast_in_dim3A_14 : f32 to vector<16xf32>
      %mul3A_16 = arith.constant 16 : i32
      %mul3A_17 = arith.muli %scan3A_13, %mul3A_16 : i32
      %swap3A = arith.index_cast %mul3A_17 : i32 to index
      %swap3A_18 = tpu.vector_load %arg5[%swap3A] {strides = array<i32>} : memref<10112xf32, #tpu.memory_space<vmem>>, vector<16xf32>,
      tpu.vector_store %arg5[%swap3A], %broadcast_in_dim3A_15 {strides = array<i32>} : memref<10112xf32, #tpu.memory_space<vmem>>, vector<16xf32>,
    }
    %scan3A_5 = arith.constant 632 : i32
    "tpu.region"() ({
      %run_scoped3A = tpu.sem_alloc : memref<!tpu.dma_semaphore, #tpu.memory_space<semaphore_mem>>
      %dma_start3A = arith.constant 0 : i32
      %dma_start3A_13 = tpu.memref_slice %arg2[%add3A, %dma_start3A] : memref<32x10000xi32, #tpu.memory_space<hbm>> -> memref<1x10000xi32, #tpu.memory_space<hbm>>
      %dma_start3A_14 = tpu.memref_squeeze %dma_start3A_13 : memref<1x10000xi32, #tpu.memory_space<hbm>> -> memref<10000xi32, #tpu.memory_space<hbm>>
      %dma_start3A_15 = arith.constant 0 : i32
      %dma_start3A_16 = tpu.memref_slice %arg2[%add3A, %dma_start3A_15] : memref<32x10000xi32, #tpu.memory_space<hbm>> -> memref<1x10000xi32, #tpu.memory_space<hbm>>
      %dma_start3A_17 = tpu.memref_squeeze %dma_start3A_16 : memref<1x10000xi32, #tpu.memory_space<hbm>> -> memref<10000xi32, #tpu.memory_space<hbm>>
      tpu.enqueue_dma source(%dma_start3A_17 : memref<10000xi32, #tpu.memory_space<hbm>>) target(%arg4 : memref<10000xi32, #tpu.memory_space<vmem>>) target_semaphore(%run_scoped3A : memref<!tpu.dma_semaphore, #tpu.memory_space<semaphore_mem>>)
      %dma_wait3A = arith.constant 0 : i32
      %dma_wait3A_18 = tpu.memref_slice %arg2[%add3A, %dma_wait3A] : memref<32x10000xi32, #tpu.memory_space<hbm>> -> memref<1x10000xi32, #tpu.memory_space<hbm>>
      %dma_wait3A_19 = tpu.memref_squeeze %dma_wait3A_18 : memref<1x10000xi32, #tpu.memory_space<hbm>> -> memref<10000xi32, #tpu.memory_space<hbm>>
      %dma_wait3A_20 = arith.constant 0 : i32
      %dma_wait3A_21 = tpu.memref_slice %arg2[%add3A, %dma_wait3A_20] : memref<32x10000xi32, #tpu.memory_space<hbm>> -> memref<1x10000xi32, #tpu.memory_space<hbm>>
      %dma_wait3A_22 = tpu.memref_squeeze %dma_wait3A_21 : memref<1x10000xi32, #tpu.memory_space<hbm>> -> memref<10000xi32, #tpu.memory_space<hbm>>
      tpu.wait_dma2 semaphore(%run_scoped3A : memref<!tpu.dma_semaphore, #tpu.memory_space<semaphore_mem>>) src(%dma_wait3A_22 : memref<10000xi32, #tpu.memory_space<hbm>>) dst(%arg4 : memref<10000xi32, #tpu.memory_space<vmem>>)
      tpu.yield
    }) : () -> ()
    %broadcast_in_dim3A = arith.constant 1.000000e+00 : f32
    %broadcast_in_dim3A_6 = vector.broadcast %broadcast_in_dim3A : f32 to vector<16xf32>
    %scan3A_7 = arith.constant 0 : i32
    %scan3A_8 = arith.constant 0 : i32
    %scan3A_9 = arith.constant 625 : i32
    %scan3A_10 = arith.addi %scan3A_8, %scan3A_9 : i32
    %scan3A_11 = arith.constant 1 : i32
    scf.for %scan3A_13 = %scan3A_8 to %scan3A_10 step %scan3A_11  : i32 {
      %mul3A_14 = arith.constant 16 : i32
      %mul3A_15 = arith.muli %scan3A_13, %mul3A_14 : i32
      %get3A = arith.index_cast %mul3A_15 : i32 to index
      %get3A_16 = tpu.vector_load %arg4[%get3A] {strides = array<i32>} : memref<10000xi32, #tpu.memory_space<vmem>>, vector<16xi32>,
      tpu.vector_store_idx %arg5[%get3A_16], %broadcast_in_dim3A_6 {add = true} : memref<10112xf32, #tpu.memory_space<vmem>>[vector<16xi32>], vector<16xf32>,
    }
    %scan3A_12 = arith.constant 625 : i32
    "tpu.region"() ({
      %run_scoped3A = tpu.sem_alloc : memref<!tpu.dma_semaphore, #tpu.memory_space<semaphore_mem>>
      %dma_start3A = arith.constant 0 : i32
      %dma_start3A_13 = tpu.memref_slice %arg3[%add3A, %dma_start3A] : memref<32x10112xf32, #tpu.memory_space<hbm>> -> memref<1x10112xf32, #tpu.memory_space<hbm>>
      %dma_start3A_14 = tpu.memref_squeeze %dma_start3A_13 : memref<1x10112xf32, #tpu.memory_space<hbm>> -> memref<10112xf32, #tpu.memory_space<hbm>>
      %dma_start3A_15 = arith.constant 0 : i32
      %dma_start3A_16 = tpu.memref_slice %arg3[%add3A, %dma_start3A_15] : memref<32x10112xf32, #tpu.memory_space<hbm>> -> memref<1x10112xf32, #tpu.memory_space<hbm>>
      %dma_start3A_17 = tpu.memref_squeeze %dma_start3A_16 : memref<1x10112xf32, #tpu.memory_space<hbm>> -> memref<10112xf32, #tpu.memory_space<hbm>>
      tpu.enqueue_dma source(%arg5 : memref<10112xf32, #tpu.memory_space<vmem>>) target(%dma_start3A_17 : memref<10112xf32, #tpu.memory_space<hbm>>) target_semaphore(%run_scoped3A : memref<!tpu.dma_semaphore, #tpu.memory_space<semaphore_mem>>)
      %dma_wait3A = arith.constant 0 : i32
      %dma_wait3A_18 = tpu.memref_slice %arg3[%add3A, %dma_wait3A] : memref<32x10112xf32, #tpu.memory_space<hbm>> -> memref<1x10112xf32, #tpu.memory_space<hbm>>
      %dma_wait3A_19 = tpu.memref_squeeze %dma_wait3A_18 : memref<1x10112xf32, #tpu.memory_space<hbm>> -> memref<10112xf32, #tpu.memory_space<hbm>>
      %dma_wait3A_20 = arith.constant 0 : i32
      %dma_wait3A_21 = tpu.memref_slice %arg3[%add3A, %dma_wait3A_20] : memref<32x10112xf32, #tpu.memory_space<hbm>> -> memref<1x10112xf32, #tpu.memory_space<hbm>>
      %dma_wait3A_22 = tpu.memref_squeeze %dma_wait3A_21 : memref<1x10112xf32, #tpu.memory_space<hbm>> -> memref<10112xf32, #tpu.memory_space<hbm>>
      tpu.wait_dma2 semaphore(%run_scoped3A : memref<!tpu.dma_semaphore, #tpu.memory_space<semaphore_mem>>) src(%arg5 : memref<10112xf32, #tpu.memory_space<vmem>>) dst(%dma_wait3A_22 : memref<10112xf32, #tpu.memory_space<hbm>>)
      tpu.yield
    }) : () -> ()
    return
  }
}

#map = affine_map<(d0, d1) -> (0, 0)>
#map1 = affine_map<(d0, d1) -> (0, 0, 0)>
module attributes {stable_mosaic.version = 14 : i64} {
  func.func @body(%arg0: i32, %arg1: i32, %arg2: memref<10000x128xf32, #tpu.memory_space<hbm>>, %arg3: memref<32x10000xi32, #tpu.memory_space<hbm>>, %arg4: memref<32x125x80xi32, #tpu.memory_space<hbm>>, %arg5: memref<2x10112x128xf32, #tpu.memory_space<hbm>>, %arg6: memref<10000xi32, #tpu.memory_space<vmem>>, %arg7: memref<125x80xi32, #tpu.memory_space<vmem>>, %arg8: memref<80x128xf32, #tpu.memory_space<vmem>>, %arg9: memref<80x128xf32, #tpu.memory_space<vmem>>, %arg10: memref<10112x128xf32, #tpu.memory_space<vmem_shared>>, %arg11: memref<!tpu.dma_semaphore, #tpu.memory_space<semaphore_mem>>, %arg12: memref<!tpu.dma_semaphore, #tpu.memory_space<semaphore_mem>>, %arg13: memref<!tpu.dma_semaphore, #tpu.memory_space<semaphore_mem>>, %arg14: memref<!tpu.dma_semaphore, #tpu.memory_space<semaphore_mem>>) attributes {dimension_semantics = [#tpu.dimension_semantics<core_parallel>, #tpu.dimension_semantics<subcore_parallel>], iteration_bounds = array<i64: 2, 16>, scalar_prefetch = 0 : i64, scratch_operands = 9 : i64, tpu.core_type = #tpu.core_type<sc_vector_subcore>, window_params = [{transform_indices = #map}, {transform_indices = #map}, {transform_indices = #map1}, {transform_indices = #map1}]} {
    %mul3A = arith.constant 2 : i32
    %mul3A_0 = arith.muli %arg1, %mul3A : i32
    %add3A = arith.addi %mul3A_0, %arg0 : i32
    "tpu.region"() ({
      %run_scoped3A = tpu.sem_alloc : memref<!tpu.dma_semaphore, #tpu.memory_space<semaphore_mem>>
      %dma_start3A_76 = arith.constant 0 : i32
      %dma_start3A_77 = tpu.memref_slice %arg3[%add3A, %dma_start3A_76] : memref<32x10000xi32, #tpu.memory_space<hbm>> -> memref<1x10000xi32, #tpu.memory_space<hbm>>
      %dma_start3A_78 = tpu.memref_squeeze %dma_start3A_77 : memref<1x10000xi32, #tpu.memory_space<hbm>> -> memref<10000xi32, #tpu.memory_space<hbm>>
      %dma_start3A_79 = arith.constant 0 : i32
      %dma_start3A_80 = tpu.memref_slice %arg3[%add3A, %dma_start3A_79] : memref<32x10000xi32, #tpu.memory_space<hbm>> -> memref<1x10000xi32, #tpu.memory_space<hbm>>
      %dma_start3A_81 = tpu.memref_squeeze %dma_start3A_80 : memref<1x10000xi32, #tpu.memory_space<hbm>> -> memref<10000xi32, #tpu.memory_space<hbm>>
      tpu.enqueue_dma source(%dma_start3A_81 : memref<10000xi32, #tpu.memory_space<hbm>>) target(%arg6 : memref<10000xi32, #tpu.memory_space<vmem>>) target_semaphore(%run_scoped3A : memref<!tpu.dma_semaphore, #tpu.memory_space<semaphore_mem>>)
      %dma_wait3A_82 = arith.constant 0 : i32
      %dma_wait3A_83 = tpu.memref_slice %arg3[%add3A, %dma_wait3A_82] : memref<32x10000xi32, #tpu.memory_space<hbm>> -> memref<1x10000xi32, #tpu.memory_space<hbm>>
      %dma_wait3A_84 = tpu.memref_squeeze %dma_wait3A_83 : memref<1x10000xi32, #tpu.memory_space<hbm>> -> memref<10000xi32, #tpu.memory_space<hbm>>
      %dma_wait3A_85 = arith.constant 0 : i32
      %dma_wait3A_86 = tpu.memref_slice %arg3[%add3A, %dma_wait3A_85] : memref<32x10000xi32, #tpu.memory_space<hbm>> -> memref<1x10000xi32, #tpu.memory_space<hbm>>
      %dma_wait3A_87 = tpu.memref_squeeze %dma_wait3A_86 : memref<1x10000xi32, #tpu.memory_space<hbm>> -> memref<10000xi32, #tpu.memory_space<hbm>>
      tpu.wait_dma2 semaphore(%run_scoped3A : memref<!tpu.dma_semaphore, #tpu.memory_space<semaphore_mem>>) src(%dma_wait3A_87 : memref<10000xi32, #tpu.memory_space<hbm>>) dst(%arg6 : memref<10000xi32, #tpu.memory_space<vmem>>)
      tpu.yield
    }) : () -> ()
    "tpu.region"() ({
      %run_scoped3A = tpu.sem_alloc : memref<!tpu.dma_semaphore, #tpu.memory_space<semaphore_mem>>
      %dma_start3A_76 = arith.constant 0 : i32
      %dma_start3A_77 = arith.constant 0 : i32
      %dma_start3A_78 = tpu.memref_slice %arg4[%add3A, %dma_start3A_76, %dma_start3A_77] : memref<32x125x80xi32, #tpu.memory_space<hbm>> -> memref<1x125x80xi32, #tpu.memory_space<hbm>>
      %dma_start3A_79 = tpu.memref_squeeze %dma_start3A_78 : memref<1x125x80xi32, #tpu.memory_space<hbm>> -> memref<125x80xi32, #tpu.memory_space<hbm>>
      %dma_start3A_80 = arith.constant 0 : i32
      %dma_start3A_81 = arith.constant 0 : i32
      %dma_start3A_82 = tpu.memref_slice %arg4[%add3A, %dma_start3A_80, %dma_start3A_81] : memref<32x125x80xi32, #tpu.memory_space<hbm>> -> memref<1x125x80xi32, #tpu.memory_space<hbm>>
      %dma_start3A_83 = tpu.memref_squeeze %dma_start3A_82 : memref<1x125x80xi32, #tpu.memory_space<hbm>> -> memref<125x80xi32, #tpu.memory_space<hbm>>
      tpu.enqueue_dma source(%dma_start3A_83 : memref<125x80xi32, #tpu.memory_space<hbm>>) target(%arg7 : memref<125x80xi32, #tpu.memory_space<vmem>>) target_semaphore(%run_scoped3A : memref<!tpu.dma_semaphore, #tpu.memory_space<semaphore_mem>>)
      %dma_wait3A_84 = arith.constant 0 : i32
      %dma_wait3A_85 = arith.constant 0 : i32
      %dma_wait3A_86 = tpu.memref_slice %arg4[%add3A, %dma_wait3A_84, %dma_wait3A_85] : memref<32x125x80xi32, #tpu.memory_space<hbm>> -> memref<1x125x80xi32, #tpu.memory_space<hbm>>
      %dma_wait3A_87 = tpu.memref_squeeze %dma_wait3A_86 : memref<1x125x80xi32, #tpu.memory_space<hbm>> -> memref<125x80xi32, #tpu.memory_space<hbm>>
      %dma_wait3A_88 = arith.constant 0 : i32
      %dma_wait3A_89 = arith.constant 0 : i32
      %dma_wait3A_90 = tpu.memref_slice %arg4[%add3A, %dma_wait3A_88, %dma_wait3A_89] : memref<32x125x80xi32, #tpu.memory_space<hbm>> -> memref<1x125x80xi32, #tpu.memory_space<hbm>>
      %dma_wait3A_91 = tpu.memref_squeeze %dma_wait3A_90 : memref<1x125x80xi32, #tpu.memory_space<hbm>> -> memref<125x80xi32, #tpu.memory_space<hbm>>
      tpu.wait_dma2 semaphore(%run_scoped3A : memref<!tpu.dma_semaphore, #tpu.memory_space<semaphore_mem>>) src(%dma_wait3A_91 : memref<125x80xi32, #tpu.memory_space<hbm>>) dst(%arg7 : memref<125x80xi32, #tpu.memory_space<vmem>>)
      tpu.yield
    }) : () -> ()
    %scan3A = arith.constant 0 : i32
    %scan3A_1 = arith.constant 0 : i32
    %scan3A_2 = arith.constant 80 : i32
    %scan3A_3 = arith.addi %scan3A_1, %scan3A_2 : i32
    %scan3A_4 = arith.constant 1 : i32
    scf.for %scan3A_76 = %scan3A_1 to %scan3A_3 step %scan3A_4  : i32 {
      %broadcast_in_dim3A = arith.constant 0.000000e+00 : f32
      %broadcast_in_dim3A_77 = vector.broadcast %broadcast_in_dim3A : f32 to vector<16xf32>
      %swap3A = arith.index_cast %scan3A_76 : i32 to index
      %swap3A_78 = arith.constant 0 : index
      %swap3A_79 = tpu.vector_load %arg9[%swap3A, %swap3A_78] {strides = array<i32>} : memref<80x128xf32, #tpu.memory_space<vmem>>, vector<1x16xf32>,
      %swap3A_80 = vector.shape_cast %swap3A_79 : vector<1x16xf32> to vector<16xf32>
      %swap3A_81 = vector.shape_cast %broadcast_in_dim3A_77 : vector<16xf32> to vector<1x16xf32>
      tpu.vector_store %arg9[%swap3A, %swap3A_78], %swap3A_81 {strides = array<i32>} : memref<80x128xf32, #tpu.memory_space<vmem>>, vector<1x16xf32>,
      %broadcast_in_dim3A_82 = arith.constant 0.000000e+00 : f32
      %broadcast_in_dim3A_83 = vector.broadcast %broadcast_in_dim3A_82 : f32 to vector<16xf32>
      %swap3A_84 = arith.index_cast %scan3A_76 : i32 to index
      %swap3A_85 = arith.constant 16 : index
      %swap3A_86 = tpu.vector_load %arg9[%swap3A_84, %swap3A_85] {strides = array<i32>} : memref<80x128xf32, #tpu.memory_space<vmem>>, vector<1x16xf32>,
      %swap3A_87 = vector.shape_cast %swap3A_86 : vector<1x16xf32> to vector<16xf32>
      %swap3A_88 = vector.shape_cast %broadcast_in_dim3A_83 : vector<16xf32> to vector<1x16xf32>
      tpu.vector_store %arg9[%swap3A_84, %swap3A_85], %swap3A_88 {strides = array<i32>} : memref<80x128xf32, #tpu.memory_space<vmem>>, vector<1x16xf32>,
      %broadcast_in_dim3A_89 = arith.constant 0.000000e+00 : f32
      %broadcast_in_dim3A_90 = vector.broadcast %broadcast_in_dim3A_89 : f32 to vector<16xf32>
      %swap3A_91 = arith.index_cast %scan3A_76 : i32 to index
      %swap3A_92 = arith.constant 32 : index
      %swap3A_93 = tpu.vector_load %arg9[%swap3A_91, %swap3A_92] {strides = array<i32>} : memref<80x128xf32, #tpu.memory_space<vmem>>, vector<1x16xf32>,
      %swap3A_94 = vector.shape_cast %swap3A_93 : vector<1x16xf32> to vector<16xf32>
      %swap3A_95 = vector.shape_cast %broadcast_in_dim3A_90 : vector<16xf32> to vector<1x16xf32>
      tpu.vector_store %arg9[%swap3A_91, %swap3A_92], %swap3A_95 {strides = array<i32>} : memref<80x128xf32, #tpu.memory_space<vmem>>, vector<1x16xf32>,
      %broadcast_in_dim3A_96 = arith.constant 0.000000e+00 : f32
      %broadcast_in_dim3A_97 = vector.broadcast %broadcast_in_dim3A_96 : f32 to vector<16xf32>
      %swap3A_98 = arith.index_cast %scan3A_76 : i32 to index
      %swap3A_99 = arith.constant 48 : index
      %swap3A_100 = tpu.vector_load %arg9[%swap3A_98, %swap3A_99] {strides = array<i32>} : memref<80x128xf32, #tpu.memory_space<vmem>>, vector<1x16xf32>,
      %swap3A_101 = vector.shape_cast %swap3A_100 : vector<1x16xf32> to vector<16xf32>
      %swap3A_102 = vector.shape_cast %broadcast_in_dim3A_97 : vector<16xf32> to vector<1x16xf32>
      tpu.vector_store %arg9[%swap3A_98, %swap3A_99], %swap3A_102 {strides = array<i32>} : memref<80x128xf32, #tpu.memory_space<vmem>>, vector<1x16xf32>,
      %broadcast_in_dim3A_103 = arith.constant 0.000000e+00 : f32
      %broadcast_in_dim3A_104 = vector.broadcast %broadcast_in_dim3A_103 : f32 to vector<16xf32>
      %swap3A_105 = arith.index_cast %scan3A_76 : i32 to index
      %swap3A_106 = arith.constant 64 : index
      %swap3A_107 = tpu.vector_load %arg9[%swap3A_105, %swap3A_106] {strides = array<i32>} : memref<80x128xf32, #tpu.memory_space<vmem>>, vector<1x16xf32>,
      %swap3A_108 = vector.shape_cast %swap3A_107 : vector<1x16xf32> to vector<16xf32>
      %swap3A_109 = vector.shape_cast %broadcast_in_dim3A_104 : vector<16xf32> to vector<1x16xf32>
      tpu.vector_store %arg9[%swap3A_105, %swap3A_106], %swap3A_109 {strides = array<i32>} : memref<80x128xf32, #tpu.memory_space<vmem>>, vector<1x16xf32>,
      %broadcast_in_dim3A_110 = arith.constant 0.000000e+00 : f32
      %broadcast_in_dim3A_111 = vector.broadcast %broadcast_in_dim3A_110 : f32 to vector<16xf32>
      %swap3A_112 = arith.index_cast %scan3A_76 : i32 to index
      %swap3A_113 = arith.constant 80 : index
      %swap3A_114 = tpu.vector_load %arg9[%swap3A_112, %swap3A_113] {strides = array<i32>} : memref<80x128xf32, #tpu.memory_space<vmem>>, vector<1x16xf32>,
      %swap3A_115 = vector.shape_cast %swap3A_114 : vector<1x16xf32> to vector<16xf32>
      %swap3A_116 = vector.shape_cast %broadcast_in_dim3A_111 : vector<16xf32> to vector<1x16xf32>
      tpu.vector_store %arg9[%swap3A_112, %swap3A_113], %swap3A_116 {strides = array<i32>} : memref<80x128xf32, #tpu.memory_space<vmem>>, vector<1x16xf32>,
      %broadcast_in_dim3A_117 = arith.constant 0.000000e+00 : f32
      %broadcast_in_dim3A_118 = vector.broadcast %broadcast_in_dim3A_117 : f32 to vector<16xf32>
      %swap3A_119 = arith.index_cast %scan3A_76 : i32 to index
      %swap3A_120 = arith.constant 96 : index
      %swap3A_121 = tpu.vector_load %arg9[%swap3A_119, %swap3A_120] {strides = array<i32>} : memref<80x128xf32, #tpu.memory_space<vmem>>, vector<1x16xf32>,
      %swap3A_122 = vector.shape_cast %swap3A_121 : vector<1x16xf32> to vector<16xf32>
      %swap3A_123 = vector.shape_cast %broadcast_in_dim3A_118 : vector<16xf32> to vector<1x16xf32>
      tpu.vector_store %arg9[%swap3A_119, %swap3A_120], %swap3A_123 {strides = array<i32>} : memref<80x128xf32, #tpu.memory_space<vmem>>, vector<1x16xf32>,
      %broadcast_in_dim3A_124 = arith.constant 0.000000e+00 : f32
      %broadcast_in_dim3A_125 = vector.broadcast %broadcast_in_dim3A_124 : f32 to vector<16xf32>
      %swap3A_126 = arith.index_cast %scan3A_76 : i32 to index
      %swap3A_127 = arith.constant 112 : index
      %swap3A_128 = tpu.vector_load %arg9[%swap3A_126, %swap3A_127] {strides = array<i32>} : memref<80x128xf32, #tpu.memory_space<vmem>>, vector<1x16xf32>,
      %swap3A_129 = vector.shape_cast %swap3A_128 : vector<1x16xf32> to vector<16xf32>
      %swap3A_130 = vector.shape_cast %broadcast_in_dim3A_125 : vector<16xf32> to vector<1x16xf32>
      tpu.vector_store %arg9[%swap3A_126, %swap3A_127], %swap3A_130 {strides = array<i32>} : memref<80x128xf32, #tpu.memory_space<vmem>>, vector<1x16xf32>,
    }
    %scan3A_5 = arith.constant 80 : i32
    %mul3A_6 = arith.constant 632 : i32
    %mul3A_7 = arith.muli %arg1, %mul3A_6 : i32
    %add3A_8 = arith.constant 0 : i32
    %add3A_9 = arith.addi %mul3A_7, %add3A_8 : i32
    "tpu.region"() ({
      %run_scoped3A = tpu.sem_alloc : memref<!tpu.dma_semaphore, #tpu.memory_space<semaphore_mem>>
      %dma_start3A_76 = arith.constant 0 : i32
      %dma_start3A_77 = tpu.memref_slice %arg10[%add3A_9, %dma_start3A_76] : memref<10112x128xf32, #tpu.memory_space<vmem_shared>> -> memref<80x128xf32, #tpu.memory_space<vmem_shared>>
      %dma_start3A_78 = arith.constant 0 : i32
      %dma_start3A_79 = tpu.memref_slice %arg10[%add3A_9, %dma_start3A_78] : memref<10112x128xf32, #tpu.memory_space<vmem_shared>> -> memref<80x128xf32, #tpu.memory_space<vmem_shared>>
      tpu.enqueue_dma source(%arg9 : memref<80x128xf32, #tpu.memory_space<vmem>>) target(%dma_start3A_79 : memref<80x128xf32, #tpu.memory_space<vmem_shared>>) target_semaphore(%run_scoped3A : memref<!tpu.dma_semaphore, #tpu.memory_space<semaphore_mem>>)
      %dma_wait3A_80 = arith.constant 0 : i32
      %dma_wait3A_81 = tpu.memref_slice %arg10[%add3A_9, %dma_wait3A_80] : memref<10112x128xf32, #tpu.memory_space<vmem_shared>> -> memref<80x128xf32, #tpu.memory_space<vmem_shared>>
      %dma_wait3A_82 = arith.constant 0 : i32
      %dma_wait3A_83 = tpu.memref_slice %arg10[%add3A_9, %dma_wait3A_82] : memref<10112x128xf32, #tpu.memory_space<vmem_shared>> -> memref<80x128xf32, #tpu.memory_space<vmem_shared>>
      tpu.wait_dma2 semaphore(%run_scoped3A : memref<!tpu.dma_semaphore, #tpu.memory_space<semaphore_mem>>) src(%arg9 : memref<80x128xf32, #tpu.memory_space<vmem>>) dst(%dma_wait3A_83 : memref<80x128xf32, #tpu.memory_space<vmem_shared>>)
      tpu.yield
    }) : () -> ()
    %mul3A_10 = arith.constant 632 : i32
    %mul3A_11 = arith.muli %arg1, %mul3A_10 : i32
    %add3A_12 = arith.constant 80 : i32
    %add3A_13 = arith.addi %mul3A_11, %add3A_12 : i32
    "tpu.region"() ({
      %run_scoped3A = tpu.sem_alloc : memref<!tpu.dma_semaphore, #tpu.memory_space<semaphore_mem>>
      %dma_start3A_76 = arith.constant 0 : i32
      %dma_start3A_77 = tpu.memref_slice %arg10[%add3A_13, %dma_start3A_76] : memref<10112x128xf32, #tpu.memory_space<vmem_shared>> -> memref<80x128xf32, #tpu.memory_space<vmem_shared>>
      %dma_start3A_78 = arith.constant 0 : i32
      %dma_start3A_79 = tpu.memref_slice %arg10[%add3A_13, %dma_start3A_78] : memref<10112x128xf32, #tpu.memory_space<vmem_shared>> -> memref<80x128xf32, #tpu.memory_space<vmem_shared>>
      tpu.enqueue_dma source(%arg9 : memref<80x128xf32, #tpu.memory_space<vmem>>) target(%dma_start3A_79 : memref<80x128xf32, #tpu.memory_space<vmem_shared>>) target_semaphore(%run_scoped3A : memref<!tpu.dma_semaphore, #tpu.memory_space<semaphore_mem>>)
      %dma_wait3A_80 = arith.constant 0 : i32
      %dma_wait3A_81 = tpu.memref_slice %arg10[%add3A_13, %dma_wait3A_80] : memref<10112x128xf32, #tpu.memory_space<vmem_shared>> -> memref<80x128xf32, #tpu.memory_space<vmem_shared>>
      %dma_wait3A_82 = arith.constant 0 : i32
      %dma_wait3A_83 = tpu.memref_slice %arg10[%add3A_13, %dma_wait3A_82] : memref<10112x128xf32, #tpu.memory_space<vmem_shared>> -> memref<80x128xf32, #tpu.memory_space<vmem_shared>>
      tpu.wait_dma2 semaphore(%run_scoped3A : memref<!tpu.dma_semaphore, #tpu.memory_space<semaphore_mem>>) src(%arg9 : memref<80x128xf32, #tpu.memory_space<vmem>>) dst(%dma_wait3A_83 : memref<80x128xf32, #tpu.memory_space<vmem_shared>>)
      tpu.yield
    }) : () -> ()
    %mul3A_14 = arith.constant 632 : i32
    %mul3A_15 = arith.muli %arg1, %mul3A_14 : i32
    %add3A_16 = arith.constant 160 : i32
    %add3A_17 = arith.addi %mul3A_15, %add3A_16 : i32
    "tpu.region"() ({
      %run_scoped3A = tpu.sem_alloc : memref<!tpu.dma_semaphore, #tpu.memory_space<semaphore_mem>>
      %dma_start3A_76 = arith.constant 0 : i32
      %dma_start3A_77 = tpu.memref_slice %arg10[%add3A_17, %dma_start3A_76] : memref<10112x128xf32, #tpu.memory_space<vmem_shared>> -> memref<80x128xf32, #tpu.memory_space<vmem_shared>>
      %dma_start3A_78 = arith.constant 0 : i32
      %dma_start3A_79 = tpu.memref_slice %arg10[%add3A_17, %dma_start3A_78] : memref<10112x128xf32, #tpu.memory_space<vmem_shared>> -> memref<80x128xf32, #tpu.memory_space<vmem_shared>>
      tpu.enqueue_dma source(%arg9 : memref<80x128xf32, #tpu.memory_space<vmem>>) target(%dma_start3A_79 : memref<80x128xf32, #tpu.memory_space<vmem_shared>>) target_semaphore(%run_scoped3A : memref<!tpu.dma_semaphore, #tpu.memory_space<semaphore_mem>>)
      %dma_wait3A_80 = arith.constant 0 : i32
      %dma_wait3A_81 = tpu.memref_slice %arg10[%add3A_17, %dma_wait3A_80] : memref<10112x128xf32, #tpu.memory_space<vmem_shared>> -> memref<80x128xf32, #tpu.memory_space<vmem_shared>>
      %dma_wait3A_82 = arith.constant 0 : i32
      %dma_wait3A_83 = tpu.memref_slice %arg10[%add3A_17, %dma_wait3A_82] : memref<10112x128xf32, #tpu.memory_space<vmem_shared>> -> memref<80x128xf32, #tpu.memory_space<vmem_shared>>
      tpu.wait_dma2 semaphore(%run_scoped3A : memref<!tpu.dma_semaphore, #tpu.memory_space<semaphore_mem>>) src(%arg9 : memref<80x128xf32, #tpu.memory_space<vmem>>) dst(%dma_wait3A_83 : memref<80x128xf32, #tpu.memory_space<vmem_shared>>)
      tpu.yield
    }) : () -> ()
    %mul3A_18 = arith.constant 632 : i32
    %mul3A_19 = arith.muli %arg1, %mul3A_18 : i32
    %add3A_20 = arith.constant 240 : i32
    %add3A_21 = arith.addi %mul3A_19, %add3A_20 : i32
    "tpu.region"() ({
      %run_scoped3A = tpu.sem_alloc : memref<!tpu.dma_semaphore, #tpu.memory_space<semaphore_mem>>
      %dma_start3A_76 = arith.constant 0 : i32
      %dma_start3A_77 = tpu.memref_slice %arg10[%add3A_21, %dma_start3A_76] : memref<10112x128xf32, #tpu.memory_space<vmem_shared>> -> memref<80x128xf32, #tpu.memory_space<vmem_shared>>
      %dma_start3A_78 = arith.constant 0 : i32
      %dma_start3A_79 = tpu.memref_slice %arg10[%add3A_21, %dma_start3A_78] : memref<10112x128xf32, #tpu.memory_space<vmem_shared>> -> memref<80x128xf32, #tpu.memory_space<vmem_shared>>
      tpu.enqueue_dma source(%arg9 : memref<80x128xf32, #tpu.memory_space<vmem>>) target(%dma_start3A_79 : memref<80x128xf32, #tpu.memory_space<vmem_shared>>) target_semaphore(%run_scoped3A : memref<!tpu.dma_semaphore, #tpu.memory_space<semaphore_mem>>)
      %dma_wait3A_80 = arith.constant 0 : i32
      %dma_wait3A_81 = tpu.memref_slice %arg10[%add3A_21, %dma_wait3A_80] : memref<10112x128xf32, #tpu.memory_space<vmem_shared>> -> memref<80x128xf32, #tpu.memory_space<vmem_shared>>
      %dma_wait3A_82 = arith.constant 0 : i32
      %dma_wait3A_83 = tpu.memref_slice %arg10[%add3A_21, %dma_wait3A_82] : memref<10112x128xf32, #tpu.memory_space<vmem_shared>> -> memref<80x128xf32, #tpu.memory_space<vmem_shared>>
      tpu.wait_dma2 semaphore(%run_scoped3A : memref<!tpu.dma_semaphore, #tpu.memory_space<semaphore_mem>>) src(%arg9 : memref<80x128xf32, #tpu.memory_space<vmem>>) dst(%dma_wait3A_83 : memref<80x128xf32, #tpu.memory_space<vmem_shared>>)
      tpu.yield
    }) : () -> ()
    %mul3A_22 = arith.constant 632 : i32
    %mul3A_23 = arith.muli %arg1, %mul3A_22 : i32
    %add3A_24 = arith.constant 320 : i32
    %add3A_25 = arith.addi %mul3A_23, %add3A_24 : i32
    "tpu.region"() ({
      %run_scoped3A = tpu.sem_alloc : memref<!tpu.dma_semaphore, #tpu.memory_space<semaphore_mem>>
      %dma_start3A_76 = arith.constant 0 : i32
      %dma_start3A_77 = tpu.memref_slice %arg10[%add3A_25, %dma_start3A_76] : memref<10112x128xf32, #tpu.memory_space<vmem_shared>> -> memref<80x128xf32, #tpu.memory_space<vmem_shared>>
      %dma_start3A_78 = arith.constant 0 : i32
      %dma_start3A_79 = tpu.memref_slice %arg10[%add3A_25, %dma_start3A_78] : memref<10112x128xf32, #tpu.memory_space<vmem_shared>> -> memref<80x128xf32, #tpu.memory_space<vmem_shared>>
      tpu.enqueue_dma source(%arg9 : memref<80x128xf32, #tpu.memory_space<vmem>>) target(%dma_start3A_79 : memref<80x128xf32, #tpu.memory_space<vmem_shared>>) target_semaphore(%run_scoped3A : memref<!tpu.dma_semaphore, #tpu.memory_space<semaphore_mem>>)
      %dma_wait3A_80 = arith.constant 0 : i32
      %dma_wait3A_81 = tpu.memref_slice %arg10[%add3A_25, %dma_wait3A_80] : memref<10112x128xf32, #tpu.memory_space<vmem_shared>> -> memref<80x128xf32, #tpu.memory_space<vmem_shared>>
      %dma_wait3A_82 = arith.constant 0 : i32
      %dma_wait3A_83 = tpu.memref_slice %arg10[%add3A_25, %dma_wait3A_82] : memref<10112x128xf32, #tpu.memory_space<vmem_shared>> -> memref<80x128xf32, #tpu.memory_space<vmem_shared>>
      tpu.wait_dma2 semaphore(%run_scoped3A : memref<!tpu.dma_semaphore, #tpu.memory_space<semaphore_mem>>) src(%arg9 : memref<80x128xf32, #tpu.memory_space<vmem>>) dst(%dma_wait3A_83 : memref<80x128xf32, #tpu.memory_space<vmem_shared>>)
      tpu.yield
    }) : () -> ()
    %mul3A_26 = arith.constant 632 : i32
    %mul3A_27 = arith.muli %arg1, %mul3A_26 : i32
    %add3A_28 = arith.constant 400 : i32
    %add3A_29 = arith.addi %mul3A_27, %add3A_28 : i32
    "tpu.region"() ({
      %run_scoped3A = tpu.sem_alloc : memref<!tpu.dma_semaphore, #tpu.memory_space<semaphore_mem>>
      %dma_start3A_76 = arith.constant 0 : i32
      %dma_start3A_77 = tpu.memref_slice %arg10[%add3A_29, %dma_start3A_76] : memref<10112x128xf32, #tpu.memory_space<vmem_shared>> -> memref<80x128xf32, #tpu.memory_space<vmem_shared>>
      %dma_start3A_78 = arith.constant 0 : i32
      %dma_start3A_79 = tpu.memref_slice %arg10[%add3A_29, %dma_start3A_78] : memref<10112x128xf32, #tpu.memory_space<vmem_shared>> -> memref<80x128xf32, #tpu.memory_space<vmem_shared>>
      tpu.enqueue_dma source(%arg9 : memref<80x128xf32, #tpu.memory_space<vmem>>) target(%dma_start3A_79 : memref<80x128xf32, #tpu.memory_space<vmem_shared>>) target_semaphore(%run_scoped3A : memref<!tpu.dma_semaphore, #tpu.memory_space<semaphore_mem>>)
      %dma_wait3A_80 = arith.constant 0 : i32
      %dma_wait3A_81 = tpu.memref_slice %arg10[%add3A_29, %dma_wait3A_80] : memref<10112x128xf32, #tpu.memory_space<vmem_shared>> -> memref<80x128xf32, #tpu.memory_space<vmem_shared>>
      %dma_wait3A_82 = arith.constant 0 : i32
      %dma_wait3A_83 = tpu.memref_slice %arg10[%add3A_29, %dma_wait3A_82] : memref<10112x128xf32, #tpu.memory_space<vmem_shared>> -> memref<80x128xf32, #tpu.memory_space<vmem_shared>>
      tpu.wait_dma2 semaphore(%run_scoped3A : memref<!tpu.dma_semaphore, #tpu.memory_space<semaphore_mem>>) src(%arg9 : memref<80x128xf32, #tpu.memory_space<vmem>>) dst(%dma_wait3A_83 : memref<80x128xf32, #tpu.memory_space<vmem_shared>>)
      tpu.yield
    }) : () -> ()
    %mul3A_30 = arith.constant 632 : i32
    %mul3A_31 = arith.muli %arg1, %mul3A_30 : i32
    %add3A_32 = arith.constant 480 : i32
    %add3A_33 = arith.addi %mul3A_31, %add3A_32 : i32
    "tpu.region"() ({
      %run_scoped3A = tpu.sem_alloc : memref<!tpu.dma_semaphore, #tpu.memory_space<semaphore_mem>>
      %dma_start3A_76 = arith.constant 0 : i32
      %dma_start3A_77 = tpu.memref_slice %arg10[%add3A_33, %dma_start3A_76] : memref<10112x128xf32, #tpu.memory_space<vmem_shared>> -> memref<80x128xf32, #tpu.memory_space<vmem_shared>>
      %dma_start3A_78 = arith.constant 0 : i32
      %dma_start3A_79 = tpu.memref_slice %arg10[%add3A_33, %dma_start3A_78] : memref<10112x128xf32, #tpu.memory_space<vmem_shared>> -> memref<80x128xf32, #tpu.memory_space<vmem_shared>>
      tpu.enqueue_dma source(%arg9 : memref<80x128xf32, #tpu.memory_space<vmem>>) target(%dma_start3A_79 : memref<80x128xf32, #tpu.memory_space<vmem_shared>>) target_semaphore(%run_scoped3A : memref<!tpu.dma_semaphore, #tpu.memory_space<semaphore_mem>>)
      %dma_wait3A_80 = arith.constant 0 : i32
      %dma_wait3A_81 = tpu.memref_slice %arg10[%add3A_33, %dma_wait3A_80] : memref<10112x128xf32, #tpu.memory_space<vmem_shared>> -> memref<80x128xf32, #tpu.memory_space<vmem_shared>>
      %dma_wait3A_82 = arith.constant 0 : i32
      %dma_wait3A_83 = tpu.memref_slice %arg10[%add3A_33, %dma_wait3A_82] : memref<10112x128xf32, #tpu.memory_space<vmem_shared>> -> memref<80x128xf32, #tpu.memory_space<vmem_shared>>
      tpu.wait_dma2 semaphore(%run_scoped3A : memref<!tpu.dma_semaphore, #tpu.memory_space<semaphore_mem>>) src(%arg9 : memref<80x128xf32, #tpu.memory_space<vmem>>) dst(%dma_wait3A_83 : memref<80x128xf32, #tpu.memory_space<vmem_shared>>)
      tpu.yield
    }) : () -> ()
    %mul3A_34 = arith.constant 632 : i32
    %mul3A_35 = arith.muli %arg1, %mul3A_34 : i32
    %add3A_36 = arith.constant 560 : i32
    %add3A_37 = arith.addi %mul3A_35, %add3A_36 : i32
    "tpu.region"() ({
      %run_scoped3A = tpu.sem_alloc : memref<!tpu.dma_semaphore, #tpu.memory_space<semaphore_mem>>
      %dma_start3A_76 = arith.constant 0 : i32
      %dma_start3A_77 = arith.constant 0 : i32
      %dma_start3A_78 = tpu.memref_slice %arg9[%dma_start3A_76, %dma_start3A_77] : memref<80x128xf32, #tpu.memory_space<vmem>> -> memref<72x128xf32, #tpu.memory_space<vmem>>
      %dma_start3A_79 = arith.constant 0 : i32
      %dma_start3A_80 = tpu.memref_slice %arg10[%add3A_37, %dma_start3A_79] : memref<10112x128xf32, #tpu.memory_space<vmem_shared>> -> memref<72x128xf32, #tpu.memory_space<vmem_shared>>
      %dma_start3A_81 = arith.constant 0 : i32
      %dma_start3A_82 = tpu.memref_slice %arg10[%add3A_37, %dma_start3A_81] : memref<10112x128xf32, #tpu.memory_space<vmem_shared>> -> memref<72x128xf32, #tpu.memory_space<vmem_shared>>
      %dma_start3A_83 = arith.constant 0 : i32
      %dma_start3A_84 = arith.constant 0 : i32
      %dma_start3A_85 = tpu.memref_slice %arg9[%dma_start3A_83, %dma_start3A_84] : memref<80x128xf32, #tpu.memory_space<vmem>> -> memref<72x128xf32, #tpu.memory_space<vmem>>
      tpu.enqueue_dma source(%dma_start3A_85 : memref<72x128xf32, #tpu.memory_space<vmem>>) target(%dma_start3A_82 : memref<72x128xf32, #tpu.memory_space<vmem_shared>>) target_semaphore(%run_scoped3A : memref<!tpu.dma_semaphore, #tpu.memory_space<semaphore_mem>>)
      %dma_wait3A_86 = arith.constant 0 : i32
      %dma_wait3A_87 = arith.constant 0 : i32
      %dma_wait3A_88 = tpu.memref_slice %arg9[%dma_wait3A_86, %dma_wait3A_87] : memref<80x128xf32, #tpu.memory_space<vmem>> -> memref<72x128xf32, #tpu.memory_space<vmem>>
      %dma_wait3A_89 = arith.constant 0 : i32
      %dma_wait3A_90 = tpu.memref_slice %arg10[%add3A_37, %dma_wait3A_89] : memref<10112x128xf32, #tpu.memory_space<vmem_shared>> -> memref<72x128xf32, #tpu.memory_space<vmem_shared>>
      %dma_wait3A_91 = arith.constant 0 : i32
      %dma_wait3A_92 = tpu.memref_slice %arg10[%add3A_37, %dma_wait3A_91] : memref<10112x128xf32, #tpu.memory_space<vmem_shared>> -> memref<72x128xf32, #tpu.memory_space<vmem_shared>>
      %dma_wait3A_93 = arith.constant 0 : i32
      %dma_wait3A_94 = arith.constant 0 : i32
      %dma_wait3A_95 = tpu.memref_slice %arg9[%dma_wait3A_93, %dma_wait3A_94] : memref<80x128xf32, #tpu.memory_space<vmem>> -> memref<72x128xf32, #tpu.memory_space<vmem>>
      tpu.wait_dma2 semaphore(%run_scoped3A : memref<!tpu.dma_semaphore, #tpu.memory_space<semaphore_mem>>) src(%dma_wait3A_95 : memref<72x128xf32, #tpu.memory_space<vmem>>) dst(%dma_wait3A_92 : memref<72x128xf32, #tpu.memory_space<vmem_shared>>)
      tpu.yield
    }) : () -> ()
    %barrier3A = arith.constant 0 : index
    tpu.barrier barrier_id(%barrier3A)
    %dma_start3A = arith.constant 0 : i32
    %dma_start3A_38 = tpu.memref_slice %arg6[%dma_start3A] : memref<10000xi32, #tpu.memory_space<vmem>> -> memref<80xi32, #tpu.memory_space<vmem>>
    %dma_start3A_39 = arith.constant 0 : i32
    %dma_start3A_40 = arith.constant 0 : i32
    %dma_start3A_41 = tpu.memref_slice %arg2[%dma_start3A_39, %dma_start3A_40] : memref<10000x128xf32, #tpu.memory_space<hbm>> -> memref<10000x128xf32, #tpu.memory_space<hbm>>
    tpu.enqueue_indirect_dma source(%dma_start3A_41 : memref<10000x128xf32, #tpu.memory_space<hbm>>) target(%arg8 : memref<80x128xf32, #tpu.memory_space<vmem>>) offsets(%dma_start3A_38 : memref<80xi32, #tpu.memory_space<vmem>>) semaphore(%arg11 : memref<!tpu.dma_semaphore, #tpu.memory_space<semaphore_mem>>)
    %dma_start3A_42 = arith.constant 80 : i32
    %dma_start3A_43 = tpu.memref_slice %arg6[%dma_start3A_42] : memref<10000xi32, #tpu.memory_space<vmem>> -> memref<80xi32, #tpu.memory_space<vmem>>
    %dma_start3A_44 = arith.constant 0 : i32
    %dma_start3A_45 = arith.constant 0 : i32
    %dma_start3A_46 = tpu.memref_slice %arg2[%dma_start3A_44, %dma_start3A_45] : memref<10000x128xf32, #tpu.memory_space<hbm>> -> memref<10000x128xf32, #tpu.memory_space<hbm>>
    tpu.enqueue_indirect_dma source(%dma_start3A_46 : memref<10000x128xf32, #tpu.memory_space<hbm>>) target(%arg9 : memref<80x128xf32, #tpu.memory_space<vmem>>) offsets(%dma_start3A_43 : memref<80xi32, #tpu.memory_space<vmem>>) semaphore(%arg12 : memref<!tpu.dma_semaphore, #tpu.memory_space<semaphore_mem>>)
    %scan3A_47 = arith.constant 0 : i32
    %scan3A_48 = arith.constant 0 : i32
    %scan3A_49 = arith.constant 62 : i32
    %scan3A_50 = arith.addi %scan3A_48, %scan3A_49 : i32
    %scan3A_51 = arith.constant 1 : i32
    scf.for %scan3A_76 = %scan3A_48 to %scan3A_50 step %scan3A_51  : i32 {
      %mul3A_77 = arith.constant 2 : i32
      %mul3A_78 = arith.muli %mul3A_77, %scan3A_76 : i32
      %add3A_79 = arith.constant 1 : i32
      %add3A_80 = arith.addi %mul3A_78, %add3A_79 : i32
      %mul3A_81 = arith.constant 80 : i32
      %mul3A_82 = arith.muli %mul3A_78, %mul3A_81 : i32
      %dma_wait3A_83 = tpu.memref_slice %arg6[%mul3A_82] : memref<10000xi32, #tpu.memory_space<vmem>> -> memref<80xi32, #tpu.memory_space<vmem>>
      %dma_wait3A_84 = arith.constant 0 : i32
      %dma_wait3A_85 = arith.constant 0 : i32
      %dma_wait3A_86 = tpu.memref_slice %arg2[%dma_wait3A_84, %dma_wait3A_85] : memref<10000x128xf32, #tpu.memory_space<hbm>> -> memref<10000x128xf32, #tpu.memory_space<hbm>>
      tpu.wait_indirect_dma semaphore(%arg11 : memref<!tpu.dma_semaphore, #tpu.memory_space<semaphore_mem>>) src(%dma_wait3A_86 : memref<10000x128xf32, #tpu.memory_space<hbm>>) dst(%arg8 : memref<80x128xf32, #tpu.memory_space<vmem>>)
      %dma_start3A_87 = arith.constant 0 : i32
      %dma_start3A_88 = tpu.memref_slice %arg7[%mul3A_78, %dma_start3A_87] : memref<125x80xi32, #tpu.memory_space<vmem>> -> memref<1x80xi32, #tpu.memory_space<vmem>>
      %dma_start3A_89 = tpu.memref_squeeze %dma_start3A_88 : memref<1x80xi32, #tpu.memory_space<vmem>> -> memref<80xi32, #tpu.memory_space<vmem>>
      %dma_start3A_90 = arith.constant 0 : i32
      %dma_start3A_91 = arith.constant 0 : i32
      %dma_start3A_92 = tpu.memref_slice %arg10[%dma_start3A_90, %dma_start3A_91] : memref<10112x128xf32, #tpu.memory_space<vmem_shared>> -> memref<10112x128xf32, #tpu.memory_space<vmem_shared>>
      tpu.enqueue_indirect_dma source(%arg8 : memref<80x128xf32, #tpu.memory_space<vmem>>) target(%dma_start3A_92 : memref<10112x128xf32, #tpu.memory_space<vmem_shared>>) offsets(%dma_start3A_89 : memref<80xi32, #tpu.memory_space<vmem>>) semaphore(%arg13 : memref<!tpu.dma_semaphore, #tpu.memory_space<semaphore_mem>>) {add = true}
      %mul3A_93 = arith.constant 80 : i32
      %mul3A_94 = arith.muli %add3A_80, %mul3A_93 : i32
      %dma_wait3A_95 = tpu.memref_slice %arg6[%mul3A_94] : memref<10000xi32, #tpu.memory_space<vmem>> -> memref<80xi32, #tpu.memory_space<vmem>>
      %dma_wait3A_96 = arith.constant 0 : i32
      %dma_wait3A_97 = arith.constant 0 : i32
      %dma_wait3A_98 = tpu.memref_slice %arg2[%dma_wait3A_96, %dma_wait3A_97] : memref<10000x128xf32, #tpu.memory_space<hbm>> -> memref<10000x128xf32, #tpu.memory_space<hbm>>
      tpu.wait_indirect_dma semaphore(%arg12 : memref<!tpu.dma_semaphore, #tpu.memory_space<semaphore_mem>>) src(%dma_wait3A_98 : memref<10000x128xf32, #tpu.memory_space<hbm>>) dst(%arg9 : memref<80x128xf32, #tpu.memory_space<vmem>>)
      %dma_wait3A_99 = arith.constant 0 : i32
      %dma_wait3A_100 = tpu.memref_slice %arg7[%mul3A_78, %dma_wait3A_99] : memref<125x80xi32, #tpu.memory_space<vmem>> -> memref<1x80xi32, #tpu.memory_space<vmem>>
      %dma_wait3A_101 = tpu.memref_squeeze %dma_wait3A_100 : memref<1x80xi32, #tpu.memory_space<vmem>> -> memref<80xi32, #tpu.memory_space<vmem>>
      %dma_wait3A_102 = arith.constant 0 : i32
      %dma_wait3A_103 = arith.constant 0 : i32
      %dma_wait3A_104 = tpu.memref_slice %arg10[%dma_wait3A_102, %dma_wait3A_103] : memref<10112x128xf32, #tpu.memory_space<vmem_shared>> -> memref<10112x128xf32, #tpu.memory_space<vmem_shared>>
      tpu.wait_indirect_dma semaphore(%arg13 : memref<!tpu.dma_semaphore, #tpu.memory_space<semaphore_mem>>) src(%arg8 : memref<80x128xf32, #tpu.memory_space<vmem>>) dst(%dma_wait3A_104 : memref<10112x128xf32, #tpu.memory_space<vmem_shared>>)
      %add3A_105 = arith.constant 2 : i32
      %add3A_106 = arith.addi %mul3A_78, %add3A_105 : i32
      %lt3A = arith.constant 125 : i32
      %lt3A_107 = arith.cmpi slt, %add3A_106, %lt3A : i32
      %convert_element_type3A = arith.extui %lt3A_107 : i1 to i32
      %cond3A = arith.constant 0 : i32
      %cond3A_108 = arith.cmpi ne, %convert_element_type3A, %cond3A : i32
      scf.if %cond3A_108 {
        %add3A_128 = arith.constant 2 : i32
        %add3A_129 = arith.addi %mul3A_78, %add3A_128 : i32
        %mul3A_130 = arith.constant 80 : i32
        %mul3A_131 = arith.muli %add3A_129, %mul3A_130 : i32
        %dma_start3A_132 = tpu.memref_slice %arg6[%mul3A_131] : memref<10000xi32, #tpu.memory_space<vmem>> -> memref<80xi32, #tpu.memory_space<vmem>>
        %dma_start3A_133 = arith.constant 0 : i32
        %dma_start3A_134 = arith.constant 0 : i32
        %dma_start3A_135 = tpu.memref_slice %arg2[%dma_start3A_133, %dma_start3A_134] : memref<10000x128xf32, #tpu.memory_space<hbm>> -> memref<10000x128xf32, #tpu.memory_space<hbm>>
        tpu.enqueue_indirect_dma source(%dma_start3A_135 : memref<10000x128xf32, #tpu.memory_space<hbm>>) target(%arg8 : memref<80x128xf32, #tpu.memory_space<vmem>>) offsets(%dma_start3A_132 : memref<80xi32, #tpu.memory_space<vmem>>) semaphore(%arg11 : memref<!tpu.dma_semaphore, #tpu.memory_space<semaphore_mem>>)
      } else {
      }
      %dma_start3A_109 = arith.constant 0 : i32
      %dma_start3A_110 = tpu.memref_slice %arg7[%add3A_80, %dma_start3A_109] : memref<125x80xi32, #tpu.memory_space<vmem>> -> memref<1x80xi32, #tpu.memory_space<vmem>>
      %dma_start3A_111 = tpu.memref_squeeze %dma_start3A_110 : memref<1x80xi32, #tpu.memory_space<vmem>> -> memref<80xi32, #tpu.memory_space<vmem>>
      %dma_start3A_112 = arith.constant 0 : i32
      %dma_start3A_113 = arith.constant 0 : i32
      %dma_start3A_114 = tpu.memref_slice %arg10[%dma_start3A_112, %dma_start3A_113] : memref<10112x128xf32, #tpu.memory_space<vmem_shared>> -> memref<10112x128xf32, #tpu.memory_space<vmem_shared>>
      tpu.enqueue_indirect_dma source(%arg9 : memref<80x128xf32, #tpu.memory_space<vmem>>) target(%dma_start3A_114 : memref<10112x128xf32, #tpu.memory_space<vmem_shared>>) offsets(%dma_start3A_111 : memref<80xi32, #tpu.memory_space<vmem>>) semaphore(%arg14 : memref<!tpu.dma_semaphore, #tpu.memory_space<semaphore_mem>>) {add = true}
      %dma_wait3A_115 = arith.constant 0 : i32
      %dma_wait3A_116 = tpu.memref_slice %arg7[%add3A_80, %dma_wait3A_115] : memref<125x80xi32, #tpu.memory_space<vmem>> -> memref<1x80xi32, #tpu.memory_space<vmem>>
      %dma_wait3A_117 = tpu.memref_squeeze %dma_wait3A_116 : memref<1x80xi32, #tpu.memory_space<vmem>> -> memref<80xi32, #tpu.memory_space<vmem>>
      %dma_wait3A_118 = arith.constant 0 : i32
      %dma_wait3A_119 = arith.constant 0 : i32
      %dma_wait3A_120 = tpu.memref_slice %arg10[%dma_wait3A_118, %dma_wait3A_119] : memref<10112x128xf32, #tpu.memory_space<vmem_shared>> -> memref<10112x128xf32, #tpu.memory_space<vmem_shared>>
      tpu.wait_indirect_dma semaphore(%arg14 : memref<!tpu.dma_semaphore, #tpu.memory_space<semaphore_mem>>) src(%arg9 : memref<80x128xf32, #tpu.memory_space<vmem>>) dst(%dma_wait3A_120 : memref<10112x128xf32, #tpu.memory_space<vmem_shared>>)
      %add3A_121 = arith.constant 2 : i32
      %add3A_122 = arith.addi %add3A_80, %add3A_121 : i32
      %lt3A_123 = arith.constant 125 : i32
      %lt3A_124 = arith.cmpi slt, %add3A_122, %lt3A_123 : i32
      %convert_element_type3A_125 = arith.extui %lt3A_124 : i1 to i32
      %cond3A_126 = arith.constant 0 : i32
      %cond3A_127 = arith.cmpi ne, %convert_element_type3A_125, %cond3A_126 : i32
      scf.if %cond3A_127 {
        %add3A_128 = arith.constant 2 : i32
        %add3A_129 = arith.addi %add3A_80, %add3A_128 : i32
        %mul3A_130 = arith.constant 80 : i32
        %mul3A_131 = arith.muli %add3A_129, %mul3A_130 : i32
        %dma_start3A_132 = tpu.memref_slice %arg6[%mul3A_131] : memref<10000xi32, #tpu.memory_space<vmem>> -> memref<80xi32, #tpu.memory_space<vmem>>
        %dma_start3A_133 = arith.constant 0 : i32
        %dma_start3A_134 = arith.constant 0 : i32
        %dma_start3A_135 = tpu.memref_slice %arg2[%dma_start3A_133, %dma_start3A_134] : memref<10000x128xf32, #tpu.memory_space<hbm>> -> memref<10000x128xf32, #tpu.memory_space<hbm>>
        tpu.enqueue_indirect_dma source(%dma_start3A_135 : memref<10000x128xf32, #tpu.memory_space<hbm>>) target(%arg9 : memref<80x128xf32, #tpu.memory_space<vmem>>) offsets(%dma_start3A_132 : memref<80xi32, #tpu.memory_space<vmem>>) semaphore(%arg12 : memref<!tpu.dma_semaphore, #tpu.memory_space<semaphore_mem>>)
      } else {
      }
    }
    %scan3A_52 = arith.constant 62 : i32
    %dma_wait3A = arith.constant 9920 : i32
    %dma_wait3A_53 = tpu.memref_slice %arg6[%dma_wait3A] : memref<10000xi32, #tpu.memory_space<vmem>> -> memref<80xi32, #tpu.memory_space<vmem>>
    %dma_wait3A_54 = arith.constant 0 : i32
    %dma_wait3A_55 = arith.constant 0 : i32
    %dma_wait3A_56 = tpu.memref_slice %arg2[%dma_wait3A_54, %dma_wait3A_55] : memref<10000x128xf32, #tpu.memory_space<hbm>> -> memref<10000x128xf32, #tpu.memory_space<hbm>>
    tpu.wait_indirect_dma semaphore(%arg11 : memref<!tpu.dma_semaphore, #tpu.memory_space<semaphore_mem>>) src(%dma_wait3A_56 : memref<10000x128xf32, #tpu.memory_space<hbm>>) dst(%arg8 : memref<80x128xf32, #tpu.memory_space<vmem>>)
    %dma_start3A_57 = arith.constant 124 : i32
    %dma_start3A_58 = arith.constant 0 : i32
    %dma_start3A_59 = tpu.memref_slice %arg7[%dma_start3A_57, %dma_start3A_58] : memref<125x80xi32, #tpu.memory_space<vmem>> -> memref<1x80xi32, #tpu.memory_space<vmem>>
    %dma_start3A_60 = tpu.memref_squeeze %dma_start3A_59 : memref<1x80xi32, #tpu.memory_space<vmem>> -> memref<80xi32, #tpu.memory_space<vmem>>
    %dma_start3A_61 = arith.constant 0 : i32
    %dma_start3A_62 = arith.constant 0 : i32
    %dma_start3A_63 = tpu.memref_slice %arg10[%dma_start3A_61, %dma_start3A_62] : memref<10112x128xf32, #tpu.memory_space<vmem_shared>> -> memref<10112x128xf32, #tpu.memory_space<vmem_shared>>
    tpu.enqueue_indirect_dma source(%arg8 : memref<80x128xf32, #tpu.memory_space<vmem>>) target(%dma_start3A_63 : memref<10112x128xf32, #tpu.memory_space<vmem_shared>>) offsets(%dma_start3A_60 : memref<80xi32, #tpu.memory_space<vmem>>) semaphore(%arg13 : memref<!tpu.dma_semaphore, #tpu.memory_space<semaphore_mem>>) {add = true}
    %dma_wait3A_64 = arith.constant 124 : i32
    %dma_wait3A_65 = arith.constant 0 : i32
    %dma_wait3A_66 = tpu.memref_slice %arg7[%dma_wait3A_64, %dma_wait3A_65] : memref<125x80xi32, #tpu.memory_space<vmem>> -> memref<1x80xi32, #tpu.memory_space<vmem>>
    %dma_wait3A_67 = tpu.memref_squeeze %dma_wait3A_66 : memref<1x80xi32, #tpu.memory_space<vmem>> -> memref<80xi32, #tpu.memory_space<vmem>>
    %dma_wait3A_68 = arith.constant 0 : i32
    %dma_wait3A_69 = arith.constant 0 : i32
    %dma_wait3A_70 = tpu.memref_slice %arg10[%dma_wait3A_68, %dma_wait3A_69] : memref<10112x128xf32, #tpu.memory_space<vmem_shared>> -> memref<10112x128xf32, #tpu.memory_space<vmem_shared>>
    tpu.wait_indirect_dma semaphore(%arg13 : memref<!tpu.dma_semaphore, #tpu.memory_space<semaphore_mem>>) src(%arg8 : memref<80x128xf32, #tpu.memory_space<vmem>>) dst(%dma_wait3A_70 : memref<10112x128xf32, #tpu.memory_space<vmem_shared>>)
    %barrier3A_71 = arith.constant 0 : index
    tpu.barrier barrier_id(%barrier3A_71)
    %mul3A_72 = arith.constant 632 : i32
    %mul3A_73 = arith.muli %arg1, %mul3A_72 : i32
    %mul3A_74 = arith.constant 632 : i32
    %mul3A_75 = arith.muli %arg1, %mul3A_74 : i32
    "tpu.region"() ({
      %run_scoped3A = tpu.sem_alloc : memref<!tpu.dma_semaphore, #tpu.memory_space<semaphore_mem>>
      %dma_start3A_76 = arith.constant 0 : i32
      %dma_start3A_77 = tpu.memref_slice %arg5[%arg0, %mul3A_75, %dma_start3A_76] : memref<2x10112x128xf32, #tpu.memory_space<hbm>> -> memref<1x632x128xf32, #tpu.memory_space<hbm>>
      %dma_start3A_78 = tpu.memref_squeeze %dma_start3A_77 : memref<1x632x128xf32, #tpu.memory_space<hbm>> -> memref<632x128xf32, #tpu.memory_space<hbm>>
      %dma_start3A_79 = arith.constant 0 : i32
      %dma_start3A_80 = tpu.memref_slice %arg10[%mul3A_73, %dma_start3A_79] : memref<10112x128xf32, #tpu.memory_space<vmem_shared>> -> memref<632x128xf32, #tpu.memory_space<vmem_shared>>
      tpu.enqueue_dma source(%dma_start3A_80 : memref<632x128xf32, #tpu.memory_space<vmem_shared>>) target(%dma_start3A_78 : memref<632x128xf32, #tpu.memory_space<hbm>>) target_semaphore(%run_scoped3A : memref<!tpu.dma_semaphore, #tpu.memory_space<semaphore_mem>>)
      %dma_wait3A_81 = arith.constant 0 : i32
      %dma_wait3A_82 = tpu.memref_slice %arg5[%arg0, %mul3A_75, %dma_wait3A_81] : memref<2x10112x128xf32, #tpu.memory_space<hbm>> -> memref<1x632x128xf32, #tpu.memory_space<hbm>>
      %dma_wait3A_83 = tpu.memref_squeeze %dma_wait3A_82 : memref<1x632x128xf32, #tpu.memory_space<hbm>> -> memref<632x128xf32, #tpu.memory_space<hbm>>
      %dma_wait3A_84 = arith.constant 0 : i32
      %dma_wait3A_85 = tpu.memref_slice %arg10[%mul3A_73, %dma_wait3A_84] : memref<10112x128xf32, #tpu.memory_space<vmem_shared>> -> memref<632x128xf32, #tpu.memory_space<vmem_shared>>
      tpu.wait_dma2 semaphore(%run_scoped3A : memref<!tpu.dma_semaphore, #tpu.memory_space<semaphore_mem>>) src(%dma_wait3A_85 : memref<632x128xf32, #tpu.memory_space<vmem_shared>>) dst(%dma_wait3A_83 : memref<632x128xf32, #tpu.memory_space<hbm>>)
      tpu.yield
    }) : () -> ()
    return
  }
}

#map = affine_map<(d0, d1) -> (0, 0)>
#map1 = affine_map<(d0, d1) -> (0, 0, 0)>
module attributes {stable_mosaic.version = 14 : i64} {
  func.func @body(%arg0: i32, %arg1: i32, %arg2: memref<10000x128xf32, #tpu.memory_space<hbm>>, %arg3: memref<32x10000xi32, #tpu.memory_space<hbm>>, %arg4: memref<32x125x80xi32, #tpu.memory_space<hbm>>, %arg5: memref<2x10112x128xf32, #tpu.memory_space<hbm>>, %arg6: memref<10000xi32, #tpu.memory_space<vmem>>, %arg7: memref<125x80xi32, #tpu.memory_space<vmem>>, %arg8: memref<80x128xf32, #tpu.memory_space<vmem>>, %arg9: memref<80x128xf32, #tpu.memory_space<vmem>>, %arg10: memref<10112x128xf32, #tpu.memory_space<vmem_shared>>, %arg11: memref<!tpu.dma_semaphore, #tpu.memory_space<semaphore_mem>>, %arg12: memref<!tpu.dma_semaphore, #tpu.memory_space<semaphore_mem>>, %arg13: memref<!tpu.dma_semaphore, #tpu.memory_space<semaphore_mem>>, %arg14: memref<!tpu.dma_semaphore, #tpu.memory_space<semaphore_mem>>) attributes {dimension_semantics = [#tpu.dimension_semantics<core_parallel>, #tpu.dimension_semantics<subcore_parallel>], iteration_bounds = array<i64: 2, 16>, scalar_prefetch = 0 : i64, scratch_operands = 9 : i64, tpu.core_type = #tpu.core_type<sc_vector_subcore>, window_params = [{transform_indices = #map}, {transform_indices = #map}, {transform_indices = #map1}, {transform_indices = #map1}]} {
    %mul3A = arith.constant 2 : i32
    %mul3A_0 = arith.muli %arg1, %mul3A : i32
    %add3A = arith.addi %mul3A_0, %arg0 : i32
    "tpu.region"() ({
      %run_scoped3A = tpu.sem_alloc : memref<!tpu.dma_semaphore, #tpu.memory_space<semaphore_mem>>
      %dma_start3A_76 = arith.constant 0 : i32
      %dma_start3A_77 = tpu.memref_slice %arg3[%add3A, %dma_start3A_76] : memref<32x10000xi32, #tpu.memory_space<hbm>> -> memref<1x10000xi32, #tpu.memory_space<hbm>>
      %dma_start3A_78 = tpu.memref_squeeze %dma_start3A_77 : memref<1x10000xi32, #tpu.memory_space<hbm>> -> memref<10000xi32, #tpu.memory_space<hbm>>
      %dma_start3A_79 = arith.constant 0 : i32
      %dma_start3A_80 = tpu.memref_slice %arg3[%add3A, %dma_start3A_79] : memref<32x10000xi32, #tpu.memory_space<hbm>> -> memref<1x10000xi32, #tpu.memory_space<hbm>>
      %dma_start3A_81 = tpu.memref_squeeze %dma_start3A_80 : memref<1x10000xi32, #tpu.memory_space<hbm>> -> memref<10000xi32, #tpu.memory_space<hbm>>
      tpu.enqueue_dma source(%dma_start3A_81 : memref<10000xi32, #tpu.memory_space<hbm>>) target(%arg6 : memref<10000xi32, #tpu.memory_space<vmem>>) target_semaphore(%run_scoped3A : memref<!tpu.dma_semaphore, #tpu.memory_space<semaphore_mem>>)
      %dma_wait3A_82 = arith.constant 0 : i32
      %dma_wait3A_83 = tpu.memref_slice %arg3[%add3A, %dma_wait3A_82] : memref<32x10000xi32, #tpu.memory_space<hbm>> -> memref<1x10000xi32, #tpu.memory_space<hbm>>
      %dma_wait3A_84 = tpu.memref_squeeze %dma_wait3A_83 : memref<1x10000xi32, #tpu.memory_space<hbm>> -> memref<10000xi32, #tpu.memory_space<hbm>>
      %dma_wait3A_85 = arith.constant 0 : i32
      %dma_wait3A_86 = tpu.memref_slice %arg3[%add3A, %dma_wait3A_85] : memref<32x10000xi32, #tpu.memory_space<hbm>> -> memref<1x10000xi32, #tpu.memory_space<hbm>>
      %dma_wait3A_87 = tpu.memref_squeeze %dma_wait3A_86 : memref<1x10000xi32, #tpu.memory_space<hbm>> -> memref<10000xi32, #tpu.memory_space<hbm>>
      tpu.wait_dma2 semaphore(%run_scoped3A : memref<!tpu.dma_semaphore, #tpu.memory_space<semaphore_mem>>) src(%dma_wait3A_87 : memref<10000xi32, #tpu.memory_space<hbm>>) dst(%arg6 : memref<10000xi32, #tpu.memory_space<vmem>>)
      tpu.yield
    }) : () -> ()
    "tpu.region"() ({
      %run_scoped3A = tpu.sem_alloc : memref<!tpu.dma_semaphore, #tpu.memory_space<semaphore_mem>>
      %dma_start3A_76 = arith.constant 0 : i32
      %dma_start3A_77 = arith.constant 0 : i32
      %dma_start3A_78 = tpu.memref_slice %arg4[%add3A, %dma_start3A_76, %dma_start3A_77] : memref<32x125x80xi32, #tpu.memory_space<hbm>> -> memref<1x125x80xi32, #tpu.memory_space<hbm>>
      %dma_start3A_79 = tpu.memref_squeeze %dma_start3A_78 : memref<1x125x80xi32, #tpu.memory_space<hbm>> -> memref<125x80xi32, #tpu.memory_space<hbm>>
      %dma_start3A_80 = arith.constant 0 : i32
      %dma_start3A_81 = arith.constant 0 : i32
      %dma_start3A_82 = tpu.memref_slice %arg4[%add3A, %dma_start3A_80, %dma_start3A_81] : memref<32x125x80xi32, #tpu.memory_space<hbm>> -> memref<1x125x80xi32, #tpu.memory_space<hbm>>
      %dma_start3A_83 = tpu.memref_squeeze %dma_start3A_82 : memref<1x125x80xi32, #tpu.memory_space<hbm>> -> memref<125x80xi32, #tpu.memory_space<hbm>>
      tpu.enqueue_dma source(%dma_start3A_83 : memref<125x80xi32, #tpu.memory_space<hbm>>) target(%arg7 : memref<125x80xi32, #tpu.memory_space<vmem>>) target_semaphore(%run_scoped3A : memref<!tpu.dma_semaphore, #tpu.memory_space<semaphore_mem>>)
      %dma_wait3A_84 = arith.constant 0 : i32
      %dma_wait3A_85 = arith.constant 0 : i32
      %dma_wait3A_86 = tpu.memref_slice %arg4[%add3A, %dma_wait3A_84, %dma_wait3A_85] : memref<32x125x80xi32, #tpu.memory_space<hbm>> -> memref<1x125x80xi32, #tpu.memory_space<hbm>>
      %dma_wait3A_87 = tpu.memref_squeeze %dma_wait3A_86 : memref<1x125x80xi32, #tpu.memory_space<hbm>> -> memref<125x80xi32, #tpu.memory_space<hbm>>
      %dma_wait3A_88 = arith.constant 0 : i32
      %dma_wait3A_89 = arith.constant 0 : i32
      %dma_wait3A_90 = tpu.memref_slice %arg4[%add3A, %dma_wait3A_88, %dma_wait3A_89] : memref<32x125x80xi32, #tpu.memory_space<hbm>> -> memref<1x125x80xi32, #tpu.memory_space<hbm>>
      %dma_wait3A_91 = tpu.memref_squeeze %dma_wait3A_90 : memref<1x125x80xi32, #tpu.memory_space<hbm>> -> memref<125x80xi32, #tpu.memory_space<hbm>>
      tpu.wait_dma2 semaphore(%run_scoped3A : memref<!tpu.dma_semaphore, #tpu.memory_space<semaphore_mem>>) src(%dma_wait3A_91 : memref<125x80xi32, #tpu.memory_space<hbm>>) dst(%arg7 : memref<125x80xi32, #tpu.memory_space<vmem>>)
      tpu.yield
    }) : () -> ()
    %scan3A = arith.constant 0 : i32
    %scan3A_1 = arith.constant 0 : i32
    %scan3A_2 = arith.constant 80 : i32
    %scan3A_3 = arith.addi %scan3A_1, %scan3A_2 : i32
    %scan3A_4 = arith.constant 1 : i32
    scf.for %scan3A_76 = %scan3A_1 to %scan3A_3 step %scan3A_4  : i32 {
      %broadcast_in_dim3A = arith.constant 0.000000e+00 : f32
      %broadcast_in_dim3A_77 = vector.broadcast %broadcast_in_dim3A : f32 to vector<16xf32>
      %swap3A = arith.index_cast %scan3A_76 : i32 to index
      %swap3A_78 = arith.constant 0 : index
      %swap3A_79 = tpu.vector_load %arg9[%swap3A, %swap3A_78] {strides = array<i32>} : memref<80x128xf32, #tpu.memory_space<vmem>>, vector<1x16xf32>,
      %swap3A_80 = vector.shape_cast %swap3A_79 : vector<1x16xf32> to vector<16xf32>
      %swap3A_81 = vector.shape_cast %broadcast_in_dim3A_77 : vector<16xf32> to vector<1x16xf32>
      tpu.vector_store %arg9[%swap3A, %swap3A_78], %swap3A_81 {strides = array<i32>} : memref<80x128xf32, #tpu.memory_space<vmem>>, vector<1x16xf32>,
      %broadcast_in_dim3A_82 = arith.constant 0.000000e+00 : f32
      %broadcast_in_dim3A_83 = vector.broadcast %broadcast_in_dim3A_82 : f32 to vector<16xf32>
      %swap3A_84 = arith.index_cast %scan3A_76 : i32 to index
      %swap3A_85 = arith.constant 16 : index
      %swap3A_86 = tpu.vector_load %arg9[%swap3A_84, %swap3A_85] {strides = array<i32>} : memref<80x128xf32, #tpu.memory_space<vmem>>, vector<1x16xf32>,
      %swap3A_87 = vector.shape_cast %swap3A_86 : vector<1x16xf32> to vector<16xf32>
      %swap3A_88 = vector.shape_cast %broadcast_in_dim3A_83 : vector<16xf32> to vector<1x16xf32>
      tpu.vector_store %arg9[%swap3A_84, %swap3A_85], %swap3A_88 {strides = array<i32>} : memref<80x128xf32, #tpu.memory_space<vmem>>, vector<1x16xf32>,
      %broadcast_in_dim3A_89 = arith.constant 0.000000e+00 : f32
      %broadcast_in_dim3A_90 = vector.broadcast %broadcast_in_dim3A_89 : f32 to vector<16xf32>
      %swap3A_91 = arith.index_cast %scan3A_76 : i32 to index
      %swap3A_92 = arith.constant 32 : index
      %swap3A_93 = tpu.vector_load %arg9[%swap3A_91, %swap3A_92] {strides = array<i32>} : memref<80x128xf32, #tpu.memory_space<vmem>>, vector<1x16xf32>,
      %swap3A_94 = vector.shape_cast %swap3A_93 : vector<1x16xf32> to vector<16xf32>
      %swap3A_95 = vector.shape_cast %broadcast_in_dim3A_90 : vector<16xf32> to vector<1x16xf32>
      tpu.vector_store %arg9[%swap3A_91, %swap3A_92], %swap3A_95 {strides = array<i32>} : memref<80x128xf32, #tpu.memory_space<vmem>>, vector<1x16xf32>,
      %broadcast_in_dim3A_96 = arith.constant 0.000000e+00 : f32
      %broadcast_in_dim3A_97 = vector.broadcast %broadcast_in_dim3A_96 : f32 to vector<16xf32>
      %swap3A_98 = arith.index_cast %scan3A_76 : i32 to index
      %swap3A_99 = arith.constant 48 : index
      %swap3A_100 = tpu.vector_load %arg9[%swap3A_98, %swap3A_99] {strides = array<i32>} : memref<80x128xf32, #tpu.memory_space<vmem>>, vector<1x16xf32>,
      %swap3A_101 = vector.shape_cast %swap3A_100 : vector<1x16xf32> to vector<16xf32>
      %swap3A_102 = vector.shape_cast %broadcast_in_dim3A_97 : vector<16xf32> to vector<1x16xf32>
      tpu.vector_store %arg9[%swap3A_98, %swap3A_99], %swap3A_102 {strides = array<i32>} : memref<80x128xf32, #tpu.memory_space<vmem>>, vector<1x16xf32>,
      %broadcast_in_dim3A_103 = arith.constant 0.000000e+00 : f32
      %broadcast_in_dim3A_104 = vector.broadcast %broadcast_in_dim3A_103 : f32 to vector<16xf32>
      %swap3A_105 = arith.index_cast %scan3A_76 : i32 to index
      %swap3A_106 = arith.constant 64 : index
      %swap3A_107 = tpu.vector_load %arg9[%swap3A_105, %swap3A_106] {strides = array<i32>} : memref<80x128xf32, #tpu.memory_space<vmem>>, vector<1x16xf32>,
      %swap3A_108 = vector.shape_cast %swap3A_107 : vector<1x16xf32> to vector<16xf32>
      %swap3A_109 = vector.shape_cast %broadcast_in_dim3A_104 : vector<16xf32> to vector<1x16xf32>
      tpu.vector_store %arg9[%swap3A_105, %swap3A_106], %swap3A_109 {strides = array<i32>} : memref<80x128xf32, #tpu.memory_space<vmem>>, vector<1x16xf32>,
      %broadcast_in_dim3A_110 = arith.constant 0.000000e+00 : f32
      %broadcast_in_dim3A_111 = vector.broadcast %broadcast_in_dim3A_110 : f32 to vector<16xf32>
      %swap3A_112 = arith.index_cast %scan3A_76 : i32 to index
      %swap3A_113 = arith.constant 80 : index
      %swap3A_114 = tpu.vector_load %arg9[%swap3A_112, %swap3A_113] {strides = array<i32>} : memref<80x128xf32, #tpu.memory_space<vmem>>, vector<1x16xf32>,
      %swap3A_115 = vector.shape_cast %swap3A_114 : vector<1x16xf32> to vector<16xf32>
      %swap3A_116 = vector.shape_cast %broadcast_in_dim3A_111 : vector<16xf32> to vector<1x16xf32>
      tpu.vector_store %arg9[%swap3A_112, %swap3A_113], %swap3A_116 {strides = array<i32>} : memref<80x128xf32, #tpu.memory_space<vmem>>, vector<1x16xf32>,
      %broadcast_in_dim3A_117 = arith.constant 0.000000e+00 : f32
      %broadcast_in_dim3A_118 = vector.broadcast %broadcast_in_dim3A_117 : f32 to vector<16xf32>
      %swap3A_119 = arith.index_cast %scan3A_76 : i32 to index
      %swap3A_120 = arith.constant 96 : index
      %swap3A_121 = tpu.vector_load %arg9[%swap3A_119, %swap3A_120] {strides = array<i32>} : memref<80x128xf32, #tpu.memory_space<vmem>>, vector<1x16xf32>,
      %swap3A_122 = vector.shape_cast %swap3A_121 : vector<1x16xf32> to vector<16xf32>
      %swap3A_123 = vector.shape_cast %broadcast_in_dim3A_118 : vector<16xf32> to vector<1x16xf32>
      tpu.vector_store %arg9[%swap3A_119, %swap3A_120], %swap3A_123 {strides = array<i32>} : memref<80x128xf32, #tpu.memory_space<vmem>>, vector<1x16xf32>,
      %broadcast_in_dim3A_124 = arith.constant 0.000000e+00 : f32
      %broadcast_in_dim3A_125 = vector.broadcast %broadcast_in_dim3A_124 : f32 to vector<16xf32>
      %swap3A_126 = arith.index_cast %scan3A_76 : i32 to index
      %swap3A_127 = arith.constant 112 : index
      %swap3A_128 = tpu.vector_load %arg9[%swap3A_126, %swap3A_127] {strides = array<i32>} : memref<80x128xf32, #tpu.memory_space<vmem>>, vector<1x16xf32>,
      %swap3A_129 = vector.shape_cast %swap3A_128 : vector<1x16xf32> to vector<16xf32>
      %swap3A_130 = vector.shape_cast %broadcast_in_dim3A_125 : vector<16xf32> to vector<1x16xf32>
      tpu.vector_store %arg9[%swap3A_126, %swap3A_127], %swap3A_130 {strides = array<i32>} : memref<80x128xf32, #tpu.memory_space<vmem>>, vector<1x16xf32>,
    }
    %scan3A_5 = arith.constant 80 : i32
    %mul3A_6 = arith.constant 632 : i32
    %mul3A_7 = arith.muli %arg1, %mul3A_6 : i32
    %add3A_8 = arith.constant 0 : i32
    %add3A_9 = arith.addi %mul3A_7, %add3A_8 : i32
    "tpu.region"() ({
      %run_scoped3A = tpu.sem_alloc : memref<!tpu.dma_semaphore, #tpu.memory_space<semaphore_mem>>
      %dma_start3A_76 = arith.constant 0 : i32
      %dma_start3A_77 = tpu.memref_slice %arg10[%add3A_9, %dma_start3A_76] : memref<10112x128xf32, #tpu.memory_space<vmem_shared>> -> memref<80x128xf32, #tpu.memory_space<vmem_shared>>
      %dma_start3A_78 = arith.constant 0 : i32
      %dma_start3A_79 = tpu.memref_slice %arg10[%add3A_9, %dma_start3A_78] : memref<10112x128xf32, #tpu.memory_space<vmem_shared>> -> memref<80x128xf32, #tpu.memory_space<vmem_shared>>
      tpu.enqueue_dma source(%arg9 : memref<80x128xf32, #tpu.memory_space<vmem>>) target(%dma_start3A_79 : memref<80x128xf32, #tpu.memory_space<vmem_shared>>) target_semaphore(%run_scoped3A : memref<!tpu.dma_semaphore, #tpu.memory_space<semaphore_mem>>)
      %dma_wait3A_80 = arith.constant 0 : i32
      %dma_wait3A_81 = tpu.memref_slice %arg10[%add3A_9, %dma_wait3A_80] : memref<10112x128xf32, #tpu.memory_space<vmem_shared>> -> memref<80x128xf32, #tpu.memory_space<vmem_shared>>
      %dma_wait3A_82 = arith.constant 0 : i32
      %dma_wait3A_83 = tpu.memref_slice %arg10[%add3A_9, %dma_wait3A_82] : memref<10112x128xf32, #tpu.memory_space<vmem_shared>> -> memref<80x128xf32, #tpu.memory_space<vmem_shared>>
      tpu.wait_dma2 semaphore(%run_scoped3A : memref<!tpu.dma_semaphore, #tpu.memory_space<semaphore_mem>>) src(%arg9 : memref<80x128xf32, #tpu.memory_space<vmem>>) dst(%dma_wait3A_83 : memref<80x128xf32, #tpu.memory_space<vmem_shared>>)
      tpu.yield
    }) : () -> ()
    %mul3A_10 = arith.constant 632 : i32
    %mul3A_11 = arith.muli %arg1, %mul3A_10 : i32
    %add3A_12 = arith.constant 80 : i32
    %add3A_13 = arith.addi %mul3A_11, %add3A_12 : i32
    "tpu.region"() ({
      %run_scoped3A = tpu.sem_alloc : memref<!tpu.dma_semaphore, #tpu.memory_space<semaphore_mem>>
      %dma_start3A_76 = arith.constant 0 : i32
      %dma_start3A_77 = tpu.memref_slice %arg10[%add3A_13, %dma_start3A_76] : memref<10112x128xf32, #tpu.memory_space<vmem_shared>> -> memref<80x128xf32, #tpu.memory_space<vmem_shared>>
      %dma_start3A_78 = arith.constant 0 : i32
      %dma_start3A_79 = tpu.memref_slice %arg10[%add3A_13, %dma_start3A_78] : memref<10112x128xf32, #tpu.memory_space<vmem_shared>> -> memref<80x128xf32, #tpu.memory_space<vmem_shared>>
      tpu.enqueue_dma source(%arg9 : memref<80x128xf32, #tpu.memory_space<vmem>>) target(%dma_start3A_79 : memref<80x128xf32, #tpu.memory_space<vmem_shared>>) target_semaphore(%run_scoped3A : memref<!tpu.dma_semaphore, #tpu.memory_space<semaphore_mem>>)
      %dma_wait3A_80 = arith.constant 0 : i32
      %dma_wait3A_81 = tpu.memref_slice %arg10[%add3A_13, %dma_wait3A_80] : memref<10112x128xf32, #tpu.memory_space<vmem_shared>> -> memref<80x128xf32, #tpu.memory_space<vmem_shared>>
      %dma_wait3A_82 = arith.constant 0 : i32
      %dma_wait3A_83 = tpu.memref_slice %arg10[%add3A_13, %dma_wait3A_82] : memref<10112x128xf32, #tpu.memory_space<vmem_shared>> -> memref<80x128xf32, #tpu.memory_space<vmem_shared>>
      tpu.wait_dma2 semaphore(%run_scoped3A : memref<!tpu.dma_semaphore, #tpu.memory_space<semaphore_mem>>) src(%arg9 : memref<80x128xf32, #tpu.memory_space<vmem>>) dst(%dma_wait3A_83 : memref<80x128xf32, #tpu.memory_space<vmem_shared>>)
      tpu.yield
    }) : () -> ()
    %mul3A_14 = arith.constant 632 : i32
    %mul3A_15 = arith.muli %arg1, %mul3A_14 : i32
    %add3A_16 = arith.constant 160 : i32
    %add3A_17 = arith.addi %mul3A_15, %add3A_16 : i32
    "tpu.region"() ({
      %run_scoped3A = tpu.sem_alloc : memref<!tpu.dma_semaphore, #tpu.memory_space<semaphore_mem>>
      %dma_start3A_76 = arith.constant 0 : i32
      %dma_start3A_77 = tpu.memref_slice %arg10[%add3A_17, %dma_start3A_76] : memref<10112x128xf32, #tpu.memory_space<vmem_shared>> -> memref<80x128xf32, #tpu.memory_space<vmem_shared>>
      %dma_start3A_78 = arith.constant 0 : i32
      %dma_start3A_79 = tpu.memref_slice %arg10[%add3A_17, %dma_start3A_78] : memref<10112x128xf32, #tpu.memory_space<vmem_shared>> -> memref<80x128xf32, #tpu.memory_space<vmem_shared>>
      tpu.enqueue_dma source(%arg9 : memref<80x128xf32, #tpu.memory_space<vmem>>) target(%dma_start3A_79 : memref<80x128xf32, #tpu.memory_space<vmem_shared>>) target_semaphore(%run_scoped3A : memref<!tpu.dma_semaphore, #tpu.memory_space<semaphore_mem>>)
      %dma_wait3A_80 = arith.constant 0 : i32
      %dma_wait3A_81 = tpu.memref_slice %arg10[%add3A_17, %dma_wait3A_80] : memref<10112x128xf32, #tpu.memory_space<vmem_shared>> -> memref<80x128xf32, #tpu.memory_space<vmem_shared>>
      %dma_wait3A_82 = arith.constant 0 : i32
      %dma_wait3A_83 = tpu.memref_slice %arg10[%add3A_17, %dma_wait3A_82] : memref<10112x128xf32, #tpu.memory_space<vmem_shared>> -> memref<80x128xf32, #tpu.memory_space<vmem_shared>>
      tpu.wait_dma2 semaphore(%run_scoped3A : memref<!tpu.dma_semaphore, #tpu.memory_space<semaphore_mem>>) src(%arg9 : memref<80x128xf32, #tpu.memory_space<vmem>>) dst(%dma_wait3A_83 : memref<80x128xf32, #tpu.memory_space<vmem_shared>>)
      tpu.yield
    }) : () -> ()
    %mul3A_18 = arith.constant 632 : i32
    %mul3A_19 = arith.muli %arg1, %mul3A_18 : i32
    %add3A_20 = arith.constant 240 : i32
    %add3A_21 = arith.addi %mul3A_19, %add3A_20 : i32
    "tpu.region"() ({
      %run_scoped3A = tpu.sem_alloc : memref<!tpu.dma_semaphore, #tpu.memory_space<semaphore_mem>>
      %dma_start3A_76 = arith.constant 0 : i32
      %dma_start3A_77 = tpu.memref_slice %arg10[%add3A_21, %dma_start3A_76] : memref<10112x128xf32, #tpu.memory_space<vmem_shared>> -> memref<80x128xf32, #tpu.memory_space<vmem_shared>>
      %dma_start3A_78 = arith.constant 0 : i32
      %dma_start3A_79 = tpu.memref_slice %arg10[%add3A_21, %dma_start3A_78] : memref<10112x128xf32, #tpu.memory_space<vmem_shared>> -> memref<80x128xf32, #tpu.memory_space<vmem_shared>>
      tpu.enqueue_dma source(%arg9 : memref<80x128xf32, #tpu.memory_space<vmem>>) target(%dma_start3A_79 : memref<80x128xf32, #tpu.memory_space<vmem_shared>>) target_semaphore(%run_scoped3A : memref<!tpu.dma_semaphore, #tpu.memory_space<semaphore_mem>>)
      %dma_wait3A_80 = arith.constant 0 : i32
      %dma_wait3A_81 = tpu.memref_slice %arg10[%add3A_21, %dma_wait3A_80] : memref<10112x128xf32, #tpu.memory_space<vmem_shared>> -> memref<80x128xf32, #tpu.memory_space<vmem_shared>>
      %dma_wait3A_82 = arith.constant 0 : i32
      %dma_wait3A_83 = tpu.memref_slice %arg10[%add3A_21, %dma_wait3A_82] : memref<10112x128xf32, #tpu.memory_space<vmem_shared>> -> memref<80x128xf32, #tpu.memory_space<vmem_shared>>
      tpu.wait_dma2 semaphore(%run_scoped3A : memref<!tpu.dma_semaphore, #tpu.memory_space<semaphore_mem>>) src(%arg9 : memref<80x128xf32, #tpu.memory_space<vmem>>) dst(%dma_wait3A_83 : memref<80x128xf32, #tpu.memory_space<vmem_shared>>)
      tpu.yield
    }) : () -> ()
    %mul3A_22 = arith.constant 632 : i32
    %mul3A_23 = arith.muli %arg1, %mul3A_22 : i32
    %add3A_24 = arith.constant 320 : i32
    %add3A_25 = arith.addi %mul3A_23, %add3A_24 : i32
    "tpu.region"() ({
      %run_scoped3A = tpu.sem_alloc : memref<!tpu.dma_semaphore, #tpu.memory_space<semaphore_mem>>
      %dma_start3A_76 = arith.constant 0 : i32
      %dma_start3A_77 = tpu.memref_slice %arg10[%add3A_25, %dma_start3A_76] : memref<10112x128xf32, #tpu.memory_space<vmem_shared>> -> memref<80x128xf32, #tpu.memory_space<vmem_shared>>
      %dma_start3A_78 = arith.constant 0 : i32
      %dma_start3A_79 = tpu.memref_slice %arg10[%add3A_25, %dma_start3A_78] : memref<10112x128xf32, #tpu.memory_space<vmem_shared>> -> memref<80x128xf32, #tpu.memory_space<vmem_shared>>
      tpu.enqueue_dma source(%arg9 : memref<80x128xf32, #tpu.memory_space<vmem>>) target(%dma_start3A_79 : memref<80x128xf32, #tpu.memory_space<vmem_shared>>) target_semaphore(%run_scoped3A : memref<!tpu.dma_semaphore, #tpu.memory_space<semaphore_mem>>)
      %dma_wait3A_80 = arith.constant 0 : i32
      %dma_wait3A_81 = tpu.memref_slice %arg10[%add3A_25, %dma_wait3A_80] : memref<10112x128xf32, #tpu.memory_space<vmem_shared>> -> memref<80x128xf32, #tpu.memory_space<vmem_shared>>
      %dma_wait3A_82 = arith.constant 0 : i32
      %dma_wait3A_83 = tpu.memref_slice %arg10[%add3A_25, %dma_wait3A_82] : memref<10112x128xf32, #tpu.memory_space<vmem_shared>> -> memref<80x128xf32, #tpu.memory_space<vmem_shared>>
      tpu.wait_dma2 semaphore(%run_scoped3A : memref<!tpu.dma_semaphore, #tpu.memory_space<semaphore_mem>>) src(%arg9 : memref<80x128xf32, #tpu.memory_space<vmem>>) dst(%dma_wait3A_83 : memref<80x128xf32, #tpu.memory_space<vmem_shared>>)
      tpu.yield
    }) : () -> ()
    %mul3A_26 = arith.constant 632 : i32
    %mul3A_27 = arith.muli %arg1, %mul3A_26 : i32
    %add3A_28 = arith.constant 400 : i32
    %add3A_29 = arith.addi %mul3A_27, %add3A_28 : i32
    "tpu.region"() ({
      %run_scoped3A = tpu.sem_alloc : memref<!tpu.dma_semaphore, #tpu.memory_space<semaphore_mem>>
      %dma_start3A_76 = arith.constant 0 : i32
      %dma_start3A_77 = tpu.memref_slice %arg10[%add3A_29, %dma_start3A_76] : memref<10112x128xf32, #tpu.memory_space<vmem_shared>> -> memref<80x128xf32, #tpu.memory_space<vmem_shared>>
      %dma_start3A_78 = arith.constant 0 : i32
      %dma_start3A_79 = tpu.memref_slice %arg10[%add3A_29, %dma_start3A_78] : memref<10112x128xf32, #tpu.memory_space<vmem_shared>> -> memref<80x128xf32, #tpu.memory_space<vmem_shared>>
      tpu.enqueue_dma source(%arg9 : memref<80x128xf32, #tpu.memory_space<vmem>>) target(%dma_start3A_79 : memref<80x128xf32, #tpu.memory_space<vmem_shared>>) target_semaphore(%run_scoped3A : memref<!tpu.dma_semaphore, #tpu.memory_space<semaphore_mem>>)
      %dma_wait3A_80 = arith.constant 0 : i32
      %dma_wait3A_81 = tpu.memref_slice %arg10[%add3A_29, %dma_wait3A_80] : memref<10112x128xf32, #tpu.memory_space<vmem_shared>> -> memref<80x128xf32, #tpu.memory_space<vmem_shared>>
      %dma_wait3A_82 = arith.constant 0 : i32
      %dma_wait3A_83 = tpu.memref_slice %arg10[%add3A_29, %dma_wait3A_82] : memref<10112x128xf32, #tpu.memory_space<vmem_shared>> -> memref<80x128xf32, #tpu.memory_space<vmem_shared>>
      tpu.wait_dma2 semaphore(%run_scoped3A : memref<!tpu.dma_semaphore, #tpu.memory_space<semaphore_mem>>) src(%arg9 : memref<80x128xf32, #tpu.memory_space<vmem>>) dst(%dma_wait3A_83 : memref<80x128xf32, #tpu.memory_space<vmem_shared>>)
      tpu.yield
    }) : () -> ()
    %mul3A_30 = arith.constant 632 : i32
    %mul3A_31 = arith.muli %arg1, %mul3A_30 : i32
    %add3A_32 = arith.constant 480 : i32
    %add3A_33 = arith.addi %mul3A_31, %add3A_32 : i32
    "tpu.region"() ({
      %run_scoped3A = tpu.sem_alloc : memref<!tpu.dma_semaphore, #tpu.memory_space<semaphore_mem>>
      %dma_start3A_76 = arith.constant 0 : i32
      %dma_start3A_77 = tpu.memref_slice %arg10[%add3A_33, %dma_start3A_76] : memref<10112x128xf32, #tpu.memory_space<vmem_shared>> -> memref<80x128xf32, #tpu.memory_space<vmem_shared>>
      %dma_start3A_78 = arith.constant 0 : i32
      %dma_start3A_79 = tpu.memref_slice %arg10[%add3A_33, %dma_start3A_78] : memref<10112x128xf32, #tpu.memory_space<vmem_shared>> -> memref<80x128xf32, #tpu.memory_space<vmem_shared>>
      tpu.enqueue_dma source(%arg9 : memref<80x128xf32, #tpu.memory_space<vmem>>) target(%dma_start3A_79 : memref<80x128xf32, #tpu.memory_space<vmem_shared>>) target_semaphore(%run_scoped3A : memref<!tpu.dma_semaphore, #tpu.memory_space<semaphore_mem>>)
      %dma_wait3A_80 = arith.constant 0 : i32
      %dma_wait3A_81 = tpu.memref_slice %arg10[%add3A_33, %dma_wait3A_80] : memref<10112x128xf32, #tpu.memory_space<vmem_shared>> -> memref<80x128xf32, #tpu.memory_space<vmem_shared>>
      %dma_wait3A_82 = arith.constant 0 : i32
      %dma_wait3A_83 = tpu.memref_slice %arg10[%add3A_33, %dma_wait3A_82] : memref<10112x128xf32, #tpu.memory_space<vmem_shared>> -> memref<80x128xf32, #tpu.memory_space<vmem_shared>>
      tpu.wait_dma2 semaphore(%run_scoped3A : memref<!tpu.dma_semaphore, #tpu.memory_space<semaphore_mem>>) src(%arg9 : memref<80x128xf32, #tpu.memory_space<vmem>>) dst(%dma_wait3A_83 : memref<80x128xf32, #tpu.memory_space<vmem_shared>>)
      tpu.yield
    }) : () -> ()
    %mul3A_34 = arith.constant 632 : i32
    %mul3A_35 = arith.muli %arg1, %mul3A_34 : i32
    %add3A_36 = arith.constant 560 : i32
    %add3A_37 = arith.addi %mul3A_35, %add3A_36 : i32
    "tpu.region"() ({
      %run_scoped3A = tpu.sem_alloc : memref<!tpu.dma_semaphore, #tpu.memory_space<semaphore_mem>>
      %dma_start3A_76 = arith.constant 0 : i32
      %dma_start3A_77 = arith.constant 0 : i32
      %dma_start3A_78 = tpu.memref_slice %arg9[%dma_start3A_76, %dma_start3A_77] : memref<80x128xf32, #tpu.memory_space<vmem>> -> memref<72x128xf32, #tpu.memory_space<vmem>>
      %dma_start3A_79 = arith.constant 0 : i32
      %dma_start3A_80 = tpu.memref_slice %arg10[%add3A_37, %dma_start3A_79] : memref<10112x128xf32, #tpu.memory_space<vmem_shared>> -> memref<72x128xf32, #tpu.memory_space<vmem_shared>>
      %dma_start3A_81 = arith.constant 0 : i32
      %dma_start3A_82 = tpu.memref_slice %arg10[%add3A_37, %dma_start3A_81] : memref<10112x128xf32, #tpu.memory_space<vmem_shared>> -> memref<72x128xf32, #tpu.memory_space<vmem_shared>>
      %dma_start3A_83 = arith.constant 0 : i32
      %dma_start3A_84 = arith.constant 0 : i32
      %dma_start3A_85 = tpu.memref_slice %arg9[%dma_start3A_83, %dma_start3A_84] : memref<80x128xf32, #tpu.memory_space<vmem>> -> memref<72x128xf32, #tpu.memory_space<vmem>>
      tpu.enqueue_dma source(%dma_start3A_85 : memref<72x128xf32, #tpu.memory_space<vmem>>) target(%dma_start3A_82 : memref<72x128xf32, #tpu.memory_space<vmem_shared>>) target_semaphore(%run_scoped3A : memref<!tpu.dma_semaphore, #tpu.memory_space<semaphore_mem>>)
      %dma_wait3A_86 = arith.constant 0 : i32
      %dma_wait3A_87 = arith.constant 0 : i32
      %dma_wait3A_88 = tpu.memref_slice %arg9[%dma_wait3A_86, %dma_wait3A_87] : memref<80x128xf32, #tpu.memory_space<vmem>> -> memref<72x128xf32, #tpu.memory_space<vmem>>
      %dma_wait3A_89 = arith.constant 0 : i32
      %dma_wait3A_90 = tpu.memref_slice %arg10[%add3A_37, %dma_wait3A_89] : memref<10112x128xf32, #tpu.memory_space<vmem_shared>> -> memref<72x128xf32, #tpu.memory_space<vmem_shared>>
      %dma_wait3A_91 = arith.constant 0 : i32
      %dma_wait3A_92 = tpu.memref_slice %arg10[%add3A_37, %dma_wait3A_91] : memref<10112x128xf32, #tpu.memory_space<vmem_shared>> -> memref<72x128xf32, #tpu.memory_space<vmem_shared>>
      %dma_wait3A_93 = arith.constant 0 : i32
      %dma_wait3A_94 = arith.constant 0 : i32
      %dma_wait3A_95 = tpu.memref_slice %arg9[%dma_wait3A_93, %dma_wait3A_94] : memref<80x128xf32, #tpu.memory_space<vmem>> -> memref<72x128xf32, #tpu.memory_space<vmem>>
      tpu.wait_dma2 semaphore(%run_scoped3A : memref<!tpu.dma_semaphore, #tpu.memory_space<semaphore_mem>>) src(%dma_wait3A_95 : memref<72x128xf32, #tpu.memory_space<vmem>>) dst(%dma_wait3A_92 : memref<72x128xf32, #tpu.memory_space<vmem_shared>>)
      tpu.yield
    }) : () -> ()
    %barrier3A = arith.constant 0 : index
    tpu.barrier barrier_id(%barrier3A)
    %dma_start3A = arith.constant 0 : i32
    %dma_start3A_38 = tpu.memref_slice %arg6[%dma_start3A] : memref<10000xi32, #tpu.memory_space<vmem>> -> memref<80xi32, #tpu.memory_space<vmem>>
    %dma_start3A_39 = arith.constant 0 : i32
    %dma_start3A_40 = arith.constant 0 : i32
    %dma_start3A_41 = tpu.memref_slice %arg2[%dma_start3A_39, %dma_start3A_40] : memref<10000x128xf32, #tpu.memory_space<hbm>> -> memref<10000x128xf32, #tpu.memory_space<hbm>>
    tpu.enqueue_indirect_dma source(%dma_start3A_41 : memref<10000x128xf32, #tpu.memory_space<hbm>>) target(%arg8 : memref<80x128xf32, #tpu.memory_space<vmem>>) offsets(%dma_start3A_38 : memref<80xi32, #tpu.memory_space<vmem>>) semaphore(%arg11 : memref<!tpu.dma_semaphore, #tpu.memory_space<semaphore_mem>>)
    %dma_start3A_42 = arith.constant 80 : i32
    %dma_start3A_43 = tpu.memref_slice %arg6[%dma_start3A_42] : memref<10000xi32, #tpu.memory_space<vmem>> -> memref<80xi32, #tpu.memory_space<vmem>>
    %dma_start3A_44 = arith.constant 0 : i32
    %dma_start3A_45 = arith.constant 0 : i32
    %dma_start3A_46 = tpu.memref_slice %arg2[%dma_start3A_44, %dma_start3A_45] : memref<10000x128xf32, #tpu.memory_space<hbm>> -> memref<10000x128xf32, #tpu.memory_space<hbm>>
    tpu.enqueue_indirect_dma source(%dma_start3A_46 : memref<10000x128xf32, #tpu.memory_space<hbm>>) target(%arg9 : memref<80x128xf32, #tpu.memory_space<vmem>>) offsets(%dma_start3A_43 : memref<80xi32, #tpu.memory_space<vmem>>) semaphore(%arg12 : memref<!tpu.dma_semaphore, #tpu.memory_space<semaphore_mem>>)
    %scan3A_47 = arith.constant 0 : i32
    %scan3A_48 = arith.constant 0 : i32
    %scan3A_49 = arith.constant 62 : i32
    %scan3A_50 = arith.addi %scan3A_48, %scan3A_49 : i32
    %scan3A_51 = arith.constant 1 : i32
    scf.for %scan3A_76 = %scan3A_48 to %scan3A_50 step %scan3A_51  : i32 {
      %mul3A_77 = arith.constant 2 : i32
      %mul3A_78 = arith.muli %mul3A_77, %scan3A_76 : i32
      %add3A_79 = arith.constant 1 : i32
      %add3A_80 = arith.addi %mul3A_78, %add3A_79 : i32
      %mul3A_81 = arith.constant 80 : i32
      %mul3A_82 = arith.muli %mul3A_78, %mul3A_81 : i32
      %dma_wait3A_83 = tpu.memref_slice %arg6[%mul3A_82] : memref<10000xi32, #tpu.memory_space<vmem>> -> memref<80xi32, #tpu.memory_space<vmem>>
      %dma_wait3A_84 = arith.constant 0 : i32
      %dma_wait3A_85 = arith.constant 0 : i32
      %dma_wait3A_86 = tpu.memref_slice %arg2[%dma_wait3A_84, %dma_wait3A_85] : memref<10000x128xf32, #tpu.memory_space<hbm>> -> memref<10000x128xf32, #tpu.memory_space<hbm>>
      tpu.wait_indirect_dma semaphore(%arg11 : memref<!tpu.dma_semaphore, #tpu.memory_space<semaphore_mem>>) src(%dma_wait3A_86 : memref<10000x128xf32, #tpu.memory_space<hbm>>) dst(%arg8 : memref<80x128xf32, #tpu.memory_space<vmem>>)
      %dma_start3A_87 = arith.constant 0 : i32
      %dma_start3A_88 = tpu.memref_slice %arg7[%mul3A_78, %dma_start3A_87] : memref<125x80xi32, #tpu.memory_space<vmem>> -> memref<1x80xi32, #tpu.memory_space<vmem>>
      %dma_start3A_89 = tpu.memref_squeeze %dma_start3A_88 : memref<1x80xi32, #tpu.memory_space<vmem>> -> memref<80xi32, #tpu.memory_space<vmem>>
      %dma_start3A_90 = arith.constant 0 : i32
      %dma_start3A_91 = arith.constant 0 : i32
      %dma_start3A_92 = tpu.memref_slice %arg10[%dma_start3A_90, %dma_start3A_91] : memref<10112x128xf32, #tpu.memory_space<vmem_shared>> -> memref<10112x128xf32, #tpu.memory_space<vmem_shared>>
      tpu.enqueue_indirect_dma source(%arg8 : memref<80x128xf32, #tpu.memory_space<vmem>>) target(%dma_start3A_92 : memref<10112x128xf32, #tpu.memory_space<vmem_shared>>) offsets(%dma_start3A_89 : memref<80xi32, #tpu.memory_space<vmem>>) semaphore(%arg13 : memref<!tpu.dma_semaphore, #tpu.memory_space<semaphore_mem>>) {add = true}
      %mul3A_93 = arith.constant 80 : i32
      %mul3A_94 = arith.muli %add3A_80, %mul3A_93 : i32
      %dma_wait3A_95 = tpu.memref_slice %arg6[%mul3A_94] : memref<10000xi32, #tpu.memory_space<vmem>> -> memref<80xi32, #tpu.memory_space<vmem>>
      %dma_wait3A_96 = arith.constant 0 : i32
      %dma_wait3A_97 = arith.constant 0 : i32
      %dma_wait3A_98 = tpu.memref_slice %arg2[%dma_wait3A_96, %dma_wait3A_97] : memref<10000x128xf32, #tpu.memory_space<hbm>> -> memref<10000x128xf32, #tpu.memory_space<hbm>>
      tpu.wait_indirect_dma semaphore(%arg12 : memref<!tpu.dma_semaphore, #tpu.memory_space<semaphore_mem>>) src(%dma_wait3A_98 : memref<10000x128xf32, #tpu.memory_space<hbm>>) dst(%arg9 : memref<80x128xf32, #tpu.memory_space<vmem>>)
      %dma_wait3A_99 = arith.constant 0 : i32
      %dma_wait3A_100 = tpu.memref_slice %arg7[%mul3A_78, %dma_wait3A_99] : memref<125x80xi32, #tpu.memory_space<vmem>> -> memref<1x80xi32, #tpu.memory_space<vmem>>
      %dma_wait3A_101 = tpu.memref_squeeze %dma_wait3A_100 : memref<1x80xi32, #tpu.memory_space<vmem>> -> memref<80xi32, #tpu.memory_space<vmem>>
      %dma_wait3A_102 = arith.constant 0 : i32
      %dma_wait3A_103 = arith.constant 0 : i32
      %dma_wait3A_104 = tpu.memref_slice %arg10[%dma_wait3A_102, %dma_wait3A_103] : memref<10112x128xf32, #tpu.memory_space<vmem_shared>> -> memref<10112x128xf32, #tpu.memory_space<vmem_shared>>
      tpu.wait_indirect_dma semaphore(%arg13 : memref<!tpu.dma_semaphore, #tpu.memory_space<semaphore_mem>>) src(%arg8 : memref<80x128xf32, #tpu.memory_space<vmem>>) dst(%dma_wait3A_104 : memref<10112x128xf32, #tpu.memory_space<vmem_shared>>)
      %add3A_105 = arith.constant 2 : i32
      %add3A_106 = arith.addi %mul3A_78, %add3A_105 : i32
      %lt3A = arith.constant 125 : i32
      %lt3A_107 = arith.cmpi slt, %add3A_106, %lt3A : i32
      %convert_element_type3A = arith.extui %lt3A_107 : i1 to i32
      %cond3A = arith.constant 0 : i32
      %cond3A_108 = arith.cmpi ne, %convert_element_type3A, %cond3A : i32
      scf.if %cond3A_108 {
        %add3A_128 = arith.constant 2 : i32
        %add3A_129 = arith.addi %mul3A_78, %add3A_128 : i32
        %mul3A_130 = arith.constant 80 : i32
        %mul3A_131 = arith.muli %add3A_129, %mul3A_130 : i32
        %dma_start3A_132 = tpu.memref_slice %arg6[%mul3A_131] : memref<10000xi32, #tpu.memory_space<vmem>> -> memref<80xi32, #tpu.memory_space<vmem>>
        %dma_start3A_133 = arith.constant 0 : i32
        %dma_start3A_134 = arith.constant 0 : i32
        %dma_start3A_135 = tpu.memref_slice %arg2[%dma_start3A_133, %dma_start3A_134] : memref<10000x128xf32, #tpu.memory_space<hbm>> -> memref<10000x128xf32, #tpu.memory_space<hbm>>
        tpu.enqueue_indirect_dma source(%dma_start3A_135 : memref<10000x128xf32, #tpu.memory_space<hbm>>) target(%arg8 : memref<80x128xf32, #tpu.memory_space<vmem>>) offsets(%dma_start3A_132 : memref<80xi32, #tpu.memory_space<vmem>>) semaphore(%arg11 : memref<!tpu.dma_semaphore, #tpu.memory_space<semaphore_mem>>)
      } else {
      }
      %dma_start3A_109 = arith.constant 0 : i32
      %dma_start3A_110 = tpu.memref_slice %arg7[%add3A_80, %dma_start3A_109] : memref<125x80xi32, #tpu.memory_space<vmem>> -> memref<1x80xi32, #tpu.memory_space<vmem>>
      %dma_start3A_111 = tpu.memref_squeeze %dma_start3A_110 : memref<1x80xi32, #tpu.memory_space<vmem>> -> memref<80xi32, #tpu.memory_space<vmem>>
      %dma_start3A_112 = arith.constant 0 : i32
      %dma_start3A_113 = arith.constant 0 : i32
      %dma_start3A_114 = tpu.memref_slice %arg10[%dma_start3A_112, %dma_start3A_113] : memref<10112x128xf32, #tpu.memory_space<vmem_shared>> -> memref<10112x128xf32, #tpu.memory_space<vmem_shared>>
      tpu.enqueue_indirect_dma source(%arg9 : memref<80x128xf32, #tpu.memory_space<vmem>>) target(%dma_start3A_114 : memref<10112x128xf32, #tpu.memory_space<vmem_shared>>) offsets(%dma_start3A_111 : memref<80xi32, #tpu.memory_space<vmem>>) semaphore(%arg14 : memref<!tpu.dma_semaphore, #tpu.memory_space<semaphore_mem>>) {add = true}
      %dma_wait3A_115 = arith.constant 0 : i32
      %dma_wait3A_116 = tpu.memref_slice %arg7[%add3A_80, %dma_wait3A_115] : memref<125x80xi32, #tpu.memory_space<vmem>> -> memref<1x80xi32, #tpu.memory_space<vmem>>
      %dma_wait3A_117 = tpu.memref_squeeze %dma_wait3A_116 : memref<1x80xi32, #tpu.memory_space<vmem>> -> memref<80xi32, #tpu.memory_space<vmem>>
      %dma_wait3A_118 = arith.constant 0 : i32
      %dma_wait3A_119 = arith.constant 0 : i32
      %dma_wait3A_120 = tpu.memref_slice %arg10[%dma_wait3A_118, %dma_wait3A_119] : memref<10112x128xf32, #tpu.memory_space<vmem_shared>> -> memref<10112x128xf32, #tpu.memory_space<vmem_shared>>
      tpu.wait_indirect_dma semaphore(%arg14 : memref<!tpu.dma_semaphore, #tpu.memory_space<semaphore_mem>>) src(%arg9 : memref<80x128xf32, #tpu.memory_space<vmem>>) dst(%dma_wait3A_120 : memref<10112x128xf32, #tpu.memory_space<vmem_shared>>)
      %add3A_121 = arith.constant 2 : i32
      %add3A_122 = arith.addi %add3A_80, %add3A_121 : i32
      %lt3A_123 = arith.constant 125 : i32
      %lt3A_124 = arith.cmpi slt, %add3A_122, %lt3A_123 : i32
      %convert_element_type3A_125 = arith.extui %lt3A_124 : i1 to i32
      %cond3A_126 = arith.constant 0 : i32
      %cond3A_127 = arith.cmpi ne, %convert_element_type3A_125, %cond3A_126 : i32
      scf.if %cond3A_127 {
        %add3A_128 = arith.constant 2 : i32
        %add3A_129 = arith.addi %add3A_80, %add3A_128 : i32
        %mul3A_130 = arith.constant 80 : i32
        %mul3A_131 = arith.muli %add3A_129, %mul3A_130 : i32
        %dma_start3A_132 = tpu.memref_slice %arg6[%mul3A_131] : memref<10000xi32, #tpu.memory_space<vmem>> -> memref<80xi32, #tpu.memory_space<vmem>>
        %dma_start3A_133 = arith.constant 0 : i32
        %dma_start3A_134 = arith.constant 0 : i32
        %dma_start3A_135 = tpu.memref_slice %arg2[%dma_start3A_133, %dma_start3A_134] : memref<10000x128xf32, #tpu.memory_space<hbm>> -> memref<10000x128xf32, #tpu.memory_space<hbm>>
        tpu.enqueue_indirect_dma source(%dma_start3A_135 : memref<10000x128xf32, #tpu.memory_space<hbm>>) target(%arg9 : memref<80x128xf32, #tpu.memory_space<vmem>>) offsets(%dma_start3A_132 : memref<80xi32, #tpu.memory_space<vmem>>) semaphore(%arg12 : memref<!tpu.dma_semaphore, #tpu.memory_space<semaphore_mem>>)
      } else {
      }
    }
    %scan3A_52 = arith.constant 62 : i32
    %dma_wait3A = arith.constant 9920 : i32
    %dma_wait3A_53 = tpu.memref_slice %arg6[%dma_wait3A] : memref<10000xi32, #tpu.memory_space<vmem>> -> memref<80xi32, #tpu.memory_space<vmem>>
    %dma_wait3A_54 = arith.constant 0 : i32
    %dma_wait3A_55 = arith.constant 0 : i32
    %dma_wait3A_56 = tpu.memref_slice %arg2[%dma_wait3A_54, %dma_wait3A_55] : memref<10000x128xf32, #tpu.memory_space<hbm>> -> memref<10000x128xf32, #tpu.memory_space<hbm>>
    tpu.wait_indirect_dma semaphore(%arg11 : memref<!tpu.dma_semaphore, #tpu.memory_space<semaphore_mem>>) src(%dma_wait3A_56 : memref<10000x128xf32, #tpu.memory_space<hbm>>) dst(%arg8 : memref<80x128xf32, #tpu.memory_space<vmem>>)
    %dma_start3A_57 = arith.constant 124 : i32
    %dma_start3A_58 = arith.constant 0 : i32
    %dma_start3A_59 = tpu.memref_slice %arg7[%dma_start3A_57, %dma_start3A_58] : memref<125x80xi32, #tpu.memory_space<vmem>> -> memref<1x80xi32, #tpu.memory_space<vmem>>
    %dma_start3A_60 = tpu.memref_squeeze %dma_start3A_59 : memref<1x80xi32, #tpu.memory_space<vmem>> -> memref<80xi32, #tpu.memory_space<vmem>>
    %dma_start3A_61 = arith.constant 0 : i32
    %dma_start3A_62 = arith.constant 0 : i32
    %dma_start3A_63 = tpu.memref_slice %arg10[%dma_start3A_61, %dma_start3A_62] : memref<10112x128xf32, #tpu.memory_space<vmem_shared>> -> memref<10112x128xf32, #tpu.memory_space<vmem_shared>>
    tpu.enqueue_indirect_dma source(%arg8 : memref<80x128xf32, #tpu.memory_space<vmem>>) target(%dma_start3A_63 : memref<10112x128xf32, #tpu.memory_space<vmem_shared>>) offsets(%dma_start3A_60 : memref<80xi32, #tpu.memory_space<vmem>>) semaphore(%arg13 : memref<!tpu.dma_semaphore, #tpu.memory_space<semaphore_mem>>) {add = true}
    %dma_wait3A_64 = arith.constant 124 : i32
    %dma_wait3A_65 = arith.constant 0 : i32
    %dma_wait3A_66 = tpu.memref_slice %arg7[%dma_wait3A_64, %dma_wait3A_65] : memref<125x80xi32, #tpu.memory_space<vmem>> -> memref<1x80xi32, #tpu.memory_space<vmem>>
    %dma_wait3A_67 = tpu.memref_squeeze %dma_wait3A_66 : memref<1x80xi32, #tpu.memory_space<vmem>> -> memref<80xi32, #tpu.memory_space<vmem>>
    %dma_wait3A_68 = arith.constant 0 : i32
    %dma_wait3A_69 = arith.constant 0 : i32
    %dma_wait3A_70 = tpu.memref_slice %arg10[%dma_wait3A_68, %dma_wait3A_69] : memref<10112x128xf32, #tpu.memory_space<vmem_shared>> -> memref<10112x128xf32, #tpu.memory_space<vmem_shared>>
    tpu.wait_indirect_dma semaphore(%arg13 : memref<!tpu.dma_semaphore, #tpu.memory_space<semaphore_mem>>) src(%arg8 : memref<80x128xf32, #tpu.memory_space<vmem>>) dst(%dma_wait3A_70 : memref<10112x128xf32, #tpu.memory_space<vmem_shared>>)
    %barrier3A_71 = arith.constant 0 : index
    tpu.barrier barrier_id(%barrier3A_71)
    %mul3A_72 = arith.constant 632 : i32
    %mul3A_73 = arith.muli %arg1, %mul3A_72 : i32
    %mul3A_74 = arith.constant 632 : i32
    %mul3A_75 = arith.muli %arg1, %mul3A_74 : i32
    "tpu.region"() ({
      %run_scoped3A = tpu.sem_alloc : memref<!tpu.dma_semaphore, #tpu.memory_space<semaphore_mem>>
      %dma_start3A_76 = arith.constant 0 : i32
      %dma_start3A_77 = tpu.memref_slice %arg5[%arg0, %mul3A_75, %dma_start3A_76] : memref<2x10112x128xf32, #tpu.memory_space<hbm>> -> memref<1x632x128xf32, #tpu.memory_space<hbm>>
      %dma_start3A_78 = tpu.memref_squeeze %dma_start3A_77 : memref<1x632x128xf32, #tpu.memory_space<hbm>> -> memref<632x128xf32, #tpu.memory_space<hbm>>
      %dma_start3A_79 = arith.constant 0 : i32
      %dma_start3A_80 = tpu.memref_slice %arg10[%mul3A_73, %dma_start3A_79] : memref<10112x128xf32, #tpu.memory_space<vmem_shared>> -> memref<632x128xf32, #tpu.memory_space<vmem_shared>>
      tpu.enqueue_dma source(%dma_start3A_80 : memref<632x128xf32, #tpu.memory_space<vmem_shared>>) target(%dma_start3A_78 : memref<632x128xf32, #tpu.memory_space<hbm>>) target_semaphore(%run_scoped3A : memref<!tpu.dma_semaphore, #tpu.memory_space<semaphore_mem>>)
      %dma_wait3A_81 = arith.constant 0 : i32
      %dma_wait3A_82 = tpu.memref_slice %arg5[%arg0, %mul3A_75, %dma_wait3A_81] : memref<2x10112x128xf32, #tpu.memory_space<hbm>> -> memref<1x632x128xf32, #tpu.memory_space<hbm>>
      %dma_wait3A_83 = tpu.memref_squeeze %dma_wait3A_82 : memref<1x632x128xf32, #tpu.memory_space<hbm>> -> memref<632x128xf32, #tpu.memory_space<hbm>>
      %dma_wait3A_84 = arith.constant 0 : i32
      %dma_wait3A_85 = tpu.memref_slice %arg10[%mul3A_73, %dma_wait3A_84] : memref<10112x128xf32, #tpu.memory_space<vmem_shared>> -> memref<632x128xf32, #tpu.memory_space<vmem_shared>>
      tpu.wait_dma2 semaphore(%run_scoped3A : memref<!tpu.dma_semaphore, #tpu.memory_space<semaphore_mem>>) src(%dma_wait3A_85 : memref<632x128xf32, #tpu.memory_space<vmem_shared>>) dst(%dma_wait3A_83 : memref<632x128xf32, #tpu.memory_space<hbm>>)
      tpu.yield
    }) : () -> ()
    return
  }
}

#map = affine_map<(d0, d1) -> (0, 0)>
#map1 = affine_map<(d0, d1) -> (0, 0, 0)>
module attributes {stable_mosaic.version = 14 : i64} {
  func.func @body(%arg0: i32, %arg1: i32, %arg2: memref<10000x128xf32, #tpu.memory_space<hbm>>, %arg3: memref<32x10000xi32, #tpu.memory_space<hbm>>, %arg4: memref<32x125x80xi32, #tpu.memory_space<hbm>>, %arg5: memref<2x10112x128xf32, #tpu.memory_space<hbm>>, %arg6: memref<10000xi32, #tpu.memory_space<vmem>>, %arg7: memref<125x80xi32, #tpu.memory_space<vmem>>, %arg8: memref<80x128xf32, #tpu.memory_space<vmem>>, %arg9: memref<80x128xf32, #tpu.memory_space<vmem>>, %arg10: memref<10112x128xf32, #tpu.memory_space<vmem_shared>>, %arg11: memref<!tpu.dma_semaphore, #tpu.memory_space<semaphore_mem>>, %arg12: memref<!tpu.dma_semaphore, #tpu.memory_space<semaphore_mem>>, %arg13: memref<!tpu.dma_semaphore, #tpu.memory_space<semaphore_mem>>, %arg14: memref<!tpu.dma_semaphore, #tpu.memory_space<semaphore_mem>>) attributes {dimension_semantics = [#tpu.dimension_semantics<core_parallel>, #tpu.dimension_semantics<subcore_parallel>], iteration_bounds = array<i64: 2, 16>, scalar_prefetch = 0 : i64, scratch_operands = 9 : i64, tpu.core_type = #tpu.core_type<sc_vector_subcore>, window_params = [{transform_indices = #map}, {transform_indices = #map}, {transform_indices = #map1}, {transform_indices = #map1}]} {
    %mul3A = arith.constant 2 : i32
    %mul3A_0 = arith.muli %arg1, %mul3A : i32
    %add3A = arith.addi %mul3A_0, %arg0 : i32
    "tpu.region"() ({
      %run_scoped3A = tpu.sem_alloc : memref<!tpu.dma_semaphore, #tpu.memory_space<semaphore_mem>>
      %dma_start3A_76 = arith.constant 0 : i32
      %dma_start3A_77 = tpu.memref_slice %arg3[%add3A, %dma_start3A_76] : memref<32x10000xi32, #tpu.memory_space<hbm>> -> memref<1x10000xi32, #tpu.memory_space<hbm>>
      %dma_start3A_78 = tpu.memref_squeeze %dma_start3A_77 : memref<1x10000xi32, #tpu.memory_space<hbm>> -> memref<10000xi32, #tpu.memory_space<hbm>>
      %dma_start3A_79 = arith.constant 0 : i32
      %dma_start3A_80 = tpu.memref_slice %arg3[%add3A, %dma_start3A_79] : memref<32x10000xi32, #tpu.memory_space<hbm>> -> memref<1x10000xi32, #tpu.memory_space<hbm>>
      %dma_start3A_81 = tpu.memref_squeeze %dma_start3A_80 : memref<1x10000xi32, #tpu.memory_space<hbm>> -> memref<10000xi32, #tpu.memory_space<hbm>>
      tpu.enqueue_dma source(%dma_start3A_81 : memref<10000xi32, #tpu.memory_space<hbm>>) target(%arg6 : memref<10000xi32, #tpu.memory_space<vmem>>) target_semaphore(%run_scoped3A : memref<!tpu.dma_semaphore, #tpu.memory_space<semaphore_mem>>)
      %dma_wait3A_82 = arith.constant 0 : i32
      %dma_wait3A_83 = tpu.memref_slice %arg3[%add3A, %dma_wait3A_82] : memref<32x10000xi32, #tpu.memory_space<hbm>> -> memref<1x10000xi32, #tpu.memory_space<hbm>>
      %dma_wait3A_84 = tpu.memref_squeeze %dma_wait3A_83 : memref<1x10000xi32, #tpu.memory_space<hbm>> -> memref<10000xi32, #tpu.memory_space<hbm>>
      %dma_wait3A_85 = arith.constant 0 : i32
      %dma_wait3A_86 = tpu.memref_slice %arg3[%add3A, %dma_wait3A_85] : memref<32x10000xi32, #tpu.memory_space<hbm>> -> memref<1x10000xi32, #tpu.memory_space<hbm>>
      %dma_wait3A_87 = tpu.memref_squeeze %dma_wait3A_86 : memref<1x10000xi32, #tpu.memory_space<hbm>> -> memref<10000xi32, #tpu.memory_space<hbm>>
      tpu.wait_dma2 semaphore(%run_scoped3A : memref<!tpu.dma_semaphore, #tpu.memory_space<semaphore_mem>>) src(%dma_wait3A_87 : memref<10000xi32, #tpu.memory_space<hbm>>) dst(%arg6 : memref<10000xi32, #tpu.memory_space<vmem>>)
      tpu.yield
    }) : () -> ()
    "tpu.region"() ({
      %run_scoped3A = tpu.sem_alloc : memref<!tpu.dma_semaphore, #tpu.memory_space<semaphore_mem>>
      %dma_start3A_76 = arith.constant 0 : i32
      %dma_start3A_77 = arith.constant 0 : i32
      %dma_start3A_78 = tpu.memref_slice %arg4[%add3A, %dma_start3A_76, %dma_start3A_77] : memref<32x125x80xi32, #tpu.memory_space<hbm>> -> memref<1x125x80xi32, #tpu.memory_space<hbm>>
      %dma_start3A_79 = tpu.memref_squeeze %dma_start3A_78 : memref<1x125x80xi32, #tpu.memory_space<hbm>> -> memref<125x80xi32, #tpu.memory_space<hbm>>
      %dma_start3A_80 = arith.constant 0 : i32
      %dma_start3A_81 = arith.constant 0 : i32
      %dma_start3A_82 = tpu.memref_slice %arg4[%add3A, %dma_start3A_80, %dma_start3A_81] : memref<32x125x80xi32, #tpu.memory_space<hbm>> -> memref<1x125x80xi32, #tpu.memory_space<hbm>>
      %dma_start3A_83 = tpu.memref_squeeze %dma_start3A_82 : memref<1x125x80xi32, #tpu.memory_space<hbm>> -> memref<125x80xi32, #tpu.memory_space<hbm>>
      tpu.enqueue_dma source(%dma_start3A_83 : memref<125x80xi32, #tpu.memory_space<hbm>>) target(%arg7 : memref<125x80xi32, #tpu.memory_space<vmem>>) target_semaphore(%run_scoped3A : memref<!tpu.dma_semaphore, #tpu.memory_space<semaphore_mem>>)
      %dma_wait3A_84 = arith.constant 0 : i32
      %dma_wait3A_85 = arith.constant 0 : i32
      %dma_wait3A_86 = tpu.memref_slice %arg4[%add3A, %dma_wait3A_84, %dma_wait3A_85] : memref<32x125x80xi32, #tpu.memory_space<hbm>> -> memref<1x125x80xi32, #tpu.memory_space<hbm>>
      %dma_wait3A_87 = tpu.memref_squeeze %dma_wait3A_86 : memref<1x125x80xi32, #tpu.memory_space<hbm>> -> memref<125x80xi32, #tpu.memory_space<hbm>>
      %dma_wait3A_88 = arith.constant 0 : i32
      %dma_wait3A_89 = arith.constant 0 : i32
      %dma_wait3A_90 = tpu.memref_slice %arg4[%add3A, %dma_wait3A_88, %dma_wait3A_89] : memref<32x125x80xi32, #tpu.memory_space<hbm>> -> memref<1x125x80xi32, #tpu.memory_space<hbm>>
      %dma_wait3A_91 = tpu.memref_squeeze %dma_wait3A_90 : memref<1x125x80xi32, #tpu.memory_space<hbm>> -> memref<125x80xi32, #tpu.memory_space<hbm>>
      tpu.wait_dma2 semaphore(%run_scoped3A : memref<!tpu.dma_semaphore, #tpu.memory_space<semaphore_mem>>) src(%dma_wait3A_91 : memref<125x80xi32, #tpu.memory_space<hbm>>) dst(%arg7 : memref<125x80xi32, #tpu.memory_space<vmem>>)
      tpu.yield
    }) : () -> ()
    %scan3A = arith.constant 0 : i32
    %scan3A_1 = arith.constant 0 : i32
    %scan3A_2 = arith.constant 80 : i32
    %scan3A_3 = arith.addi %scan3A_1, %scan3A_2 : i32
    %scan3A_4 = arith.constant 1 : i32
    scf.for %scan3A_76 = %scan3A_1 to %scan3A_3 step %scan3A_4  : i32 {
      %broadcast_in_dim3A = arith.constant 0.000000e+00 : f32
      %broadcast_in_dim3A_77 = vector.broadcast %broadcast_in_dim3A : f32 to vector<16xf32>
      %swap3A = arith.index_cast %scan3A_76 : i32 to index
      %swap3A_78 = arith.constant 0 : index
      %swap3A_79 = tpu.vector_load %arg9[%swap3A, %swap3A_78] {strides = array<i32>} : memref<80x128xf32, #tpu.memory_space<vmem>>, vector<1x16xf32>,
      %swap3A_80 = vector.shape_cast %swap3A_79 : vector<1x16xf32> to vector<16xf32>
      %swap3A_81 = vector.shape_cast %broadcast_in_dim3A_77 : vector<16xf32> to vector<1x16xf32>
      tpu.vector_store %arg9[%swap3A, %swap3A_78], %swap3A_81 {strides = array<i32>} : memref<80x128xf32, #tpu.memory_space<vmem>>, vector<1x16xf32>,
      %broadcast_in_dim3A_82 = arith.constant 0.000000e+00 : f32
      %broadcast_in_dim3A_83 = vector.broadcast %broadcast_in_dim3A_82 : f32 to vector<16xf32>
      %swap3A_84 = arith.index_cast %scan3A_76 : i32 to index
      %swap3A_85 = arith.constant 16 : index
      %swap3A_86 = tpu.vector_load %arg9[%swap3A_84, %swap3A_85] {strides = array<i32>} : memref<80x128xf32, #tpu.memory_space<vmem>>, vector<1x16xf32>,
      %swap3A_87 = vector.shape_cast %swap3A_86 : vector<1x16xf32> to vector<16xf32>
      %swap3A_88 = vector.shape_cast %broadcast_in_dim3A_83 : vector<16xf32> to vector<1x16xf32>
      tpu.vector_store %arg9[%swap3A_84, %swap3A_85], %swap3A_88 {strides = array<i32>} : memref<80x128xf32, #tpu.memory_space<vmem>>, vector<1x16xf32>,
      %broadcast_in_dim3A_89 = arith.constant 0.000000e+00 : f32
      %broadcast_in_dim3A_90 = vector.broadcast %broadcast_in_dim3A_89 : f32 to vector<16xf32>
      %swap3A_91 = arith.index_cast %scan3A_76 : i32 to index
      %swap3A_92 = arith.constant 32 : index
      %swap3A_93 = tpu.vector_load %arg9[%swap3A_91, %swap3A_92] {strides = array<i32>} : memref<80x128xf32, #tpu.memory_space<vmem>>, vector<1x16xf32>,
      %swap3A_94 = vector.shape_cast %swap3A_93 : vector<1x16xf32> to vector<16xf32>
      %swap3A_95 = vector.shape_cast %broadcast_in_dim3A_90 : vector<16xf32> to vector<1x16xf32>
      tpu.vector_store %arg9[%swap3A_91, %swap3A_92], %swap3A_95 {strides = array<i32>} : memref<80x128xf32, #tpu.memory_space<vmem>>, vector<1x16xf32>,
      %broadcast_in_dim3A_96 = arith.constant 0.000000e+00 : f32
      %broadcast_in_dim3A_97 = vector.broadcast %broadcast_in_dim3A_96 : f32 to vector<16xf32>
      %swap3A_98 = arith.index_cast %scan3A_76 : i32 to index
      %swap3A_99 = arith.constant 48 : index
      %swap3A_100 = tpu.vector_load %arg9[%swap3A_98, %swap3A_99] {strides = array<i32>} : memref<80x128xf32, #tpu.memory_space<vmem>>, vector<1x16xf32>,
      %swap3A_101 = vector.shape_cast %swap3A_100 : vector<1x16xf32> to vector<16xf32>
      %swap3A_102 = vector.shape_cast %broadcast_in_dim3A_97 : vector<16xf32> to vector<1x16xf32>
      tpu.vector_store %arg9[%swap3A_98, %swap3A_99], %swap3A_102 {strides = array<i32>} : memref<80x128xf32, #tpu.memory_space<vmem>>, vector<1x16xf32>,
      %broadcast_in_dim3A_103 = arith.constant 0.000000e+00 : f32
      %broadcast_in_dim3A_104 = vector.broadcast %broadcast_in_dim3A_103 : f32 to vector<16xf32>
      %swap3A_105 = arith.index_cast %scan3A_76 : i32 to index
      %swap3A_106 = arith.constant 64 : index
      %swap3A_107 = tpu.vector_load %arg9[%swap3A_105, %swap3A_106] {strides = array<i32>} : memref<80x128xf32, #tpu.memory_space<vmem>>, vector<1x16xf32>,
      %swap3A_108 = vector.shape_cast %swap3A_107 : vector<1x16xf32> to vector<16xf32>
      %swap3A_109 = vector.shape_cast %broadcast_in_dim3A_104 : vector<16xf32> to vector<1x16xf32>
      tpu.vector_store %arg9[%swap3A_105, %swap3A_106], %swap3A_109 {strides = array<i32>} : memref<80x128xf32, #tpu.memory_space<vmem>>, vector<1x16xf32>,
      %broadcast_in_dim3A_110 = arith.constant 0.000000e+00 : f32
      %broadcast_in_dim3A_111 = vector.broadcast %broadcast_in_dim3A_110 : f32 to vector<16xf32>
      %swap3A_112 = arith.index_cast %scan3A_76 : i32 to index
      %swap3A_113 = arith.constant 80 : index
      %swap3A_114 = tpu.vector_load %arg9[%swap3A_112, %swap3A_113] {strides = array<i32>} : memref<80x128xf32, #tpu.memory_space<vmem>>, vector<1x16xf32>,
      %swap3A_115 = vector.shape_cast %swap3A_114 : vector<1x16xf32> to vector<16xf32>
      %swap3A_116 = vector.shape_cast %broadcast_in_dim3A_111 : vector<16xf32> to vector<1x16xf32>
      tpu.vector_store %arg9[%swap3A_112, %swap3A_113], %swap3A_116 {strides = array<i32>} : memref<80x128xf32, #tpu.memory_space<vmem>>, vector<1x16xf32>,
      %broadcast_in_dim3A_117 = arith.constant 0.000000e+00 : f32
      %broadcast_in_dim3A_118 = vector.broadcast %broadcast_in_dim3A_117 : f32 to vector<16xf32>
      %swap3A_119 = arith.index_cast %scan3A_76 : i32 to index
      %swap3A_120 = arith.constant 96 : index
      %swap3A_121 = tpu.vector_load %arg9[%swap3A_119, %swap3A_120] {strides = array<i32>} : memref<80x128xf32, #tpu.memory_space<vmem>>, vector<1x16xf32>,
      %swap3A_122 = vector.shape_cast %swap3A_121 : vector<1x16xf32> to vector<16xf32>
      %swap3A_123 = vector.shape_cast %broadcast_in_dim3A_118 : vector<16xf32> to vector<1x16xf32>
      tpu.vector_store %arg9[%swap3A_119, %swap3A_120], %swap3A_123 {strides = array<i32>} : memref<80x128xf32, #tpu.memory_space<vmem>>, vector<1x16xf32>,
      %broadcast_in_dim3A_124 = arith.constant 0.000000e+00 : f32
      %broadcast_in_dim3A_125 = vector.broadcast %broadcast_in_dim3A_124 : f32 to vector<16xf32>
      %swap3A_126 = arith.index_cast %scan3A_76 : i32 to index
      %swap3A_127 = arith.constant 112 : index
      %swap3A_128 = tpu.vector_load %arg9[%swap3A_126, %swap3A_127] {strides = array<i32>} : memref<80x128xf32, #tpu.memory_space<vmem>>, vector<1x16xf32>,
      %swap3A_129 = vector.shape_cast %swap3A_128 : vector<1x16xf32> to vector<16xf32>
      %swap3A_130 = vector.shape_cast %broadcast_in_dim3A_125 : vector<16xf32> to vector<1x16xf32>
      tpu.vector_store %arg9[%swap3A_126, %swap3A_127], %swap3A_130 {strides = array<i32>} : memref<80x128xf32, #tpu.memory_space<vmem>>, vector<1x16xf32>,
    }
    %scan3A_5 = arith.constant 80 : i32
    %mul3A_6 = arith.constant 632 : i32
    %mul3A_7 = arith.muli %arg1, %mul3A_6 : i32
    %add3A_8 = arith.constant 0 : i32
    %add3A_9 = arith.addi %mul3A_7, %add3A_8 : i32
    "tpu.region"() ({
      %run_scoped3A = tpu.sem_alloc : memref<!tpu.dma_semaphore, #tpu.memory_space<semaphore_mem>>
      %dma_start3A_76 = arith.constant 0 : i32
      %dma_start3A_77 = tpu.memref_slice %arg10[%add3A_9, %dma_start3A_76] : memref<10112x128xf32, #tpu.memory_space<vmem_shared>> -> memref<80x128xf32, #tpu.memory_space<vmem_shared>>
      %dma_start3A_78 = arith.constant 0 : i32
      %dma_start3A_79 = tpu.memref_slice %arg10[%add3A_9, %dma_start3A_78] : memref<10112x128xf32, #tpu.memory_space<vmem_shared>> -> memref<80x128xf32, #tpu.memory_space<vmem_shared>>
      tpu.enqueue_dma source(%arg9 : memref<80x128xf32, #tpu.memory_space<vmem>>) target(%dma_start3A_79 : memref<80x128xf32, #tpu.memory_space<vmem_shared>>) target_semaphore(%run_scoped3A : memref<!tpu.dma_semaphore, #tpu.memory_space<semaphore_mem>>)
      %dma_wait3A_80 = arith.constant 0 : i32
      %dma_wait3A_81 = tpu.memref_slice %arg10[%add3A_9, %dma_wait3A_80] : memref<10112x128xf32, #tpu.memory_space<vmem_shared>> -> memref<80x128xf32, #tpu.memory_space<vmem_shared>>
      %dma_wait3A_82 = arith.constant 0 : i32
      %dma_wait3A_83 = tpu.memref_slice %arg10[%add3A_9, %dma_wait3A_82] : memref<10112x128xf32, #tpu.memory_space<vmem_shared>> -> memref<80x128xf32, #tpu.memory_space<vmem_shared>>
      tpu.wait_dma2 semaphore(%run_scoped3A : memref<!tpu.dma_semaphore, #tpu.memory_space<semaphore_mem>>) src(%arg9 : memref<80x128xf32, #tpu.memory_space<vmem>>) dst(%dma_wait3A_83 : memref<80x128xf32, #tpu.memory_space<vmem_shared>>)
      tpu.yield
    }) : () -> ()
    %mul3A_10 = arith.constant 632 : i32
    %mul3A_11 = arith.muli %arg1, %mul3A_10 : i32
    %add3A_12 = arith.constant 80 : i32
    %add3A_13 = arith.addi %mul3A_11, %add3A_12 : i32
    "tpu.region"() ({
      %run_scoped3A = tpu.sem_alloc : memref<!tpu.dma_semaphore, #tpu.memory_space<semaphore_mem>>
      %dma_start3A_76 = arith.constant 0 : i32
      %dma_start3A_77 = tpu.memref_slice %arg10[%add3A_13, %dma_start3A_76] : memref<10112x128xf32, #tpu.memory_space<vmem_shared>> -> memref<80x128xf32, #tpu.memory_space<vmem_shared>>
      %dma_start3A_78 = arith.constant 0 : i32
      %dma_start3A_79 = tpu.memref_slice %arg10[%add3A_13, %dma_start3A_78] : memref<10112x128xf32, #tpu.memory_space<vmem_shared>> -> memref<80x128xf32, #tpu.memory_space<vmem_shared>>
      tpu.enqueue_dma source(%arg9 : memref<80x128xf32, #tpu.memory_space<vmem>>) target(%dma_start3A_79 : memref<80x128xf32, #tpu.memory_space<vmem_shared>>) target_semaphore(%run_scoped3A : memref<!tpu.dma_semaphore, #tpu.memory_space<semaphore_mem>>)
      %dma_wait3A_80 = arith.constant 0 : i32
      %dma_wait3A_81 = tpu.memref_slice %arg10[%add3A_13, %dma_wait3A_80] : memref<10112x128xf32, #tpu.memory_space<vmem_shared>> -> memref<80x128xf32, #tpu.memory_space<vmem_shared>>
      %dma_wait3A_82 = arith.constant 0 : i32
      %dma_wait3A_83 = tpu.memref_slice %arg10[%add3A_13, %dma_wait3A_82] : memref<10112x128xf32, #tpu.memory_space<vmem_shared>> -> memref<80x128xf32, #tpu.memory_space<vmem_shared>>
      tpu.wait_dma2 semaphore(%run_scoped3A : memref<!tpu.dma_semaphore, #tpu.memory_space<semaphore_mem>>) src(%arg9 : memref<80x128xf32, #tpu.memory_space<vmem>>) dst(%dma_wait3A_83 : memref<80x128xf32, #tpu.memory_space<vmem_shared>>)
      tpu.yield
    }) : () -> ()
    %mul3A_14 = arith.constant 632 : i32
    %mul3A_15 = arith.muli %arg1, %mul3A_14 : i32
    %add3A_16 = arith.constant 160 : i32
    %add3A_17 = arith.addi %mul3A_15, %add3A_16 : i32
    "tpu.region"() ({
      %run_scoped3A = tpu.sem_alloc : memref<!tpu.dma_semaphore, #tpu.memory_space<semaphore_mem>>
      %dma_start3A_76 = arith.constant 0 : i32
      %dma_start3A_77 = tpu.memref_slice %arg10[%add3A_17, %dma_start3A_76] : memref<10112x128xf32, #tpu.memory_space<vmem_shared>> -> memref<80x128xf32, #tpu.memory_space<vmem_shared>>
      %dma_start3A_78 = arith.constant 0 : i32
      %dma_start3A_79 = tpu.memref_slice %arg10[%add3A_17, %dma_start3A_78] : memref<10112x128xf32, #tpu.memory_space<vmem_shared>> -> memref<80x128xf32, #tpu.memory_space<vmem_shared>>
      tpu.enqueue_dma source(%arg9 : memref<80x128xf32, #tpu.memory_space<vmem>>) target(%dma_start3A_79 : memref<80x128xf32, #tpu.memory_space<vmem_shared>>) target_semaphore(%run_scoped3A : memref<!tpu.dma_semaphore, #tpu.memory_space<semaphore_mem>>)
      %dma_wait3A_80 = arith.constant 0 : i32
      %dma_wait3A_81 = tpu.memref_slice %arg10[%add3A_17, %dma_wait3A_80] : memref<10112x128xf32, #tpu.memory_space<vmem_shared>> -> memref<80x128xf32, #tpu.memory_space<vmem_shared>>
      %dma_wait3A_82 = arith.constant 0 : i32
      %dma_wait3A_83 = tpu.memref_slice %arg10[%add3A_17, %dma_wait3A_82] : memref<10112x128xf32, #tpu.memory_space<vmem_shared>> -> memref<80x128xf32, #tpu.memory_space<vmem_shared>>
      tpu.wait_dma2 semaphore(%run_scoped3A : memref<!tpu.dma_semaphore, #tpu.memory_space<semaphore_mem>>) src(%arg9 : memref<80x128xf32, #tpu.memory_space<vmem>>) dst(%dma_wait3A_83 : memref<80x128xf32, #tpu.memory_space<vmem_shared>>)
      tpu.yield
    }) : () -> ()
    %mul3A_18 = arith.constant 632 : i32
    %mul3A_19 = arith.muli %arg1, %mul3A_18 : i32
    %add3A_20 = arith.constant 240 : i32
    %add3A_21 = arith.addi %mul3A_19, %add3A_20 : i32
    "tpu.region"() ({
      %run_scoped3A = tpu.sem_alloc : memref<!tpu.dma_semaphore, #tpu.memory_space<semaphore_mem>>
      %dma_start3A_76 = arith.constant 0 : i32
      %dma_start3A_77 = tpu.memref_slice %arg10[%add3A_21, %dma_start3A_76] : memref<10112x128xf32, #tpu.memory_space<vmem_shared>> -> memref<80x128xf32, #tpu.memory_space<vmem_shared>>
      %dma_start3A_78 = arith.constant 0 : i32
      %dma_start3A_79 = tpu.memref_slice %arg10[%add3A_21, %dma_start3A_78] : memref<10112x128xf32, #tpu.memory_space<vmem_shared>> -> memref<80x128xf32, #tpu.memory_space<vmem_shared>>
      tpu.enqueue_dma source(%arg9 : memref<80x128xf32, #tpu.memory_space<vmem>>) target(%dma_start3A_79 : memref<80x128xf32, #tpu.memory_space<vmem_shared>>) target_semaphore(%run_scoped3A : memref<!tpu.dma_semaphore, #tpu.memory_space<semaphore_mem>>)
      %dma_wait3A_80 = arith.constant 0 : i32
      %dma_wait3A_81 = tpu.memref_slice %arg10[%add3A_21, %dma_wait3A_80] : memref<10112x128xf32, #tpu.memory_space<vmem_shared>> -> memref<80x128xf32, #tpu.memory_space<vmem_shared>>
      %dma_wait3A_82 = arith.constant 0 : i32
      %dma_wait3A_83 = tpu.memref_slice %arg10[%add3A_21, %dma_wait3A_82] : memref<10112x128xf32, #tpu.memory_space<vmem_shared>> -> memref<80x128xf32, #tpu.memory_space<vmem_shared>>
      tpu.wait_dma2 semaphore(%run_scoped3A : memref<!tpu.dma_semaphore, #tpu.memory_space<semaphore_mem>>) src(%arg9 : memref<80x128xf32, #tpu.memory_space<vmem>>) dst(%dma_wait3A_83 : memref<80x128xf32, #tpu.memory_space<vmem_shared>>)
      tpu.yield
    }) : () -> ()
    %mul3A_22 = arith.constant 632 : i32
    %mul3A_23 = arith.muli %arg1, %mul3A_22 : i32
    %add3A_24 = arith.constant 320 : i32
    %add3A_25 = arith.addi %mul3A_23, %add3A_24 : i32
    "tpu.region"() ({
      %run_scoped3A = tpu.sem_alloc : memref<!tpu.dma_semaphore, #tpu.memory_space<semaphore_mem>>
      %dma_start3A_76 = arith.constant 0 : i32
      %dma_start3A_77 = tpu.memref_slice %arg10[%add3A_25, %dma_start3A_76] : memref<10112x128xf32, #tpu.memory_space<vmem_shared>> -> memref<80x128xf32, #tpu.memory_space<vmem_shared>>
      %dma_start3A_78 = arith.constant 0 : i32
      %dma_start3A_79 = tpu.memref_slice %arg10[%add3A_25, %dma_start3A_78] : memref<10112x128xf32, #tpu.memory_space<vmem_shared>> -> memref<80x128xf32, #tpu.memory_space<vmem_shared>>
      tpu.enqueue_dma source(%arg9 : memref<80x128xf32, #tpu.memory_space<vmem>>) target(%dma_start3A_79 : memref<80x128xf32, #tpu.memory_space<vmem_shared>>) target_semaphore(%run_scoped3A : memref<!tpu.dma_semaphore, #tpu.memory_space<semaphore_mem>>)
      %dma_wait3A_80 = arith.constant 0 : i32
      %dma_wait3A_81 = tpu.memref_slice %arg10[%add3A_25, %dma_wait3A_80] : memref<10112x128xf32, #tpu.memory_space<vmem_shared>> -> memref<80x128xf32, #tpu.memory_space<vmem_shared>>
      %dma_wait3A_82 = arith.constant 0 : i32
      %dma_wait3A_83 = tpu.memref_slice %arg10[%add3A_25, %dma_wait3A_82] : memref<10112x128xf32, #tpu.memory_space<vmem_shared>> -> memref<80x128xf32, #tpu.memory_space<vmem_shared>>
      tpu.wait_dma2 semaphore(%run_scoped3A : memref<!tpu.dma_semaphore, #tpu.memory_space<semaphore_mem>>) src(%arg9 : memref<80x128xf32, #tpu.memory_space<vmem>>) dst(%dma_wait3A_83 : memref<80x128xf32, #tpu.memory_space<vmem_shared>>)
      tpu.yield
    }) : () -> ()
    %mul3A_26 = arith.constant 632 : i32
    %mul3A_27 = arith.muli %arg1, %mul3A_26 : i32
    %add3A_28 = arith.constant 400 : i32
    %add3A_29 = arith.addi %mul3A_27, %add3A_28 : i32
    "tpu.region"() ({
      %run_scoped3A = tpu.sem_alloc : memref<!tpu.dma_semaphore, #tpu.memory_space<semaphore_mem>>
      %dma_start3A_76 = arith.constant 0 : i32
      %dma_start3A_77 = tpu.memref_slice %arg10[%add3A_29, %dma_start3A_76] : memref<10112x128xf32, #tpu.memory_space<vmem_shared>> -> memref<80x128xf32, #tpu.memory_space<vmem_shared>>
      %dma_start3A_78 = arith.constant 0 : i32
      %dma_start3A_79 = tpu.memref_slice %arg10[%add3A_29, %dma_start3A_78] : memref<10112x128xf32, #tpu.memory_space<vmem_shared>> -> memref<80x128xf32, #tpu.memory_space<vmem_shared>>
      tpu.enqueue_dma source(%arg9 : memref<80x128xf32, #tpu.memory_space<vmem>>) target(%dma_start3A_79 : memref<80x128xf32, #tpu.memory_space<vmem_shared>>) target_semaphore(%run_scoped3A : memref<!tpu.dma_semaphore, #tpu.memory_space<semaphore_mem>>)
      %dma_wait3A_80 = arith.constant 0 : i32
      %dma_wait3A_81 = tpu.memref_slice %arg10[%add3A_29, %dma_wait3A_80] : memref<10112x128xf32, #tpu.memory_space<vmem_shared>> -> memref<80x128xf32, #tpu.memory_space<vmem_shared>>
      %dma_wait3A_82 = arith.constant 0 : i32
      %dma_wait3A_83 = tpu.memref_slice %arg10[%add3A_29, %dma_wait3A_82] : memref<10112x128xf32, #tpu.memory_space<vmem_shared>> -> memref<80x128xf32, #tpu.memory_space<vmem_shared>>
      tpu.wait_dma2 semaphore(%run_scoped3A : memref<!tpu.dma_semaphore, #tpu.memory_space<semaphore_mem>>) src(%arg9 : memref<80x128xf32, #tpu.memory_space<vmem>>) dst(%dma_wait3A_83 : memref<80x128xf32, #tpu.memory_space<vmem_shared>>)
      tpu.yield
    }) : () -> ()
    %mul3A_30 = arith.constant 632 : i32
    %mul3A_31 = arith.muli %arg1, %mul3A_30 : i32
    %add3A_32 = arith.constant 480 : i32
    %add3A_33 = arith.addi %mul3A_31, %add3A_32 : i32
    "tpu.region"() ({
      %run_scoped3A = tpu.sem_alloc : memref<!tpu.dma_semaphore, #tpu.memory_space<semaphore_mem>>
      %dma_start3A_76 = arith.constant 0 : i32
      %dma_start3A_77 = tpu.memref_slice %arg10[%add3A_33, %dma_start3A_76] : memref<10112x128xf32, #tpu.memory_space<vmem_shared>> -> memref<80x128xf32, #tpu.memory_space<vmem_shared>>
      %dma_start3A_78 = arith.constant 0 : i32
      %dma_start3A_79 = tpu.memref_slice %arg10[%add3A_33, %dma_start3A_78] : memref<10112x128xf32, #tpu.memory_space<vmem_shared>> -> memref<80x128xf32, #tpu.memory_space<vmem_shared>>
      tpu.enqueue_dma source(%arg9 : memref<80x128xf32, #tpu.memory_space<vmem>>) target(%dma_start3A_79 : memref<80x128xf32, #tpu.memory_space<vmem_shared>>) target_semaphore(%run_scoped3A : memref<!tpu.dma_semaphore, #tpu.memory_space<semaphore_mem>>)
      %dma_wait3A_80 = arith.constant 0 : i32
      %dma_wait3A_81 = tpu.memref_slice %arg10[%add3A_33, %dma_wait3A_80] : memref<10112x128xf32, #tpu.memory_space<vmem_shared>> -> memref<80x128xf32, #tpu.memory_space<vmem_shared>>
      %dma_wait3A_82 = arith.constant 0 : i32
      %dma_wait3A_83 = tpu.memref_slice %arg10[%add3A_33, %dma_wait3A_82] : memref<10112x128xf32, #tpu.memory_space<vmem_shared>> -> memref<80x128xf32, #tpu.memory_space<vmem_shared>>
      tpu.wait_dma2 semaphore(%run_scoped3A : memref<!tpu.dma_semaphore, #tpu.memory_space<semaphore_mem>>) src(%arg9 : memref<80x128xf32, #tpu.memory_space<vmem>>) dst(%dma_wait3A_83 : memref<80x128xf32, #tpu.memory_space<vmem_shared>>)
      tpu.yield
    }) : () -> ()
    %mul3A_34 = arith.constant 632 : i32
    %mul3A_35 = arith.muli %arg1, %mul3A_34 : i32
    %add3A_36 = arith.constant 560 : i32
    %add3A_37 = arith.addi %mul3A_35, %add3A_36 : i32
    "tpu.region"() ({
      %run_scoped3A = tpu.sem_alloc : memref<!tpu.dma_semaphore, #tpu.memory_space<semaphore_mem>>
      %dma_start3A_76 = arith.constant 0 : i32
      %dma_start3A_77 = arith.constant 0 : i32
      %dma_start3A_78 = tpu.memref_slice %arg9[%dma_start3A_76, %dma_start3A_77] : memref<80x128xf32, #tpu.memory_space<vmem>> -> memref<72x128xf32, #tpu.memory_space<vmem>>
      %dma_start3A_79 = arith.constant 0 : i32
      %dma_start3A_80 = tpu.memref_slice %arg10[%add3A_37, %dma_start3A_79] : memref<10112x128xf32, #tpu.memory_space<vmem_shared>> -> memref<72x128xf32, #tpu.memory_space<vmem_shared>>
      %dma_start3A_81 = arith.constant 0 : i32
      %dma_start3A_82 = tpu.memref_slice %arg10[%add3A_37, %dma_start3A_81] : memref<10112x128xf32, #tpu.memory_space<vmem_shared>> -> memref<72x128xf32, #tpu.memory_space<vmem_shared>>
      %dma_start3A_83 = arith.constant 0 : i32
      %dma_start3A_84 = arith.constant 0 : i32
      %dma_start3A_85 = tpu.memref_slice %arg9[%dma_start3A_83, %dma_start3A_84] : memref<80x128xf32, #tpu.memory_space<vmem>> -> memref<72x128xf32, #tpu.memory_space<vmem>>
      tpu.enqueue_dma source(%dma_start3A_85 : memref<72x128xf32, #tpu.memory_space<vmem>>) target(%dma_start3A_82 : memref<72x128xf32, #tpu.memory_space<vmem_shared>>) target_semaphore(%run_scoped3A : memref<!tpu.dma_semaphore, #tpu.memory_space<semaphore_mem>>)
      %dma_wait3A_86 = arith.constant 0 : i32
      %dma_wait3A_87 = arith.constant 0 : i32
      %dma_wait3A_88 = tpu.memref_slice %arg9[%dma_wait3A_86, %dma_wait3A_87] : memref<80x128xf32, #tpu.memory_space<vmem>> -> memref<72x128xf32, #tpu.memory_space<vmem>>
      %dma_wait3A_89 = arith.constant 0 : i32
      %dma_wait3A_90 = tpu.memref_slice %arg10[%add3A_37, %dma_wait3A_89] : memref<10112x128xf32, #tpu.memory_space<vmem_shared>> -> memref<72x128xf32, #tpu.memory_space<vmem_shared>>
      %dma_wait3A_91 = arith.constant 0 : i32
      %dma_wait3A_92 = tpu.memref_slice %arg10[%add3A_37, %dma_wait3A_91] : memref<10112x128xf32, #tpu.memory_space<vmem_shared>> -> memref<72x128xf32, #tpu.memory_space<vmem_shared>>
      %dma_wait3A_93 = arith.constant 0 : i32
      %dma_wait3A_94 = arith.constant 0 : i32
      %dma_wait3A_95 = tpu.memref_slice %arg9[%dma_wait3A_93, %dma_wait3A_94] : memref<80x128xf32, #tpu.memory_space<vmem>> -> memref<72x128xf32, #tpu.memory_space<vmem>>
      tpu.wait_dma2 semaphore(%run_scoped3A : memref<!tpu.dma_semaphore, #tpu.memory_space<semaphore_mem>>) src(%dma_wait3A_95 : memref<72x128xf32, #tpu.memory_space<vmem>>) dst(%dma_wait3A_92 : memref<72x128xf32, #tpu.memory_space<vmem_shared>>)
      tpu.yield
    }) : () -> ()
    %barrier3A = arith.constant 0 : index
    tpu.barrier barrier_id(%barrier3A)
    %dma_start3A = arith.constant 0 : i32
    %dma_start3A_38 = tpu.memref_slice %arg6[%dma_start3A] : memref<10000xi32, #tpu.memory_space<vmem>> -> memref<80xi32, #tpu.memory_space<vmem>>
    %dma_start3A_39 = arith.constant 0 : i32
    %dma_start3A_40 = arith.constant 0 : i32
    %dma_start3A_41 = tpu.memref_slice %arg2[%dma_start3A_39, %dma_start3A_40] : memref<10000x128xf32, #tpu.memory_space<hbm>> -> memref<10000x128xf32, #tpu.memory_space<hbm>>
    tpu.enqueue_indirect_dma source(%dma_start3A_41 : memref<10000x128xf32, #tpu.memory_space<hbm>>) target(%arg8 : memref<80x128xf32, #tpu.memory_space<vmem>>) offsets(%dma_start3A_38 : memref<80xi32, #tpu.memory_space<vmem>>) semaphore(%arg11 : memref<!tpu.dma_semaphore, #tpu.memory_space<semaphore_mem>>)
    %dma_start3A_42 = arith.constant 80 : i32
    %dma_start3A_43 = tpu.memref_slice %arg6[%dma_start3A_42] : memref<10000xi32, #tpu.memory_space<vmem>> -> memref<80xi32, #tpu.memory_space<vmem>>
    %dma_start3A_44 = arith.constant 0 : i32
    %dma_start3A_45 = arith.constant 0 : i32
    %dma_start3A_46 = tpu.memref_slice %arg2[%dma_start3A_44, %dma_start3A_45] : memref<10000x128xf32, #tpu.memory_space<hbm>> -> memref<10000x128xf32, #tpu.memory_space<hbm>>
    tpu.enqueue_indirect_dma source(%dma_start3A_46 : memref<10000x128xf32, #tpu.memory_space<hbm>>) target(%arg9 : memref<80x128xf32, #tpu.memory_space<vmem>>) offsets(%dma_start3A_43 : memref<80xi32, #tpu.memory_space<vmem>>) semaphore(%arg12 : memref<!tpu.dma_semaphore, #tpu.memory_space<semaphore_mem>>)
    %scan3A_47 = arith.constant 0 : i32
    %scan3A_48 = arith.constant 0 : i32
    %scan3A_49 = arith.constant 62 : i32
    %scan3A_50 = arith.addi %scan3A_48, %scan3A_49 : i32
    %scan3A_51 = arith.constant 1 : i32
    scf.for %scan3A_76 = %scan3A_48 to %scan3A_50 step %scan3A_51  : i32 {
      %mul3A_77 = arith.constant 2 : i32
      %mul3A_78 = arith.muli %mul3A_77, %scan3A_76 : i32
      %add3A_79 = arith.constant 1 : i32
      %add3A_80 = arith.addi %mul3A_78, %add3A_79 : i32
      %mul3A_81 = arith.constant 80 : i32
      %mul3A_82 = arith.muli %mul3A_78, %mul3A_81 : i32
      %dma_wait3A_83 = tpu.memref_slice %arg6[%mul3A_82] : memref<10000xi32, #tpu.memory_space<vmem>> -> memref<80xi32, #tpu.memory_space<vmem>>
      %dma_wait3A_84 = arith.constant 0 : i32
      %dma_wait3A_85 = arith.constant 0 : i32
      %dma_wait3A_86 = tpu.memref_slice %arg2[%dma_wait3A_84, %dma_wait3A_85] : memref<10000x128xf32, #tpu.memory_space<hbm>> -> memref<10000x128xf32, #tpu.memory_space<hbm>>
      tpu.wait_indirect_dma semaphore(%arg11 : memref<!tpu.dma_semaphore, #tpu.memory_space<semaphore_mem>>) src(%dma_wait3A_86 : memref<10000x128xf32, #tpu.memory_space<hbm>>) dst(%arg8 : memref<80x128xf32, #tpu.memory_space<vmem>>)
      %dma_start3A_87 = arith.constant 0 : i32
      %dma_start3A_88 = tpu.memref_slice %arg7[%mul3A_78, %dma_start3A_87] : memref<125x80xi32, #tpu.memory_space<vmem>> -> memref<1x80xi32, #tpu.memory_space<vmem>>
      %dma_start3A_89 = tpu.memref_squeeze %dma_start3A_88 : memref<1x80xi32, #tpu.memory_space<vmem>> -> memref<80xi32, #tpu.memory_space<vmem>>
      %dma_start3A_90 = arith.constant 0 : i32
      %dma_start3A_91 = arith.constant 0 : i32
      %dma_start3A_92 = tpu.memref_slice %arg10[%dma_start3A_90, %dma_start3A_91] : memref<10112x128xf32, #tpu.memory_space<vmem_shared>> -> memref<10112x128xf32, #tpu.memory_space<vmem_shared>>
      tpu.enqueue_indirect_dma source(%arg8 : memref<80x128xf32, #tpu.memory_space<vmem>>) target(%dma_start3A_92 : memref<10112x128xf32, #tpu.memory_space<vmem_shared>>) offsets(%dma_start3A_89 : memref<80xi32, #tpu.memory_space<vmem>>) semaphore(%arg13 : memref<!tpu.dma_semaphore, #tpu.memory_space<semaphore_mem>>) {add = true}
      %mul3A_93 = arith.constant 80 : i32
      %mul3A_94 = arith.muli %add3A_80, %mul3A_93 : i32
      %dma_wait3A_95 = tpu.memref_slice %arg6[%mul3A_94] : memref<10000xi32, #tpu.memory_space<vmem>> -> memref<80xi32, #tpu.memory_space<vmem>>
      %dma_wait3A_96 = arith.constant 0 : i32
      %dma_wait3A_97 = arith.constant 0 : i32
      %dma_wait3A_98 = tpu.memref_slice %arg2[%dma_wait3A_96, %dma_wait3A_97] : memref<10000x128xf32, #tpu.memory_space<hbm>> -> memref<10000x128xf32, #tpu.memory_space<hbm>>
      tpu.wait_indirect_dma semaphore(%arg12 : memref<!tpu.dma_semaphore, #tpu.memory_space<semaphore_mem>>) src(%dma_wait3A_98 : memref<10000x128xf32, #tpu.memory_space<hbm>>) dst(%arg9 : memref<80x128xf32, #tpu.memory_space<vmem>>)
      %dma_wait3A_99 = arith.constant 0 : i32
      %dma_wait3A_100 = tpu.memref_slice %arg7[%mul3A_78, %dma_wait3A_99] : memref<125x80xi32, #tpu.memory_space<vmem>> -> memref<1x80xi32, #tpu.memory_space<vmem>>
      %dma_wait3A_101 = tpu.memref_squeeze %dma_wait3A_100 : memref<1x80xi32, #tpu.memory_space<vmem>> -> memref<80xi32, #tpu.memory_space<vmem>>
      %dma_wait3A_102 = arith.constant 0 : i32
      %dma_wait3A_103 = arith.constant 0 : i32
      %dma_wait3A_104 = tpu.memref_slice %arg10[%dma_wait3A_102, %dma_wait3A_103] : memref<10112x128xf32, #tpu.memory_space<vmem_shared>> -> memref<10112x128xf32, #tpu.memory_space<vmem_shared>>
      tpu.wait_indirect_dma semaphore(%arg13 : memref<!tpu.dma_semaphore, #tpu.memory_space<semaphore_mem>>) src(%arg8 : memref<80x128xf32, #tpu.memory_space<vmem>>) dst(%dma_wait3A_104 : memref<10112x128xf32, #tpu.memory_space<vmem_shared>>)
      %add3A_105 = arith.constant 2 : i32
      %add3A_106 = arith.addi %mul3A_78, %add3A_105 : i32
      %lt3A = arith.constant 125 : i32
      %lt3A_107 = arith.cmpi slt, %add3A_106, %lt3A : i32
      %convert_element_type3A = arith.extui %lt3A_107 : i1 to i32
      %cond3A = arith.constant 0 : i32
      %cond3A_108 = arith.cmpi ne, %convert_element_type3A, %cond3A : i32
      scf.if %cond3A_108 {
        %add3A_128 = arith.constant 2 : i32
        %add3A_129 = arith.addi %mul3A_78, %add3A_128 : i32
        %mul3A_130 = arith.constant 80 : i32
        %mul3A_131 = arith.muli %add3A_129, %mul3A_130 : i32
        %dma_start3A_132 = tpu.memref_slice %arg6[%mul3A_131] : memref<10000xi32, #tpu.memory_space<vmem>> -> memref<80xi32, #tpu.memory_space<vmem>>
        %dma_start3A_133 = arith.constant 0 : i32
        %dma_start3A_134 = arith.constant 0 : i32
        %dma_start3A_135 = tpu.memref_slice %arg2[%dma_start3A_133, %dma_start3A_134] : memref<10000x128xf32, #tpu.memory_space<hbm>> -> memref<10000x128xf32, #tpu.memory_space<hbm>>
        tpu.enqueue_indirect_dma source(%dma_start3A_135 : memref<10000x128xf32, #tpu.memory_space<hbm>>) target(%arg8 : memref<80x128xf32, #tpu.memory_space<vmem>>) offsets(%dma_start3A_132 : memref<80xi32, #tpu.memory_space<vmem>>) semaphore(%arg11 : memref<!tpu.dma_semaphore, #tpu.memory_space<semaphore_mem>>)
      } else {
      }
      %dma_start3A_109 = arith.constant 0 : i32
      %dma_start3A_110 = tpu.memref_slice %arg7[%add3A_80, %dma_start3A_109] : memref<125x80xi32, #tpu.memory_space<vmem>> -> memref<1x80xi32, #tpu.memory_space<vmem>>
      %dma_start3A_111 = tpu.memref_squeeze %dma_start3A_110 : memref<1x80xi32, #tpu.memory_space<vmem>> -> memref<80xi32, #tpu.memory_space<vmem>>
      %dma_start3A_112 = arith.constant 0 : i32
      %dma_start3A_113 = arith.constant 0 : i32
      %dma_start3A_114 = tpu.memref_slice %arg10[%dma_start3A_112, %dma_start3A_113] : memref<10112x128xf32, #tpu.memory_space<vmem_shared>> -> memref<10112x128xf32, #tpu.memory_space<vmem_shared>>
      tpu.enqueue_indirect_dma source(%arg9 : memref<80x128xf32, #tpu.memory_space<vmem>>) target(%dma_start3A_114 : memref<10112x128xf32, #tpu.memory_space<vmem_shared>>) offsets(%dma_start3A_111 : memref<80xi32, #tpu.memory_space<vmem>>) semaphore(%arg14 : memref<!tpu.dma_semaphore, #tpu.memory_space<semaphore_mem>>) {add = true}
      %dma_wait3A_115 = arith.constant 0 : i32
      %dma_wait3A_116 = tpu.memref_slice %arg7[%add3A_80, %dma_wait3A_115] : memref<125x80xi32, #tpu.memory_space<vmem>> -> memref<1x80xi32, #tpu.memory_space<vmem>>
      %dma_wait3A_117 = tpu.memref_squeeze %dma_wait3A_116 : memref<1x80xi32, #tpu.memory_space<vmem>> -> memref<80xi32, #tpu.memory_space<vmem>>
      %dma_wait3A_118 = arith.constant 0 : i32
      %dma_wait3A_119 = arith.constant 0 : i32
      %dma_wait3A_120 = tpu.memref_slice %arg10[%dma_wait3A_118, %dma_wait3A_119] : memref<10112x128xf32, #tpu.memory_space<vmem_shared>> -> memref<10112x128xf32, #tpu.memory_space<vmem_shared>>
      tpu.wait_indirect_dma semaphore(%arg14 : memref<!tpu.dma_semaphore, #tpu.memory_space<semaphore_mem>>) src(%arg9 : memref<80x128xf32, #tpu.memory_space<vmem>>) dst(%dma_wait3A_120 : memref<10112x128xf32, #tpu.memory_space<vmem_shared>>)
      %add3A_121 = arith.constant 2 : i32
      %add3A_122 = arith.addi %add3A_80, %add3A_121 : i32
      %lt3A_123 = arith.constant 125 : i32
      %lt3A_124 = arith.cmpi slt, %add3A_122, %lt3A_123 : i32
      %convert_element_type3A_125 = arith.extui %lt3A_124 : i1 to i32
      %cond3A_126 = arith.constant 0 : i32
      %cond3A_127 = arith.cmpi ne, %convert_element_type3A_125, %cond3A_126 : i32
      scf.if %cond3A_127 {
        %add3A_128 = arith.constant 2 : i32
        %add3A_129 = arith.addi %add3A_80, %add3A_128 : i32
        %mul3A_130 = arith.constant 80 : i32
        %mul3A_131 = arith.muli %add3A_129, %mul3A_130 : i32
        %dma_start3A_132 = tpu.memref_slice %arg6[%mul3A_131] : memref<10000xi32, #tpu.memory_space<vmem>> -> memref<80xi32, #tpu.memory_space<vmem>>
        %dma_start3A_133 = arith.constant 0 : i32
        %dma_start3A_134 = arith.constant 0 : i32
        %dma_start3A_135 = tpu.memref_slice %arg2[%dma_start3A_133, %dma_start3A_134] : memref<10000x128xf32, #tpu.memory_space<hbm>> -> memref<10000x128xf32, #tpu.memory_space<hbm>>
        tpu.enqueue_indirect_dma source(%dma_start3A_135 : memref<10000x128xf32, #tpu.memory_space<hbm>>) target(%arg9 : memref<80x128xf32, #tpu.memory_space<vmem>>) offsets(%dma_start3A_132 : memref<80xi32, #tpu.memory_space<vmem>>) semaphore(%arg12 : memref<!tpu.dma_semaphore, #tpu.memory_space<semaphore_mem>>)
      } else {
      }
    }
    %scan3A_52 = arith.constant 62 : i32
    %dma_wait3A = arith.constant 9920 : i32
    %dma_wait3A_53 = tpu.memref_slice %arg6[%dma_wait3A] : memref<10000xi32, #tpu.memory_space<vmem>> -> memref<80xi32, #tpu.memory_space<vmem>>
    %dma_wait3A_54 = arith.constant 0 : i32
    %dma_wait3A_55 = arith.constant 0 : i32
    %dma_wait3A_56 = tpu.memref_slice %arg2[%dma_wait3A_54, %dma_wait3A_55] : memref<10000x128xf32, #tpu.memory_space<hbm>> -> memref<10000x128xf32, #tpu.memory_space<hbm>>
    tpu.wait_indirect_dma semaphore(%arg11 : memref<!tpu.dma_semaphore, #tpu.memory_space<semaphore_mem>>) src(%dma_wait3A_56 : memref<10000x128xf32, #tpu.memory_space<hbm>>) dst(%arg8 : memref<80x128xf32, #tpu.memory_space<vmem>>)
    %dma_start3A_57 = arith.constant 124 : i32
    %dma_start3A_58 = arith.constant 0 : i32
    %dma_start3A_59 = tpu.memref_slice %arg7[%dma_start3A_57, %dma_start3A_58] : memref<125x80xi32, #tpu.memory_space<vmem>> -> memref<1x80xi32, #tpu.memory_space<vmem>>
    %dma_start3A_60 = tpu.memref_squeeze %dma_start3A_59 : memref<1x80xi32, #tpu.memory_space<vmem>> -> memref<80xi32, #tpu.memory_space<vmem>>
    %dma_start3A_61 = arith.constant 0 : i32
    %dma_start3A_62 = arith.constant 0 : i32
    %dma_start3A_63 = tpu.memref_slice %arg10[%dma_start3A_61, %dma_start3A_62] : memref<10112x128xf32, #tpu.memory_space<vmem_shared>> -> memref<10112x128xf32, #tpu.memory_space<vmem_shared>>
    tpu.enqueue_indirect_dma source(%arg8 : memref<80x128xf32, #tpu.memory_space<vmem>>) target(%dma_start3A_63 : memref<10112x128xf32, #tpu.memory_space<vmem_shared>>) offsets(%dma_start3A_60 : memref<80xi32, #tpu.memory_space<vmem>>) semaphore(%arg13 : memref<!tpu.dma_semaphore, #tpu.memory_space<semaphore_mem>>) {add = true}
    %dma_wait3A_64 = arith.constant 124 : i32
    %dma_wait3A_65 = arith.constant 0 : i32
    %dma_wait3A_66 = tpu.memref_slice %arg7[%dma_wait3A_64, %dma_wait3A_65] : memref<125x80xi32, #tpu.memory_space<vmem>> -> memref<1x80xi32, #tpu.memory_space<vmem>>
    %dma_wait3A_67 = tpu.memref_squeeze %dma_wait3A_66 : memref<1x80xi32, #tpu.memory_space<vmem>> -> memref<80xi32, #tpu.memory_space<vmem>>
    %dma_wait3A_68 = arith.constant 0 : i32
    %dma_wait3A_69 = arith.constant 0 : i32
    %dma_wait3A_70 = tpu.memref_slice %arg10[%dma_wait3A_68, %dma_wait3A_69] : memref<10112x128xf32, #tpu.memory_space<vmem_shared>> -> memref<10112x128xf32, #tpu.memory_space<vmem_shared>>
    tpu.wait_indirect_dma semaphore(%arg13 : memref<!tpu.dma_semaphore, #tpu.memory_space<semaphore_mem>>) src(%arg8 : memref<80x128xf32, #tpu.memory_space<vmem>>) dst(%dma_wait3A_70 : memref<10112x128xf32, #tpu.memory_space<vmem_shared>>)
    %barrier3A_71 = arith.constant 0 : index
    tpu.barrier barrier_id(%barrier3A_71)
    %mul3A_72 = arith.constant 632 : i32
    %mul3A_73 = arith.muli %arg1, %mul3A_72 : i32
    %mul3A_74 = arith.constant 632 : i32
    %mul3A_75 = arith.muli %arg1, %mul3A_74 : i32
    "tpu.region"() ({
      %run_scoped3A = tpu.sem_alloc : memref<!tpu.dma_semaphore, #tpu.memory_space<semaphore_mem>>
      %dma_start3A_76 = arith.constant 0 : i32
      %dma_start3A_77 = tpu.memref_slice %arg5[%arg0, %mul3A_75, %dma_start3A_76] : memref<2x10112x128xf32, #tpu.memory_space<hbm>> -> memref<1x632x128xf32, #tpu.memory_space<hbm>>
      %dma_start3A_78 = tpu.memref_squeeze %dma_start3A_77 : memref<1x632x128xf32, #tpu.memory_space<hbm>> -> memref<632x128xf32, #tpu.memory_space<hbm>>
      %dma_start3A_79 = arith.constant 0 : i32
      %dma_start3A_80 = tpu.memref_slice %arg10[%mul3A_73, %dma_start3A_79] : memref<10112x128xf32, #tpu.memory_space<vmem_shared>> -> memref<632x128xf32, #tpu.memory_space<vmem_shared>>
      tpu.enqueue_dma source(%dma_start3A_80 : memref<632x128xf32, #tpu.memory_space<vmem_shared>>) target(%dma_start3A_78 : memref<632x128xf32, #tpu.memory_space<hbm>>) target_semaphore(%run_scoped3A : memref<!tpu.dma_semaphore, #tpu.memory_space<semaphore_mem>>)
      %dma_wait3A_81 = arith.constant 0 : i32
      %dma_wait3A_82 = tpu.memref_slice %arg5[%arg0, %mul3A_75, %dma_wait3A_81] : memref<2x10112x128xf32, #tpu.memory_space<hbm>> -> memref<1x632x128xf32, #tpu.memory_space<hbm>>
      %dma_wait3A_83 = tpu.memref_squeeze %dma_wait3A_82 : memref<1x632x128xf32, #tpu.memory_space<hbm>> -> memref<632x128xf32, #tpu.memory_space<hbm>>
      %dma_wait3A_84 = arith.constant 0 : i32
      %dma_wait3A_85 = tpu.memref_slice %arg10[%mul3A_73, %dma_wait3A_84] : memref<10112x128xf32, #tpu.memory_space<vmem_shared>> -> memref<632x128xf32, #tpu.memory_space<vmem_shared>>
      tpu.wait_dma2 semaphore(%run_scoped3A : memref<!tpu.dma_semaphore, #tpu.memory_space<semaphore_mem>>) src(%dma_wait3A_85 : memref<632x128xf32, #tpu.memory_space<vmem_shared>>) dst(%dma_wait3A_83 : memref<632x128xf32, #tpu.memory_space<hbm>>)
      tpu.yield
    }) : () -> ()
    return
  }
}

module attributes {stable_mosaic.version = 14 : i64} {
  func.func @_tc_zr_body(%arg0: i32, %arg1: memref<1000x128xf32, #tpu.memory_space<vmem>>, %arg2: memref<128x128xf32, #tpu.memory_space<vmem>>, %arg3: memref<1000x128xf32, #tpu.memory_space<vmem>>) attributes {dimension_semantics = [#tpu.dimension_semantics<arbitrary>], iteration_bounds = array<i64: 10>, scalar_prefetch = 0 : i64, scratch_operands = 0 : i64, tpu.core_type = #tpu.core_type<tc>, window_params = [{transform_indices = @transform_0, window_bounds = array<i64: 1000, 128>}, {pipeline_mode = #tpu.pipeline_mode<synchronous>, transform_indices = @transform_1, window_bounds = array<i64: 128, 128>}, {transform_indices = @transform_2, window_bounds = array<i64: 1000, 128>}]} {
    %get3A = arith.constant 0 : index
    %get3A_0 = arith.constant 0 : index
    %get3A_1 = vector.load %arg1[%get3A, %get3A_0] : memref<1000x128xf32, #tpu.memory_space<vmem>>, vector<1000x128xf32>
    %get3A_2 = arith.constant 0 : index
    %get3A_3 = arith.constant 0 : index
    %get3A_4 = vector.load %arg2[%get3A_2, %get3A_3] : memref<128x128xf32, #tpu.memory_space<vmem>>, vector<128x128xf32>
    %dot_general3A = arith.constant dense<0.000000e+00> : vector<1000x128xf32>
    %dot_general3A_5 = tpu.matmul %get3A_1, %get3A_4, %dot_general3A {dimension_numbers = #tpu.dot_dimension_numbers<[1], [1], [0], [0], [0, 0, 1, 0], [], []>, transpose_lhs_hint = false} : vector<1000x128xf32>, vector<128x128xf32>, vector<1000x128xf32> -> vector<1000x128xf32>
    %swap3A = arith.constant 0 : index
    %swap3A_6 = arith.constant 0 : index
    %swap3A_7 = vector.load %arg3[%swap3A, %swap3A_6] : memref<1000x128xf32, #tpu.memory_space<vmem>>, vector<1000x128xf32>
    tpu.vector_store %arg3[%swap3A, %swap3A_6], %dot_general3A_5 {strides = array<i32>} : memref<1000x128xf32, #tpu.memory_space<vmem>>, vector<1000x128xf32>,
    return
  }
  func.func @transform_0(%arg0: i32) -> (i32, i32) {
    %c0_i32 = arith.constant 0 : i32
    %c0_i32_0 = arith.constant 0 : i32
    return %arg0, %c0_i32 : i32, i32
  }
  func.func @transform_1(%arg0: i32) -> (i32, i32) {
    %c0_i32 = arith.constant 0 : i32
    %c0_i32_0 = arith.constant 0 : i32
    %c0_i32_1 = arith.constant 0 : i32
    return %c0_i32, %c0_i32_0 : i32, i32
  }
  func.func @transform_2(%arg0: i32) -> (i32, i32) {
    %c0_i32 = arith.constant 0 : i32
    %c0_i32_0 = arith.constant 0 : i32
    return %arg0, %c0_i32 : i32, i32
  }
}

module attributes {stable_mosaic.version = 14 : i64} {
  func.func @body(%arg0: i32, %arg1: i32, %arg2: memref<2x1000x128xf32, #tpu.memory_space<vmem>>, %arg3: memref<1000x32xf32, #tpu.memory_space<vmem>>, %arg4: memref<1000x128xf32, #tpu.memory_space<vmem>>, %arg5: memref<128x128xf32, #tpu.memory_space<vmem>>, %arg6: memref<1x128xf32, #tpu.memory_space<vmem>>, %arg7: memref<1x128xf32, #tpu.memory_space<vmem>>, %arg8: memref<1x128xf32, #tpu.memory_space<vmem>>, %arg9: memref<1000x128xf32, #tpu.memory_space<vmem>>, %arg10: memref<10000x128xf32, #tpu.memory_space<vmem>>, %arg11: memref<2x128xf32, #tpu.memory_space<vmem>>) attributes {dimension_semantics = [#tpu.dimension_semantics<arbitrary>, #tpu.dimension_semantics<arbitrary>], iteration_bounds = array<i64: 2, 10>, scalar_prefetch = 0 : i64, scratch_operands = 2 : i64, tpu.core_type = #tpu.core_type<tc>, window_params = [{transform_indices = @transform_0, window_bounds = array<i64: 2, 1000, 128>}, {transform_indices = @transform_1, window_bounds = array<i64: 1000, 32>}, {transform_indices = @transform_2, window_bounds = array<i64: 1000, 128>}, {pipeline_mode = #tpu.pipeline_mode<synchronous>, transform_indices = @transform_3, window_bounds = array<i64: 128, 128>}, {pipeline_mode = #tpu.pipeline_mode<synchronous>, transform_indices = @transform_4, window_bounds = array<i64: 1, 128>}, {pipeline_mode = #tpu.pipeline_mode<synchronous>, transform_indices = @transform_5, window_bounds = array<i64: 1, 128>}, {pipeline_mode = #tpu.pipeline_mode<synchronous>, transform_indices = @transform_6, window_bounds = array<i64: 1, 128>}, {transform_indices = @transform_7, window_bounds = array<i64: 1000, 128>}]} {
    %eq3A = arith.constant 0 : i32
    %eq3A_0 = arith.cmpi eq, %arg0, %eq3A : i32
    %convert_element_type3A = arith.extui %eq3A_0 : i1 to i32
    %cond3A = arith.constant 0 : i32
    %cond3A_1 = arith.cmpi ne, %convert_element_type3A, %cond3A : i32
    scf.if %cond3A_1 {
      %get3A = arith.constant 0 : index
      %get3A_7 = arith.constant 0 : index
      %get3A_8 = arith.constant 0 : index
      %get3A_9 = vector.load %arg2[%get3A, %get3A_7, %get3A_8] : memref<2x1000x128xf32, #tpu.memory_space<vmem>>, vector<1x1000x128xf32>
      %get3A_10 = vector.shape_cast %get3A_9 : vector<1x1000x128xf32> to vector<1000x128xf32>
      %get3A_11 = arith.constant 1 : index
      %get3A_12 = arith.constant 0 : index
      %get3A_13 = arith.constant 0 : index
      %get3A_14 = vector.load %arg2[%get3A_11, %get3A_12, %get3A_13] : memref<2x1000x128xf32, #tpu.memory_space<vmem>>, vector<1x1000x128xf32>
      %get3A_15 = vector.shape_cast %get3A_14 : vector<1x1000x128xf32> to vector<1000x128xf32>
      %add3A = arith.addf %get3A_10, %get3A_15 : vector<1000x128xf32>
      %get3A_16 = arith.constant 0 : index
      %get3A_17 = arith.constant 0 : index
      %get3A_18 = vector.load %arg3[%get3A_16, %get3A_17] : memref<1000x32xf32, #tpu.memory_space<vmem>>, vector<1000x32xf32>
      %reduce_sum3A = arith.constant dense<0.000000e+00> : vector<1000xf32>
      %reduce_sum3A_19 = vector.multi_reduction <add>, %get3A_18, %reduce_sum3A [1] : vector<1000x32xf32> to vector<1000xf32>
      %broadcast_in_dim3A = vector.shape_cast %reduce_sum3A_19 : vector<1000xf32> to vector<1000x1xf32>
      %max3A = arith.constant 1.000000e+00 : f32
      %max3A_20 = vector.broadcast %max3A : f32 to vector<1000x1xf32>
      %max3A_21 = arith.maximumf %broadcast_in_dim3A, %max3A_20 : vector<1000x1xf32>
      %div3A = vector.broadcast %max3A_21 : vector<1000x1xf32> to vector<1000x128xf32>
      %div3A_22 = arith.divf %add3A, %div3A : vector<1000x128xf32>
      %get3A_23 = arith.constant 0 : index
      %get3A_24 = arith.constant 0 : index
      %get3A_25 = vector.load %arg5[%get3A_23, %get3A_24] : memref<128x128xf32, #tpu.memory_space<vmem>>, vector<128x128xf32>
      %dot_general3A = arith.constant dense<0.000000e+00> : vector<1000x128xf32>
      %dot_general3A_26 = tpu.matmul %div3A_22, %get3A_25, %dot_general3A {dimension_numbers = #tpu.dot_dimension_numbers<[1], [1], [0], [0], [0, 0, 1, 0], [], []>, transpose_lhs_hint = false} : vector<1000x128xf32>, vector<128x128xf32>, vector<1000x128xf32> -> vector<1000x128xf32>
      %get3A_27 = arith.constant 0 : index
      %get3A_28 = arith.constant 0 : index
      %get3A_29 = vector.load %arg4[%get3A_27, %get3A_28] : memref<1000x128xf32, #tpu.memory_space<vmem>>, vector<1000x128xf32>
      %add3A_30 = arith.addf %dot_general3A_26, %get3A_29 : vector<1000x128xf32>
      %get3A_31 = arith.constant 0 : index
      %get3A_32 = arith.constant 0 : index
      %get3A_33 = vector.load %arg6[%get3A_31, %get3A_32] : memref<1x128xf32, #tpu.memory_space<vmem>>, vector<1x128xf32>
      %add3A_34 = vector.broadcast %get3A_33 : vector<1x128xf32> to vector<1000x128xf32>
      %add3A_35 = arith.addf %add3A_30, %add3A_34 : vector<1000x128xf32>
      %mul3A = arith.constant 1000 : i32
      %mul3A_36 = arith.muli %arg1, %mul3A : i32
      %swap3A = arith.index_cast %mul3A_36 : i32 to index
      %swap3A_37 = arith.constant 0 : index
      %swap3A_38 = vector.load %arg10[%swap3A, %swap3A_37] : memref<10000x128xf32, #tpu.memory_space<vmem>>, vector<1000x128xf32>
      tpu.vector_store %arg10[%swap3A, %swap3A_37], %add3A_35 {strides = array<i32>} : memref<10000x128xf32, #tpu.memory_space<vmem>>, vector<1000x128xf32>,
      %eq3A_39 = arith.constant 0 : i32
      %eq3A_40 = arith.cmpi eq, %arg1, %eq3A_39 : i32
      %convert_element_type3A_41 = arith.extui %eq3A_40 : i1 to i32
      %cond3A_42 = arith.constant 0 : i32
      %cond3A_43 = arith.cmpi ne, %convert_element_type3A_41, %cond3A_42 : i32
      scf.if %cond3A_43 {
        %broadcast_in_dim3A_65 = arith.constant 0.000000e+00 : f32
        %broadcast_in_dim3A_66 = vector.broadcast %broadcast_in_dim3A_65 : f32 to vector<2x128xf32>
        %swap3A_67 = arith.constant 0 : index
        %swap3A_68 = arith.constant 0 : index
        %swap3A_69 = vector.load %arg11[%swap3A_67, %swap3A_68] : memref<2x128xf32, #tpu.memory_space<vmem>>, vector<2x128xf32>
        tpu.vector_store %arg11[%swap3A_67, %swap3A_68], %broadcast_in_dim3A_66 {strides = array<i32>} : memref<2x128xf32, #tpu.memory_space<vmem>>, vector<2x128xf32>,
      } else {
      }
      %get3A_44 = arith.constant 0 : index
      %get3A_45 = arith.constant 0 : index
      %get3A_46 = vector.load %arg11[%get3A_44, %get3A_45] : memref<2x128xf32, #tpu.memory_space<vmem>>, vector<1x128xf32>
      %reduce_sum3A_47 = arith.constant dense<0.000000e+00> : vector<128xf32>
      %reduce_sum3A_48 = vector.multi_reduction <add>, %add3A_35, %reduce_sum3A_47 [0] : vector<1000x128xf32> to vector<128xf32>
      %broadcast_in_dim3A_49 = vector.shape_cast %reduce_sum3A_48 : vector<128xf32> to vector<1x128xf32>
      %add3A_50 = arith.addf %get3A_46, %broadcast_in_dim3A_49 : vector<1x128xf32>
      %swap3A_51 = arith.constant 0 : index
      %swap3A_52 = arith.constant 0 : index
      %swap3A_53 = vector.load %arg11[%swap3A_51, %swap3A_52] : memref<2x128xf32, #tpu.memory_space<vmem>>, vector<1x128xf32>
      tpu.vector_store %arg11[%swap3A_51, %swap3A_52], %add3A_50 {strides = array<i32>} : memref<2x128xf32, #tpu.memory_space<vmem>>, vector<1x128xf32>,
      %get3A_54 = arith.constant 1 : index
      %get3A_55 = arith.constant 0 : index
      %get3A_56 = vector.load %arg11[%get3A_54, %get3A_55] : memref<2x128xf32, #tpu.memory_space<vmem>>, vector<1x128xf32>
      %mul3A_57 = arith.mulf %add3A_35, %add3A_35 : vector<1000x128xf32>
      %reduce_sum3A_58 = arith.constant dense<0.000000e+00> : vector<128xf32>
      %reduce_sum3A_59 = vector.multi_reduction <add>, %mul3A_57, %reduce_sum3A_58 [0] : vector<1000x128xf32> to vector<128xf32>
      %broadcast_in_dim3A_60 = vector.shape_cast %reduce_sum3A_59 : vector<128xf32> to vector<1x128xf32>
      %add3A_61 = arith.addf %get3A_56, %broadcast_in_dim3A_60 : vector<1x128xf32>
      %swap3A_62 = arith.constant 1 : index
      %swap3A_63 = arith.constant 0 : index
      %swap3A_64 = vector.load %arg11[%swap3A_62, %swap3A_63] : memref<2x128xf32, #tpu.memory_space<vmem>>, vector<1x128xf32>
      tpu.vector_store %arg11[%swap3A_62, %swap3A_63], %add3A_61 {strides = array<i32>} : memref<2x128xf32, #tpu.memory_space<vmem>>, vector<1x128xf32>,
    } else {
    }
    %eq3A_2 = arith.constant 1 : i32
    %eq3A_3 = arith.cmpi eq, %arg0, %eq3A_2 : i32
    %convert_element_type3A_4 = arith.extui %eq3A_3 : i1 to i32
    %cond3A_5 = arith.constant 0 : i32
    %cond3A_6 = arith.cmpi ne, %convert_element_type3A_4, %cond3A_5 : i32
    scf.if %cond3A_6 {
      %get3A = arith.constant 0 : index
      %get3A_7 = arith.constant 0 : index
      %get3A_8 = vector.load %arg11[%get3A, %get3A_7] : memref<2x128xf32, #tpu.memory_space<vmem>>, vector<1x128xf32>
      %div3A = arith.constant 1.000000e+04 : f32
      %div3A_9 = vector.broadcast %div3A : f32 to vector<1x128xf32>
      %div3A_10 = arith.divf %get3A_8, %div3A_9 : vector<1x128xf32>
      %get3A_11 = arith.constant 1 : index
      %get3A_12 = arith.constant 0 : index
      %get3A_13 = vector.load %arg11[%get3A_11, %get3A_12] : memref<2x128xf32, #tpu.memory_space<vmem>>, vector<1x128xf32>
      %div3A_14 = arith.constant 1.000000e+04 : f32
      %div3A_15 = vector.broadcast %div3A_14 : f32 to vector<1x128xf32>
      %div3A_16 = arith.divf %get3A_13, %div3A_15 : vector<1x128xf32>
      %mul3A = arith.mulf %div3A_10, %div3A_10 : vector<1x128xf32>
      %sub3A = arith.subf %div3A_16, %mul3A : vector<1x128xf32>
      %get3A_17 = arith.constant 0 : index
      %get3A_18 = arith.constant 0 : index
      %get3A_19 = vector.load %arg7[%get3A_17, %get3A_18] : memref<1x128xf32, #tpu.memory_space<vmem>>, vector<1x128xf32>
      %add3A = arith.constant 9.99999974E-6 : f32
      %add3A_20 = vector.broadcast %add3A : f32 to vector<1x128xf32>
      %add3A_21 = arith.addf %sub3A, %add3A_20 : vector<1x128xf32>
      %rsqrt3A = math.rsqrt %add3A_21 : vector<1x128xf32>
      %mul3A_22 = arith.mulf %get3A_19, %rsqrt3A : vector<1x128xf32>
      %mul3A_23 = arith.constant 1000 : i32
      %mul3A_24 = arith.muli %arg1, %mul3A_23 : i32
      %get3A_25 = arith.index_cast %mul3A_24 : i32 to index
      %get3A_26 = arith.constant 0 : index
      %get3A_27 = vector.load %arg10[%get3A_25, %get3A_26] : memref<10000x128xf32, #tpu.memory_space<vmem>>, vector<1000x128xf32>
      %sub3A_28 = vector.broadcast %div3A_10 : vector<1x128xf32> to vector<1000x128xf32>
      %sub3A_29 = arith.subf %get3A_27, %sub3A_28 : vector<1000x128xf32>
      %mul3A_30 = vector.broadcast %mul3A_22 : vector<1x128xf32> to vector<1000x128xf32>
      %mul3A_31 = arith.mulf %sub3A_29, %mul3A_30 : vector<1000x128xf32>
      %get3A_32 = arith.constant 0 : index
      %get3A_33 = arith.constant 0 : index
      %get3A_34 = vector.load %arg8[%get3A_32, %get3A_33] : memref<1x128xf32, #tpu.memory_space<vmem>>, vector<1x128xf32>
      %add3A_35 = vector.broadcast %get3A_34 : vector<1x128xf32> to vector<1000x128xf32>
      %add3A_36 = arith.addf %mul3A_31, %add3A_35 : vector<1000x128xf32>
      %max3A = arith.constant 0.000000e+00 : f32
      %max3A_37 = vector.broadcast %max3A : f32 to vector<1000x128xf32>
      %max3A_38 = arith.maximumf %add3A_36, %max3A_37 : vector<1000x128xf32>
      %swap3A = arith.constant 0 : index
      %swap3A_39 = arith.constant 0 : index
      %swap3A_40 = vector.load %arg9[%swap3A, %swap3A_39] : memref<1000x128xf32, #tpu.memory_space<vmem>>, vector<1000x128xf32>
      tpu.vector_store %arg9[%swap3A, %swap3A_39], %max3A_38 {strides = array<i32>} : memref<1000x128xf32, #tpu.memory_space<vmem>>, vector<1000x128xf32>,
    } else {
    }
    return
  }
  func.func @transform_0(%arg0: i32, %arg1: i32) -> (i32, i32, i32) {
    %sub3A = arith.constant 1 : i32
    %sub3A_0 = arith.subi %sub3A, %arg0 : i32
    %mul3A = arith.muli %arg1, %sub3A_0 : i32
    %c0_i32 = arith.constant 0 : i32
    %c0_i32_1 = arith.constant 0 : i32
    %c0_i32_2 = arith.constant 0 : i32
    return %c0_i32, %mul3A, %c0_i32_1 : i32, i32, i32
  }
  func.func @transform_1(%arg0: i32, %arg1: i32) -> (i32, i32) {
    %sub3A = arith.constant 1 : i32
    %sub3A_0 = arith.subi %sub3A, %arg0 : i32
    %mul3A = arith.muli %arg1, %sub3A_0 : i32
    %c0_i32 = arith.constant 0 : i32
    %c0_i32_1 = arith.constant 0 : i32
    return %mul3A, %c0_i32 : i32, i32
  }
  func.func @transform_2(%arg0: i32, %arg1: i32) -> (i32, i32) {
    %sub3A = arith.constant 1 : i32
    %sub3A_0 = arith.subi %sub3A, %arg0 : i32
    %mul3A = arith.muli %arg1, %sub3A_0 : i32
    %c0_i32 = arith.constant 0 : i32
    %c0_i32_1 = arith.constant 0 : i32
    return %mul3A, %c0_i32 : i32, i32
  }
  func.func @transform_3(%arg0: i32, %arg1: i32) -> (i32, i32) {
    %c0_i32 = arith.constant 0 : i32
    %c0_i32_0 = arith.constant 0 : i32
    %c0_i32_1 = arith.constant 0 : i32
    return %c0_i32, %c0_i32_0 : i32, i32
  }
  func.func @transform_4(%arg0: i32, %arg1: i32) -> (i32, i32) {
    %c0_i32 = arith.constant 0 : i32
    %c0_i32_0 = arith.constant 0 : i32
    %c0_i32_1 = arith.constant 0 : i32
    return %c0_i32, %c0_i32_0 : i32, i32
  }
  func.func @transform_5(%arg0: i32, %arg1: i32) -> (i32, i32) {
    %c0_i32 = arith.constant 0 : i32
    %c0_i32_0 = arith.constant 0 : i32
    %c0_i32_1 = arith.constant 0 : i32
    return %c0_i32, %c0_i32_0 : i32, i32
  }
  func.func @transform_6(%arg0: i32, %arg1: i32) -> (i32, i32) {
    %c0_i32 = arith.constant 0 : i32
    %c0_i32_0 = arith.constant 0 : i32
    %c0_i32_1 = arith.constant 0 : i32
    return %c0_i32, %c0_i32_0 : i32, i32
  }
  func.func @transform_7(%arg0: i32, %arg1: i32) -> (i32, i32) {
    %mul3A = arith.muli %arg1, %arg0 : i32
    %c0_i32 = arith.constant 0 : i32
    %c0_i32_0 = arith.constant 0 : i32
    return %mul3A, %c0_i32 : i32, i32
  }
}

module attributes {stable_mosaic.version = 14 : i64} {
  func.func @body(%arg0: i32, %arg1: i32, %arg2: memref<2x1000x128xf32, #tpu.memory_space<vmem>>, %arg3: memref<1000x32xf32, #tpu.memory_space<vmem>>, %arg4: memref<1000x128xf32, #tpu.memory_space<vmem>>, %arg5: memref<128x128xf32, #tpu.memory_space<vmem>>, %arg6: memref<1x128xf32, #tpu.memory_space<vmem>>, %arg7: memref<1x128xf32, #tpu.memory_space<vmem>>, %arg8: memref<1x128xf32, #tpu.memory_space<vmem>>, %arg9: memref<1000x1xi32, #tpu.memory_space<vmem>>, %arg10: memref<64x128xf32, #tpu.memory_space<vmem>>, %arg11: memref<128x64xf32, #tpu.memory_space<vmem>>, %arg12: memref<128x64xf32, #tpu.memory_space<vmem>>, %arg13: memref<128x128xf32, #tpu.memory_space<vmem>>, %arg14: memref<1000x128xf32, #tpu.memory_space<vmem>>, %arg15: memref<128x128xf32, #tpu.memory_space<vmem>>, %arg16: memref<10000x128xf32, #tpu.memory_space<vmem>>, %arg17: memref<2x128xf32, #tpu.memory_space<vmem>>, %arg18: memref<128x128xf32, #tpu.memory_space<vmem>>) attributes {dimension_semantics = [#tpu.dimension_semantics<arbitrary>, #tpu.dimension_semantics<arbitrary>], iteration_bounds = array<i64: 2, 10>, scalar_prefetch = 0 : i64, scratch_operands = 3 : i64, tpu.core_type = #tpu.core_type<tc>, window_params = [{transform_indices = @transform_0, window_bounds = array<i64: 2, 1000, 128>}, {transform_indices = @transform_1, window_bounds = array<i64: 1000, 32>}, {transform_indices = @transform_2, window_bounds = array<i64: 1000, 128>}, {pipeline_mode = #tpu.pipeline_mode<synchronous>, transform_indices = @transform_3, window_bounds = array<i64: 128, 128>}, {pipeline_mode = #tpu.pipeline_mode<synchronous>, transform_indices = @transform_4, window_bounds = array<i64: 1, 128>}, {pipeline_mode = #tpu.pipeline_mode<synchronous>, transform_indices = @transform_5, window_bounds = array<i64: 1, 128>}, {pipeline_mode = #tpu.pipeline_mode<synchronous>, transform_indices = @transform_6, window_bounds = array<i64: 1, 128>}, {transform_indices = @transform_7, window_bounds = array<i64: 1000, 1>}, {pipeline_mode = #tpu.pipeline_mode<synchronous>, transform_indices = @transform_8, window_bounds = array<i64: 64, 128>}, {pipeline_mode = #tpu.pipeline_mode<synchronous>, transform_indices = @transform_9, window_bounds = array<i64: 128, 64>}, {pipeline_mode = #tpu.pipeline_mode<synchronous>, transform_indices = @transform_10, window_bounds = array<i64: 128, 64>}, {pipeline_mode = #tpu.pipeline_mode<synchronous>, transform_indices = @transform_11, window_bounds = array<i64: 128, 128>}, {transform_indices = @transform_12, window_bounds = array<i64: 1000, 128>}, {pipeline_mode = #tpu.pipeline_mode<synchronous>, transform_indices = @transform_13, window_bounds = array<i64: 128, 128>}]} {
    %eq3A = arith.constant 0 : i32
    %eq3A_0 = arith.cmpi eq, %arg0, %eq3A : i32
    %convert_element_type3A = arith.extui %eq3A_0 : i1 to i32
    %cond3A = arith.constant 0 : i32
    %cond3A_1 = arith.cmpi ne, %convert_element_type3A, %cond3A : i32
    scf.if %cond3A_1 {
      %get3A = arith.constant 0 : index
      %get3A_7 = arith.constant 0 : index
      %get3A_8 = arith.constant 0 : index
      %get3A_9 = vector.load %arg2[%get3A, %get3A_7, %get3A_8] : memref<2x1000x128xf32, #tpu.memory_space<vmem>>, vector<1x1000x128xf32>
      %get3A_10 = vector.shape_cast %get3A_9 : vector<1x1000x128xf32> to vector<1000x128xf32>
      %get3A_11 = arith.constant 1 : index
      %get3A_12 = arith.constant 0 : index
      %get3A_13 = arith.constant 0 : index
      %get3A_14 = vector.load %arg2[%get3A_11, %get3A_12, %get3A_13] : memref<2x1000x128xf32, #tpu.memory_space<vmem>>, vector<1x1000x128xf32>
      %get3A_15 = vector.shape_cast %get3A_14 : vector<1x1000x128xf32> to vector<1000x128xf32>
      %add3A = arith.addf %get3A_10, %get3A_15 : vector<1000x128xf32>
      %get3A_16 = arith.constant 0 : index
      %get3A_17 = arith.constant 0 : index
      %get3A_18 = vector.load %arg3[%get3A_16, %get3A_17] : memref<1000x32xf32, #tpu.memory_space<vmem>>, vector<1000x32xf32>
      %reduce_sum3A = arith.constant dense<0.000000e+00> : vector<1000xf32>
      %reduce_sum3A_19 = vector.multi_reduction <add>, %get3A_18, %reduce_sum3A [1] : vector<1000x32xf32> to vector<1000xf32>
      %broadcast_in_dim3A = vector.shape_cast %reduce_sum3A_19 : vector<1000xf32> to vector<1000x1xf32>
      %max3A = arith.constant 1.000000e+00 : f32
      %max3A_20 = vector.broadcast %max3A : f32 to vector<1000x1xf32>
      %max3A_21 = arith.maximumf %broadcast_in_dim3A, %max3A_20 : vector<1000x1xf32>
      %div3A = vector.broadcast %max3A_21 : vector<1000x1xf32> to vector<1000x128xf32>
      %div3A_22 = arith.divf %add3A, %div3A : vector<1000x128xf32>
      %get3A_23 = arith.constant 0 : index
      %get3A_24 = arith.constant 0 : index
      %get3A_25 = vector.load %arg5[%get3A_23, %get3A_24] : memref<128x128xf32, #tpu.memory_space<vmem>>, vector<128x128xf32>
      %dot_general3A = arith.constant dense<0.000000e+00> : vector<1000x128xf32>
      %dot_general3A_26 = tpu.matmul %div3A_22, %get3A_25, %dot_general3A {dimension_numbers = #tpu.dot_dimension_numbers<[1], [1], [0], [0], [0, 0, 1, 0], [], []>, transpose_lhs_hint = false} : vector<1000x128xf32>, vector<128x128xf32>, vector<1000x128xf32> -> vector<1000x128xf32>
      %get3A_27 = arith.constant 0 : index
      %get3A_28 = arith.constant 0 : index
      %get3A_29 = vector.load %arg4[%get3A_27, %get3A_28] : memref<1000x128xf32, #tpu.memory_space<vmem>>, vector<1000x128xf32>
      %add3A_30 = arith.addf %dot_general3A_26, %get3A_29 : vector<1000x128xf32>
      %get3A_31 = arith.constant 0 : index
      %get3A_32 = arith.constant 0 : index
      %get3A_33 = vector.load %arg6[%get3A_31, %get3A_32] : memref<1x128xf32, #tpu.memory_space<vmem>>, vector<1x128xf32>
      %add3A_34 = vector.broadcast %get3A_33 : vector<1x128xf32> to vector<1000x128xf32>
      %add3A_35 = arith.addf %add3A_30, %add3A_34 : vector<1000x128xf32>
      %mul3A = arith.constant 1000 : i32
      %mul3A_36 = arith.muli %arg1, %mul3A : i32
      %swap3A = arith.index_cast %mul3A_36 : i32 to index
      %swap3A_37 = arith.constant 0 : index
      %swap3A_38 = vector.load %arg16[%swap3A, %swap3A_37] : memref<10000x128xf32, #tpu.memory_space<vmem>>, vector<1000x128xf32>
      tpu.vector_store %arg16[%swap3A, %swap3A_37], %add3A_35 {strides = array<i32>} : memref<10000x128xf32, #tpu.memory_space<vmem>>, vector<1000x128xf32>,
      %eq3A_39 = arith.constant 0 : i32
      %eq3A_40 = arith.cmpi eq, %arg1, %eq3A_39 : i32
      %convert_element_type3A_41 = arith.extui %eq3A_40 : i1 to i32
      %cond3A_42 = arith.constant 0 : i32
      %cond3A_43 = arith.cmpi ne, %convert_element_type3A_41, %cond3A_42 : i32
      scf.if %cond3A_43 {
        %broadcast_in_dim3A_65 = arith.constant 0.000000e+00 : f32
        %broadcast_in_dim3A_66 = vector.broadcast %broadcast_in_dim3A_65 : f32 to vector<2x128xf32>
        %swap3A_67 = arith.constant 0 : index
        %swap3A_68 = arith.constant 0 : index
        %swap3A_69 = vector.load %arg17[%swap3A_67, %swap3A_68] : memref<2x128xf32, #tpu.memory_space<vmem>>, vector<2x128xf32>
        tpu.vector_store %arg17[%swap3A_67, %swap3A_68], %broadcast_in_dim3A_66 {strides = array<i32>} : memref<2x128xf32, #tpu.memory_space<vmem>>, vector<2x128xf32>,
      } else {
      }
      %get3A_44 = arith.constant 0 : index
      %get3A_45 = arith.constant 0 : index
      %get3A_46 = vector.load %arg17[%get3A_44, %get3A_45] : memref<2x128xf32, #tpu.memory_space<vmem>>, vector<1x128xf32>
      %reduce_sum3A_47 = arith.constant dense<0.000000e+00> : vector<128xf32>
      %reduce_sum3A_48 = vector.multi_reduction <add>, %add3A_35, %reduce_sum3A_47 [0] : vector<1000x128xf32> to vector<128xf32>
      %broadcast_in_dim3A_49 = vector.shape_cast %reduce_sum3A_48 : vector<128xf32> to vector<1x128xf32>
      %add3A_50 = arith.addf %get3A_46, %broadcast_in_dim3A_49 : vector<1x128xf32>
      %swap3A_51 = arith.constant 0 : index
      %swap3A_52 = arith.constant 0 : index
      %swap3A_53 = vector.load %arg17[%swap3A_51, %swap3A_52] : memref<2x128xf32, #tpu.memory_space<vmem>>, vector<1x128xf32>
      tpu.vector_store %arg17[%swap3A_51, %swap3A_52], %add3A_50 {strides = array<i32>} : memref<2x128xf32, #tpu.memory_space<vmem>>, vector<1x128xf32>,
      %get3A_54 = arith.constant 1 : index
      %get3A_55 = arith.constant 0 : index
      %get3A_56 = vector.load %arg17[%get3A_54, %get3A_55] : memref<2x128xf32, #tpu.memory_space<vmem>>, vector<1x128xf32>
      %mul3A_57 = arith.mulf %add3A_35, %add3A_35 : vector<1000x128xf32>
      %reduce_sum3A_58 = arith.constant dense<0.000000e+00> : vector<128xf32>
      %reduce_sum3A_59 = vector.multi_reduction <add>, %mul3A_57, %reduce_sum3A_58 [0] : vector<1000x128xf32> to vector<128xf32>
      %broadcast_in_dim3A_60 = vector.shape_cast %reduce_sum3A_59 : vector<128xf32> to vector<1x128xf32>
      %add3A_61 = arith.addf %get3A_56, %broadcast_in_dim3A_60 : vector<1x128xf32>
      %swap3A_62 = arith.constant 1 : index
      %swap3A_63 = arith.constant 0 : index
      %swap3A_64 = vector.load %arg17[%swap3A_62, %swap3A_63] : memref<2x128xf32, #tpu.memory_space<vmem>>, vector<1x128xf32>
      tpu.vector_store %arg17[%swap3A_62, %swap3A_63], %add3A_61 {strides = array<i32>} : memref<2x128xf32, #tpu.memory_space<vmem>>, vector<1x128xf32>,
    } else {
    }
    %eq3A_2 = arith.constant 1 : i32
    %eq3A_3 = arith.cmpi eq, %arg0, %eq3A_2 : i32
    %convert_element_type3A_4 = arith.extui %eq3A_3 : i1 to i32
    %cond3A_5 = arith.constant 0 : i32
    %cond3A_6 = arith.cmpi ne, %convert_element_type3A_4, %cond3A_5 : i32
    scf.if %cond3A_6 {
      %get3A = arith.constant 0 : index
      %get3A_7 = arith.constant 0 : index
      %get3A_8 = vector.load %arg17[%get3A, %get3A_7] : memref<2x128xf32, #tpu.memory_space<vmem>>, vector<1x128xf32>
      %div3A = arith.constant 1.000000e+04 : f32
      %div3A_9 = vector.broadcast %div3A : f32 to vector<1x128xf32>
      %div3A_10 = arith.divf %get3A_8, %div3A_9 : vector<1x128xf32>
      %get3A_11 = arith.constant 1 : index
      %get3A_12 = arith.constant 0 : index
      %get3A_13 = vector.load %arg17[%get3A_11, %get3A_12] : memref<2x128xf32, #tpu.memory_space<vmem>>, vector<1x128xf32>
      %div3A_14 = arith.constant 1.000000e+04 : f32
      %div3A_15 = vector.broadcast %div3A_14 : f32 to vector<1x128xf32>
      %div3A_16 = arith.divf %get3A_13, %div3A_15 : vector<1x128xf32>
      %mul3A = arith.mulf %div3A_10, %div3A_10 : vector<1x128xf32>
      %sub3A = arith.subf %div3A_16, %mul3A : vector<1x128xf32>
      %get3A_17 = arith.constant 0 : index
      %get3A_18 = arith.constant 0 : index
      %get3A_19 = vector.load %arg7[%get3A_17, %get3A_18] : memref<1x128xf32, #tpu.memory_space<vmem>>, vector<1x128xf32>
      %add3A = arith.constant 9.99999974E-6 : f32
      %add3A_20 = vector.broadcast %add3A : f32 to vector<1x128xf32>
      %add3A_21 = arith.addf %sub3A, %add3A_20 : vector<1x128xf32>
      %rsqrt3A = math.rsqrt %add3A_21 : vector<1x128xf32>
      %mul3A_22 = arith.mulf %get3A_19, %rsqrt3A : vector<1x128xf32>
      %mul3A_23 = arith.constant 1000 : i32
      %mul3A_24 = arith.muli %arg1, %mul3A_23 : i32
      %get3A_25 = arith.index_cast %mul3A_24 : i32 to index
      %get3A_26 = arith.constant 0 : index
      %get3A_27 = vector.load %arg16[%get3A_25, %get3A_26] : memref<10000x128xf32, #tpu.memory_space<vmem>>, vector<1000x128xf32>
      %sub3A_28 = vector.broadcast %div3A_10 : vector<1x128xf32> to vector<1000x128xf32>
      %sub3A_29 = arith.subf %get3A_27, %sub3A_28 : vector<1000x128xf32>
      %mul3A_30 = vector.broadcast %mul3A_22 : vector<1x128xf32> to vector<1000x128xf32>
      %mul3A_31 = arith.mulf %sub3A_29, %mul3A_30 : vector<1000x128xf32>
      %get3A_32 = arith.constant 0 : index
      %get3A_33 = arith.constant 0 : index
      %get3A_34 = vector.load %arg8[%get3A_32, %get3A_33] : memref<1x128xf32, #tpu.memory_space<vmem>>, vector<1x128xf32>
      %add3A_35 = vector.broadcast %get3A_34 : vector<1x128xf32> to vector<1000x128xf32>
      %add3A_36 = arith.addf %mul3A_31, %add3A_35 : vector<1000x128xf32>
      %max3A = arith.constant 0.000000e+00 : f32
      %max3A_37 = vector.broadcast %max3A : f32 to vector<1000x128xf32>
      %max3A_38 = arith.maximumf %add3A_36, %max3A_37 : vector<1000x128xf32>
      %swap3A = arith.constant 0 : index
      %swap3A_39 = arith.constant 0 : index
      %swap3A_40 = vector.load %arg14[%swap3A, %swap3A_39] : memref<1000x128xf32, #tpu.memory_space<vmem>>, vector<1000x128xf32>
      tpu.vector_store %arg14[%swap3A, %swap3A_39], %max3A_38 {strides = array<i32>} : memref<1000x128xf32, #tpu.memory_space<vmem>>, vector<1000x128xf32>,
      %eq3A_41 = arith.constant 0 : i32
      %eq3A_42 = arith.cmpi eq, %arg1, %eq3A_41 : i32
      %convert_element_type3A_43 = arith.extui %eq3A_42 : i1 to i32
      %cond3A_44 = arith.constant 0 : i32
      %cond3A_45 = arith.cmpi ne, %convert_element_type3A_43, %cond3A_44 : i32
      scf.if %cond3A_45 {
        %broadcast_in_dim3A = arith.constant 0.000000e+00 : f32
        %broadcast_in_dim3A_67 = vector.broadcast %broadcast_in_dim3A : f32 to vector<128x128xf32>
        %swap3A_68 = arith.constant 0 : index
        %swap3A_69 = arith.constant 0 : index
        %swap3A_70 = vector.load %arg18[%swap3A_68, %swap3A_69] : memref<128x128xf32, #tpu.memory_space<vmem>>, vector<128x128xf32>
        tpu.vector_store %arg18[%swap3A_68, %swap3A_69], %broadcast_in_dim3A_67 {strides = array<i32>} : memref<128x128xf32, #tpu.memory_space<vmem>>, vector<128x128xf32>,
      } else {
      }
      %iota3A = tpu.iota {dimensions = array<i32: 1>} : vector<1x128xi32>
      %get3A_46 = arith.constant 0 : index
      %get3A_47 = arith.constant 0 : index
      %get3A_48 = vector.load %arg9[%get3A_46, %get3A_47] : memref<1000x1xi32, #tpu.memory_space<vmem>>, vector<1000x1xi32>
      %eq3A_49 = vector.broadcast %get3A_48 : vector<1000x1xi32> to vector<1000x128xi32>
      %eq3A_50 = vector.broadcast %iota3A : vector<1x128xi32> to vector<1000x128xi32>
      %eq3A_51 = arith.cmpi eq, %eq3A_49, %eq3A_50 : vector<1000x128xi32>
      %convert_element_type3A_52 = arith.extui %eq3A_51 : vector<1000x128xi1> to vector<1000x128xi32>
      %convert_element_type3A_53 = arith.sitofp %convert_element_type3A_52 : vector<1000x128xi32> to vector<1000x128xf32>
      %get3A_54 = arith.constant 0 : index
      %get3A_55 = arith.constant 0 : index
      %get3A_56 = vector.load %arg18[%get3A_54, %get3A_55] : memref<128x128xf32, #tpu.memory_space<vmem>>, vector<128x128xf32>
      %dot_general3A = arith.constant dense<0.000000e+00> : vector<128x128xf32>
      %dot_general3A_57 = tpu.matmul %convert_element_type3A_53, %max3A_38, %dot_general3A {dimension_numbers = #tpu.dot_dimension_numbers<[0], [0], [1], [1], [0, 1, 1, 1], [], []>, transpose_lhs_hint = false} : vector<1000x128xf32>, vector<1000x128xf32>, vector<128x128xf32> -> vector<128x128xf32>
      %add3A_58 = arith.addf %get3A_56, %dot_general3A_57 : vector<128x128xf32>
      %swap3A_59 = arith.constant 0 : index
      %swap3A_60 = arith.constant 0 : index
      %swap3A_61 = vector.load %arg18[%swap3A_59, %swap3A_60] : memref<128x128xf32, #tpu.memory_space<vmem>>, vector<128x128xf32>
      tpu.vector_store %arg18[%swap3A_59, %swap3A_60], %add3A_58 {strides = array<i32>} : memref<128x128xf32, #tpu.memory_space<vmem>>, vector<128x128xf32>,
      %eq3A_62 = arith.constant 9 : i32
      %eq3A_63 = arith.cmpi eq, %arg1, %eq3A_62 : i32
      %convert_element_type3A_64 = arith.extui %eq3A_63 : i1 to i32
      %cond3A_65 = arith.constant 0 : i32
      %cond3A_66 = arith.cmpi ne, %convert_element_type3A_64, %cond3A_65 : i32
      scf.if %cond3A_66 {
        %get3A_67 = arith.constant 0 : index
        %get3A_68 = arith.constant 0 : index
        %get3A_69 = vector.load %arg18[%get3A_67, %get3A_68] : memref<128x128xf32, #tpu.memory_space<vmem>>, vector<128x128xf32>
        %get3A_70 = arith.constant 0 : index
        %get3A_71 = arith.constant 0 : index
        %get3A_72 = vector.load %arg10[%get3A_70, %get3A_71] : memref<64x128xf32, #tpu.memory_space<vmem>>, vector<64x128xf32>
        %dot_general3A_73 = arith.constant dense<0.000000e+00> : vector<128x64xf32>
        %dot_general3A_74 = tpu.matmul %get3A_69, %get3A_72, %dot_general3A_73 {dimension_numbers = #tpu.dot_dimension_numbers<[1], [1], [0], [0], [0, 0, 1, 0], [], []>, transpose_lhs_hint = false} : vector<128x128xf32>, vector<64x128xf32>, vector<128x64xf32> -> vector<128x64xf32>
        %get3A_75 = arith.constant 0 : index
        %get3A_76 = arith.constant 0 : index
        %get3A_77 = vector.load %arg11[%get3A_75, %get3A_76] : memref<128x64xf32, #tpu.memory_space<vmem>>, vector<128x64xf32>
        %add3A_78 = arith.addf %dot_general3A_74, %get3A_77 : vector<128x64xf32>
        %max3A_79 = arith.constant 0.000000e+00 : f32
        %max3A_80 = vector.broadcast %max3A_79 : f32 to vector<128x64xf32>
        %max3A_81 = arith.maximumf %add3A_78, %max3A_80 : vector<128x64xf32>
        %get3A_82 = arith.constant 0 : index
        %get3A_83 = arith.constant 0 : index
        %get3A_84 = vector.load %arg12[%get3A_82, %get3A_83] : memref<128x64xf32, #tpu.memory_space<vmem>>, vector<128x64xf32>
        %dot_general3A_85 = arith.constant dense<0.000000e+00> : vector<128x128xf32>
        %dot_general3A_86 = tpu.matmul %max3A_81, %get3A_84, %dot_general3A_85 {dimension_numbers = #tpu.dot_dimension_numbers<[1], [1], [0], [0], [0, 0, 1, 0], [], []>, transpose_lhs_hint = false} : vector<128x64xf32>, vector<128x64xf32>, vector<128x128xf32> -> vector<128x128xf32>
        %get3A_87 = arith.constant 0 : index
        %get3A_88 = arith.constant 0 : index
        %get3A_89 = vector.load %arg13[%get3A_87, %get3A_88] : memref<128x128xf32, #tpu.memory_space<vmem>>, vector<128x128xf32>
        %add3A_90 = arith.addf %dot_general3A_86, %get3A_89 : vector<128x128xf32>
        %swap3A_91 = arith.constant 0 : index
        %swap3A_92 = arith.constant 0 : index
        %swap3A_93 = vector.load %arg15[%swap3A_91, %swap3A_92] : memref<128x128xf32, #tpu.memory_space<vmem>>, vector<128x128xf32>
        tpu.vector_store %arg15[%swap3A_91, %swap3A_92], %add3A_90 {strides = array<i32>} : memref<128x128xf32, #tpu.memory_space<vmem>>, vector<128x128xf32>,
      } else {
      }
    } else {
    }
    return
  }
  func.func @transform_0(%arg0: i32, %arg1: i32) -> (i32, i32, i32) {
    %sub3A = arith.constant 1 : i32
    %sub3A_0 = arith.subi %sub3A, %arg0 : i32
    %mul3A = arith.muli %arg1, %sub3A_0 : i32
    %c0_i32 = arith.constant 0 : i32
    %c0_i32_1 = arith.constant 0 : i32
    %c0_i32_2 = arith.constant 0 : i32
    return %c0_i32, %mul3A, %c0_i32_1 : i32, i32, i32
  }
  func.func @transform_1(%arg0: i32, %arg1: i32) -> (i32, i32) {
    %sub3A = arith.constant 1 : i32
    %sub3A_0 = arith.subi %sub3A, %arg0 : i32
    %mul3A = arith.muli %arg1, %sub3A_0 : i32
    %c0_i32 = arith.constant 0 : i32
    %c0_i32_1 = arith.constant 0 : i32
    return %mul3A, %c0_i32 : i32, i32
  }
  func.func @transform_2(%arg0: i32, %arg1: i32) -> (i32, i32) {
    %sub3A = arith.constant 1 : i32
    %sub3A_0 = arith.subi %sub3A, %arg0 : i32
    %mul3A = arith.muli %arg1, %sub3A_0 : i32
    %c0_i32 = arith.constant 0 : i32
    %c0_i32_1 = arith.constant 0 : i32
    return %mul3A, %c0_i32 : i32, i32
  }
  func.func @transform_3(%arg0: i32, %arg1: i32) -> (i32, i32) {
    %c0_i32 = arith.constant 0 : i32
    %c0_i32_0 = arith.constant 0 : i32
    %c0_i32_1 = arith.constant 0 : i32
    return %c0_i32, %c0_i32_0 : i32, i32
  }
  func.func @transform_4(%arg0: i32, %arg1: i32) -> (i32, i32) {
    %c0_i32 = arith.constant 0 : i32
    %c0_i32_0 = arith.constant 0 : i32
    %c0_i32_1 = arith.constant 0 : i32
    return %c0_i32, %c0_i32_0 : i32, i32
  }
  func.func @transform_5(%arg0: i32, %arg1: i32) -> (i32, i32) {
    %c0_i32 = arith.constant 0 : i32
    %c0_i32_0 = arith.constant 0 : i32
    %c0_i32_1 = arith.constant 0 : i32
    return %c0_i32, %c0_i32_0 : i32, i32
  }
  func.func @transform_6(%arg0: i32, %arg1: i32) -> (i32, i32) {
    %c0_i32 = arith.constant 0 : i32
    %c0_i32_0 = arith.constant 0 : i32
    %c0_i32_1 = arith.constant 0 : i32
    return %c0_i32, %c0_i32_0 : i32, i32
  }
  func.func @transform_7(%arg0: i32, %arg1: i32) -> (i32, i32) {
    %mul3A = arith.muli %arg1, %arg0 : i32
    %c0_i32 = arith.constant 0 : i32
    %c0_i32_0 = arith.constant 0 : i32
    return %mul3A, %c0_i32 : i32, i32
  }
  func.func @transform_8(%arg0: i32, %arg1: i32) -> (i32, i32) {
    %c0_i32 = arith.constant 0 : i32
    %c0_i32_0 = arith.constant 0 : i32
    %c0_i32_1 = arith.constant 0 : i32
    return %c0_i32, %c0_i32_0 : i32, i32
  }
  func.func @transform_9(%arg0: i32, %arg1: i32) -> (i32, i32) {
    %c0_i32 = arith.constant 0 : i32
    %c0_i32_0 = arith.constant 0 : i32
    %c0_i32_1 = arith.constant 0 : i32
    return %c0_i32, %c0_i32_0 : i32, i32
  }
  func.func @transform_10(%arg0: i32, %arg1: i32) -> (i32, i32) {
    %c0_i32 = arith.constant 0 : i32
    %c0_i32_0 = arith.constant 0 : i32
    %c0_i32_1 = arith.constant 0 : i32
    return %c0_i32, %c0_i32_0 : i32, i32
  }
  func.func @transform_11(%arg0: i32, %arg1: i32) -> (i32, i32) {
    %c0_i32 = arith.constant 0 : i32
    %c0_i32_0 = arith.constant 0 : i32
    %c0_i32_1 = arith.constant 0 : i32
    return %c0_i32, %c0_i32_0 : i32, i32
  }
  func.func @transform_12(%arg0: i32, %arg1: i32) -> (i32, i32) {
    %mul3A = arith.muli %arg1, %arg0 : i32
    %c0_i32 = arith.constant 0 : i32
    %c0_i32_0 = arith.constant 0 : i32
    return %mul3A, %c0_i32 : i32, i32
  }
  func.func @transform_13(%arg0: i32, %arg1: i32) -> (i32, i32) {
    %c0_i32 = arith.constant 0 : i32
    %c0_i32_0 = arith.constant 0 : i32
    %c0_i32_1 = arith.constant 0 : i32
    return %c0_i32, %c0_i32_0 : i32, i32
  }
}

</mosaic_0001>

<sc_bundles>
// kernel: kernel.12.cloned.1.call-start
scs
__scs_entry_jumppad:
0x0: {  	(pc) =	sbr.rel $0x88, $3  }
0x1: {  	(tag) =	ssettag $0x0;
	lr =	simm.s32 $0x1  }
0x2: {  	[smem:$0x3F8B] =	sst lr;
	_ =	strace $0xD0000000  }
0x3: {  	_ = 	snop  }
0x4: {  	_ = 	snop  }
0x5: {  	_ = 	snop  }
0x6: {  	_ = 	snop  }
0x7: {  	_ = 	snop  }
__scs_overlays_trampoline_lowered:
0x8: {  	[smem:$0x3F9A] =	sst s0  }
0x9: {  	[smem:$0x3F9B] =	sst s1  }
0xa: {  	[smem:$0x3F9C] =	sst s2  }
0xb: {  	[smem:$0x3F9D] =	sst s3  }
0xc: {  	[smem:$0x3F9E] =	sst s4  }
0xd: {  	[smem:$0x3F9F] =	sst s5  }
0xe: {  	[smem:$0x3FA0] =	sst s6  }
0xf: {  	[smem:$0x3FA1] =	sst s7  }
0x10: {  	[smem:$0x3FA2] =	sst s8  }
0x11: {  	[smem:$0x3FA3] =	sst s9;
	s0 =	simm.s32 @!p0 $0x0  }
0x12: {  	s1 =	sld [smem:$0x3F89];
	s0 =	simm.s32 @p0 $0x1  }
0x13: {  	[smem:$0x3FA4] =	sst s0;
	s0 =	simm.s32 @!p1 $0x0  }
0x14: {  	s2 =	sld [smem:$0x3F88];
	s0 =	simm.s32 @p1 $0x1  }
0x15: {  	[smem:$0x3FA5] =	sst s0;
	s0 =	simm.s32 @!p2 $0x0  }
0x16: {  	s3 =	sld [smem:$0x3FDB];
	s0 =	simm.s32 @p2 $0x1  }
0x17: {  	s4 =	simm.s32 $0x1BF5;
	[smem:$0x3FA7] =	sst s0  }
0x18: {  	s0 =	sld [smem:$0x3F8A];
	_ =	swait.ge [sflag:s4], $0x0  }
0x19: {  	s7 =	sld [smem:$0x3F8B]  }
0x1a: {  	s8 =	sadd.s32 $0xFFFFE003, lr  }
0x1b: {  	s9 =	sadd.s32 $0xFFFFFEF7, lr;
	s5 =	simm.s32 $0xFFFFFFFF;
	p2 =	slt.u32 s8, $0xFFFFF086  }
0x1c: {  	p1 =	slt.u32 s9, $0xF7A;
	s5 =	simm.s32 @!p2 $0x0  }
0x1d: {  	s5 =	simm.s32 @p1 $0x1;
	p0 =	seq.s32 s7, s2  }
0x1e: {  	s7 =	smul.u32 @!p0 $0xF7A, s2;
	p2 =	seq.s32 @!p0 s5, $0x0  }
0x1f: {  	s9 =	smul.u32 $0xF7A, s1;
	s8 =	simm.s32 @!p0 $0x1BF5;
	p2 =	por !p2, p0  }
0x20: {  	[sflag:s8] =	ssyncset.s32 @!p0 $0xFFFFF086;
	s6 =	sadd.s32 @!p0 s3, s7;
	s7 =	simm.s32 @!p0 $0x108  }
0x21: {  	s3 =	sadd.s32 s3, s9;
	s6 =	sadd.s32 @!p0 $0x88, s6;
	s7 =	simm.s32 @p2 $0x1082  }
0x22: {  	[simem:s7], [sflag:s8] =	dma.local @!p0 [hbm:s6], $0xF7A  }
0x23: {  	s9 =	sor.u32 $0xD0000000, s2;
	s6 =	simm.s32 $0x108;
	_ =	swait.ge @!p0 [sflag:s8], $0x0  }
0x24: {  	s3 =	sadd.s32 $0x88, s3;
	s6 =	simm.s32 @!p1 $0x1082;
	[sflag:s4] =	ssyncset.s32 $0xFFFFF086  }
0x25: {  	[simem:s6], [sflag:s4] =	dma.local [hbm:s3], $0xF7A  }
0x26: {  	[smem:$0x3F8B] =	sst s1;
	(tag) =	ssettag s2;
	_ =	strace s9  }
0x27: {  	s1 =	sld [smem:$0x3F9B]  }
0x28: {  	s2 =	sld [smem:$0x3F9C]  }
0x29: {  	s4 =	sld [smem:$0x3F9E]  }
0x2a: {  	p0 =	seq.s32 s5, $0x0;
	s5 =	sld [smem:$0x3F9F]  }
0x2b: {  	s6 =	sld [smem:$0x3FA0]  }
0x2c: {  	s7 =	sld [smem:$0x3FA1]  }
0x2d: {  	s3 =	simm.s32 $0x108;
	s8 =	sld [smem:$0x3FA2]  }
0x2e: {  	s3 =	simm.s32 @!p0 $0x1082;
	s9 =	sld [smem:$0x3FA3]  }
0x2f: {  	lr =	sadd.s32 s0, s3;
	s0 =	sld [smem:$0x3F9A]  }
0x30: {  	s3 =	sld [smem:$0x3F9D]  }
0x31: {  	[smem:$0x3FA6] =	sst s10  }
0x32: {  	s10 =	sld [smem:$0x3FA4];
	_ =	sdelay $0x3  }
0x33: {  	p0 =	seq.s32 s10, $0x1;
	s10 =	sld [smem:$0x3FA6];
	_ =	sdelay $0x3  }
0x34: {  	[smem:$0x3FA6] =	sst s10  }
0x35: {  	s10 =	sld [smem:$0x3FA5];
	_ =	sdelay $0x3  }
0x36: {  	p1 =	seq.s32 s10, $0x1;
	s10 =	sld [smem:$0x3FA6];
	_ =	sdelay $0x3  }
0x37: {  	[smem:$0x3FA6] =	sst s10  }
0x38: {  	s10 =	sld [smem:$0x3FA7]  }
0x39: {  	_ = 	snop;
	(pc) =	sbr.ind lr, $3  }
0x3a: {  	_ = 	snop  }
0x3b: {  	_ = 	snop  }
0x3c: {  	p2 =	seq.s32 s10, $0x1;
	s10 =	sld [smem:$0x3FA6]  }
0x3d: {  	_ =	shalt  }
0x3e: {  	_ =	shalt  }
0x3f: {  	_ =	shalt  }
0x40: {  	_ =	shalt  }
0x41: {  	_ =	shalt  }
0x42: {  	_ =	shalt  }
0x43: {  	_ =	shalt  }
0x44: {  	_ =	shalt  }
0x45: {  	_ =	shalt  }
0x46: {  	_ =	shalt  }
0x47: {  	_ =	shalt  }
0x48: {  	_ =	shalt  }
0x49: {  	_ =	shalt  }
0x4a: {  	_ =	shalt  }
0x4b: {  	_ =	shalt  }
0x4c: {  	_ =	shalt  }
0x4d: {  	_ =	shalt  }
0x4e: {  	_ =	shalt  }
0x4f: {  	_ =	shalt  }
0x50: {  	_ =	shalt  }
0x51: {  	_ =	shalt  }
0x52: {  	_ =	shalt  }
0x53: {  	_ =	shalt  }
0x54: {  	_ =	shalt  }
0x55: {  	_ =	shalt  }
0x56: {  	_ =	shalt  }
0x57: {  	_ =	shalt  }
0x58: {  	_ =	shalt  }
0x59: {  	_ =	shalt  }
0x5a: {  	_ =	shalt  }
0x5b: {  	_ =	shalt  }
0x5c: {  	_ =	shalt  }
0x5d: {  	_ =	shalt  }
0x5e: {  	_ =	shalt  }
0x5f: {  	_ =	shalt  }
0x60: {  	_ =	shalt  }
0x61: {  	_ =	shalt  }
0x62: {  	_ =	shalt  }
0x63: {  	_ =	shalt  }
0x64: {  	_ =	shalt  }
0x65: {  	_ =	shalt  }
0x66: {  	_ =	shalt  }
0x67: {  	_ =	shalt  }
0x68: {  	_ =	shalt  }
0x69: {  	_ =	shalt  }
0x6a: {  	_ =	shalt  }
0x6b: {  	_ =	shalt  }
0x6c: {  	_ =	shalt  }
0x6d: {  	_ =	shalt  }
0x6e: {  	_ =	shalt  }
0x6f: {  	_ =	shalt  }
0x70: {  	_ =	shalt  }
0x71: {  	_ =	shalt  }
0x72: {  	_ =	shalt  }
0x73: {  	_ =	shalt  }
0x74: {  	_ =	shalt  }
0x75: {  	_ =	shalt  }
0x76: {  	_ =	shalt  }
0x77: {  	_ =	shalt  }
0x78: {  	_ =	shalt  }
0x79: {  	_ =	shalt  }
0x7a: {  	_ =	shalt  }
0x7b: {  	_ =	shalt  }
0x7c: {  	_ =	shalt  }
0x7d: {  	_ =	shalt  }
0x7e: {  	_ =	shalt  }
0x7f: {  	_ =	shalt  }
0x80: {  	_ =	shalt  }
0x81: {  	_ =	shalt  }
0x82: {  	_ =	shalt  }
0x83: {  	_ =	shalt  }
0x84: {  	_ =	shalt  }
0x85: {  	_ =	shalt  }
0x86: {  	_ =	shalt  }
0x87: {  	_ =	shalt  }
.Lfunc_end0:
.L_simem_size_0:
called_computation_lowered:
.L_overlay_start_0:
0x88: {  	s2 =	sld [smem:$0x3FD9]  }
0x89: {  	s3 =	sld [smem:$0x3FFE];
	_ =	sdelay $0x1  }
0x8a: {  	s1 =	srdreg.scid  }
0x8b: {  	s0 =	sand.u32 $0x1, s1  }
0x8c: {  	s16 =	sshll.u32 s0, $0xA;
	s2 =	sadd.s32 s3, s2  }
0x8d: {  	s2 =	sadd.s32 s2, s16  }
0x8e: {  	[smem:$0x3FB2] =	sst s2  }
0x8f: {  	_ = 	snop  }
0x90: {  	(tm) =	ssettm $0x1  }
0x91: {  	s17 =	sld [smem:$0x3FFB];
	_ =	sdelay $0x3  }
0x92: {  	_ =	strace s17  }
0x93: {  	s2 =	sld [smem:$0x3FFC];
	_ =	sdelay $0x3  }
0x94: {  	_ =	strace s2  }
0x95: {  	s2 =	sld [smem:$0x3FFD];
	_ =	sdelay $0x3  }
0x96: {  	_ =	strace s2  }
0x97: {  	_ =	strace $0x8FFFFFFF  }
0x98: {  	s18 =	sld [smem:$0x3FDB];
	_ =	sdelay $0x1  }
0x99: {  	s19 =	simm.s32 $_scs_section_size  }
0x9a: {  	s4 =	simm.s32 $_size__tile_overlayer_lowered;
	s5 =	simm.s32 $_tile_overlayer_lowered  }
0x9b: {  	s22 =	simm.s32 $0x1BFF;
	s21 =	sshll.u32 s5, $0x1;
	s2 =	sadd.s32 s19, s18  }
0x9c: {  	s6 =	simm.s32 $0x0;
	s20 =	sshll.u32 s4, $0x1;
	s4 =	sadd.s32 s21, s2  }
0x9d: {  	[timem:s6], [sflag:s22] =	dma.local [hbm:s4], s20  }
0x9e: {  	_ =	swait.ge [sflag:s22], s20  }
0x9f: {  	s3 =	ssub.s32 $0x0, s20;
	[sflag:s22] =	ssyncset.done $0x0  }
0xa0: {  	[sflag:s22] =	ssyncadd.s32 s3;
	_ =	sdelay $0x1  }
0xa1: {  	s23 =	simm.s32 $0x1B8B  }
0xa2: {  	_ =	swait.ge [sflag:s23], $0x1  }
0xa3: {  	[sflag:s23] =	ssyncset.done $0x0  }
0xa4: {  	s25 =	simm.s32 $0x1B8E;
	s24 =	sld [smem:$0x3FFE];
	[sflag:s23] =	ssyncadd.s32 $0xFFFFFFFF  }
0xa5: {  	s26 =	simm.s32 $execute0_lowered;
	[smem:$0x3FD2] =	sst s25  }
0xa6: {  	s4 =	sshll.u32 s26, $0x1;
	_ =	strace $0x80000046;
	[dreg:$0x1] =	wrdreg $0xFFFFFFFF  }
0xa7: {  	s28 =	simm.s32 $_size_execute0_lowered;
	s2 =	sadd.s32 s2, s4;
	[dreg:$0x0] =	wrdreg $0x0  }
0xa8: {  	s4 =	sshll.u32 s28, $0x1;
	[dreg:$0x2] =	wrdreg s2  }
0xa9: {  	[dreg:$0x3] =	wrdreg s4  }
0xaa: {  	[dreg:$0x4] =	wrdreg $0xC0  }
0xab: {  	_ =	task [dreg:s6], $0x5FFFF  }
0xac: {  	[dreg:$0x1] =	wrdreg $0xFFFFFFFF  }
0xad: {  	[dreg:$0x0] =	wrdreg $0x60  }
0xae: {  	[dreg:$0x2] =	wrdreg s24  }
0xaf: {  	[dreg:$0x3] =	wrdreg $0x9  }
0xb0: {  	_ =	task.clear_ibuf [dreg:s6], $0x4FFFF;
	_ =	strace $0x90000046  }
0xb1: {  	s29 =	simm.s32 $0x9;
	_ =	strace $0x80000048  }
0xb2: {  	_ =	swait.ge [sflag:s29], $0x1  }
0xb3: {  	[sflag:s29] =	ssyncadd.s32 $0xFFFFFFFF  }
0xb4: {  	_ =	strace $0x90000048  }
0xb5: {  	_ =	sfence  }
0xb6: {  	s30 =	sld [smem:$0x0];
	_ =	sdelay $0x2  }
0xb7: {  	s31 =	sshll.u32 s1, $0xD;
	s1 =	sshrl.u32 s1, $0x2  }
0xb8: {  	s3 =	sand.u32 $0x4000, s31;
	s1 =	sadd.s32 s1, s30  }
0xb9: {  	s0 =	sor.u32 s3, s0;
	s1 =	sshll.u32 s1, $0x11  }
0xba: {  	s0 =	sor.u32 s1, s0  }
0xbb: {  	s0 =	sadd.s32 $0x8F2B, s0  }
0xbc: {  	[sflag:s0] =	ssyncadd.remote.s32 $0x1  }
0xbd: {  	_ =	sfence.sel $0xFFFF  }
0xbe: {  	[dreg:$0x0] =	wrdreg $0xFFFFFFFF;
	(pc) =	sbr.abs _section_cstart, $3  }
0xbf: {  	[dreg:$0x1] =	wrdreg $0xFFFFFFFF  }
0xc0: {  	_ =	task.clear_ibuf [dreg:s6], $0x2FFFF;
	_ =	strace $0x9FFFFFFF  }
0xc1: {  	(tm) =	ssettm $0x7FFFFFFF  }
tec
execute0_lowered:
.L_overlay_start_1:
0x0: {  	(tag) =	ssettag $0x1  }
0x1: {  	s1 =	srdreg.scid  }
0x2: {  	s0 =	stileid.u32;
	s5 =	rddreg [dreg:$0x0]  }
0x3: {  	s6 =	simm.s32 $0x80;
	s7 =	simm.s32 $0x400;
	s8 =	simm.s32 $0x1  }
0x4: {  	s3 =	sand.u32 $0x1, s1;
	s29 =	sshrl.u32 s0, $0x2;
	s2 =	sshll.u32 s0, $0x8  }
0x5: {  	s4 =	smul.u32 $0x13C00, s29;
	s30 =	sshll.u32 s3, $0x7;
	s2 =	sand.u32 $0x300, s2  }
0x6: {  	s9 =	simm.s32 $0x2780;
	s1 =	rddreg [dreg:$0x1];
	s2 =	sor.u32 s30, s2  }
0x7: {  	s3 =	ssub.s32 $0x2, s3;
	s4 =	sor.u32 s4, s2;
	s2 =	simm.s32 $0x0  }
0x8: {  	s31 =	sshrl.u32 s3, $0x1;
	s4 =	sshrl.u32 s4, $0x3;
	[smem:$0x7FF] =	sst s2  }
0x9: {  	s4 =	sadd.s32 s4, s5;
	_ =	strace $0x80000047;
	s5 =	ssub.s32 s3, s31  }
0xa: {  	v0 =	vimm.f32 $0.0e+00;
	v1 =	vimm.f32 $1.000000000e+00;
	s3 =	sadd.s32 $0x3A00, s4;
	s4 =	sadd.s32 $0xD800, s4;
	s5 =	smax.u32 s5, $0x1  }
.LBB2_1:
0xb: {  	s10 =	simm.s32 $0x40;
	s11 =	simm.s32 $0x0  }
.LBB2_2:
0xc: {  	p0 =	sne.s32 s10, $0x9DC0;
	[tilespmem:s11+$0x2780] =	vst v0;
	s11 =	smov.u32 s10;
	s10 =	sadd.s32 $0x40, s10  }
.Ltmp0:
0xd: {  	(pc) =	sbr.rel @p0 .LBB2_2-.Ltmp0, $2  }
0xe: {  	_ =	sdelay $0x2  }
0xf: {  	s11 =	sshra.s32 s11, $0x2  }
0x10: {  	[tilespmem:s11+$0x2780] =	vst v0;
	s10 =	simm.s32 $0x0  }
0x11: {  	[tilespmem:s10], [sflag:$0x1] =	stream.strided.gather [hbm4b:s3+s6], $0x2780, s7, s6, $0x38;
	[tilespmem:$0x4F00] =	vst v63  }
0x12: {  	_ =	swait.ge [sflag:s8], $0x2780  }
0x13: {  	[sflag:s8] =	ssyncset.done $0x0  }
0x14: {  	s11 =	simm.s32 $0x0;
	s10 =	simm.s32 $0x40;
	[sflag:s8] =	ssyncadd.s32 $0xFFFFD880  }
.LBB2_4:
0x15: {  	p0 =	sne.s32 s10, $0x9C00;
	v2 =	vld [tilespmem:s11+$0x0];
	_ =	sdelay $0x3  }
.Ltmp1:
0x16: {  	(pc) =	sbr.rel @p0 .LBB2_4-.Ltmp1, $2  }
0x17: {  	_ =	sdelay $0x2  }
0x18: {  	s11 =	sshra.s32 s10, $0x2;
	s10 =	sadd.s32 $0x40, s10;
	[tilespmem:v2+s9+$0x0] =	vst.idx.add.f32.msk $0xffff, v1  }
0x19: {  	v2 =	vld [tilespmem:s11+$0x0];
	_ =	sdelay $0x5  }
0x1a: {  	s2 =	sadd.s32 $0x1, s2  }
0x1b: {  	p0 =	sne.s32 s2, s5  }
.Ltmp2:
0x1c: {  	[tilespmem:v2+s9+$0x0] =	vst.idx.add.f32.msk $0xffff, v1;
	(pc) =	sbr.rel @p0 .LBB2_1-.Ltmp2, $4  }
0x1d: {  	[hbm4b:s4+s6] =	stream.strided.scatter [tilespmem:s9], [sflag:$0x1], $0x2780, s7, s6, $0x38;
	[tilespmem:$0x4F00] =	vst v63  }
0x1e: {  	_ =	swait.ge [sflag:s8], $0x2780  }
0x1f: {  	[sflag:s8] =	ssyncset.done $0x0  }
0x20: {  	[sflag:s8] =	ssyncadd.s32 $0xFFFFD880  }
0x21: {  	_ =	sfence.sel $0x180000  }
0x22: {  	[bflag:$0x0] =	sbarrier.arrive $0xFFFF  }
0x23: {  	p0 =	sne.s32 s0, $0x0;
	_ =	strace $0x90000047  }
0x24: {  	s0 =	sadd.s32 @!p0 $0x100000, s1;
	[bflag:$0x2] =	sbarrier.arrive $0xFFFF  }
0x25: {  	[sflag:s0] =	ssyncadd.tile.s32 @!p0 $0x1;
	_ =	shalt  }
.Lfunc_end2:
_tile_overlayer_lowered:
.L_overlay_start_2:
0x26: {  	(tag) =	ssettag $0x2  }
0x27: {  	s0 =	rddreg [dreg:$0x0];
	s2 =	stileid.u32  }
0x28: {  	s1 =	rddreg [dreg:$0x1];
	p0 =	sne.s32 s2, $0x0  }
0x29: {  	s3 =	rddreg [dreg:$0x2];
	[bflag:$0x3] =	sbarrier.arrive $0xFFFF;
	s2 =	simm.s32 @!p0 $0x1C01  }
0x2a: {  	[timem:s3], [sflag:s2] =	dma.local @!p0 [hbm:s0], s1  }
0x2b: {  	s0 =	simm.s32 @!p0 $0x1  }
0x2c: {  	_ =	swait.ge @!p0 [sflag:s0], s1  }
0x2d: {  	s1 =	ssub.s32 @!p0 $0x0, s1;
	[sflag:s0] =	ssyncset.done @!p0 $0x0  }
0x2e: {  	[sflag:s0] =	ssyncadd.s32 @!p0 s1  }
0x2f: {  	[bflag:$0x3] =	sbarrier.arrive $0xFFFF  }
0x30: {  	_ =	shalt  }

// kernel: kernel.15.cloned.1.call-start
scs
__scs_entry_jumppad:
0x0: {  	(pc) =	sbr.rel $0x88, $3  }
0x1: {  	(tag) =	ssettag $0x0;
	lr =	simm.s32 $0x1  }
0x2: {  	[smem:$0x3F8B] =	sst lr;
	_ =	strace $0xD0000000  }
0x3: {  	_ = 	snop  }
0x4: {  	_ = 	snop  }
0x5: {  	_ = 	snop  }
0x6: {  	_ = 	snop  }
0x7: {  	_ = 	snop  }
__scs_overlays_trampoline_lowered:
0x8: {  	[smem:$0x3F9A] =	sst s0  }
0x9: {  	[smem:$0x3F9B] =	sst s1  }
0xa: {  	[smem:$0x3F9C] =	sst s2  }
0xb: {  	[smem:$0x3F9D] =	sst s3  }
0xc: {  	[smem:$0x3F9E] =	sst s4  }
0xd: {  	[smem:$0x3F9F] =	sst s5  }
0xe: {  	[smem:$0x3FA0] =	sst s6  }
0xf: {  	[smem:$0x3FA1] =	sst s7  }
0x10: {  	[smem:$0x3FA2] =	sst s8  }
0x11: {  	[smem:$0x3FA3] =	sst s9;
	s0 =	simm.s32 @!p0 $0x0  }
0x12: {  	s1 =	sld [smem:$0x3F89];
	s0 =	simm.s32 @p0 $0x1  }
0x13: {  	[smem:$0x3FA4] =	sst s0;
	s0 =	simm.s32 @!p1 $0x0  }
0x14: {  	s2 =	sld [smem:$0x3F88];
	s0 =	simm.s32 @p1 $0x1  }
0x15: {  	[smem:$0x3FA5] =	sst s0;
	s0 =	simm.s32 @!p2 $0x0  }
0x16: {  	s3 =	sld [smem:$0x3FDB];
	s0 =	simm.s32 @p2 $0x1  }
0x17: {  	s4 =	simm.s32 $0x1BF5;
	[smem:$0x3FA7] =	sst s0  }
0x18: {  	s0 =	sld [smem:$0x3F8A];
	_ =	swait.ge [sflag:s4], $0x0  }
0x19: {  	s7 =	sld [smem:$0x3F8B]  }
0x1a: {  	s8 =	sadd.s32 $0xFFFFE003, lr  }
0x1b: {  	s9 =	sadd.s32 $0xFFFFFEF7, lr;
	s5 =	simm.s32 $0xFFFFFFFF;
	p2 =	slt.u32 s8, $0xFFFFF086  }
0x1c: {  	p1 =	slt.u32 s9, $0xF7A;
	s5 =	simm.s32 @!p2 $0x0  }
0x1d: {  	s5 =	simm.s32 @p1 $0x1;
	p0 =	seq.s32 s7, s2  }
0x1e: {  	s7 =	smul.u32 @!p0 $0xF7A, s2;
	p2 =	seq.s32 @!p0 s5, $0x0  }
0x1f: {  	s9 =	smul.u32 $0xF7A, s1;
	s8 =	simm.s32 @!p0 $0x1BF5;
	p2 =	por !p2, p0  }
0x20: {  	[sflag:s8] =	ssyncset.s32 @!p0 $0xFFFFF086;
	s6 =	sadd.s32 @!p0 s3, s7;
	s7 =	simm.s32 @!p0 $0x108  }
0x21: {  	s3 =	sadd.s32 s3, s9;
	s6 =	sadd.s32 @!p0 $0x88, s6;
	s7 =	simm.s32 @p2 $0x1082  }
0x22: {  	[simem:s7], [sflag:s8] =	dma.local @!p0 [hbm:s6], $0xF7A  }
0x23: {  	s9 =	sor.u32 $0xD0000000, s2;
	s6 =	simm.s32 $0x108;
	_ =	swait.ge @!p0 [sflag:s8], $0x0  }
0x24: {  	s3 =	sadd.s32 $0x88, s3;
	s6 =	simm.s32 @!p1 $0x1082;
	[sflag:s4] =	ssyncset.s32 $0xFFFFF086  }
0x25: {  	[simem:s6], [sflag:s4] =	dma.local [hbm:s3], $0xF7A  }
0x26: {  	[smem:$0x3F8B] =	sst s1;
	(tag) =	ssettag s2;
	_ =	strace s9  }
0x27: {  	s1 =	sld [smem:$0x3F9B]  }
0x28: {  	s2 =	sld [smem:$0x3F9C]  }
0x29: {  	s4 =	sld [smem:$0x3F9E]  }
0x2a: {  	p0 =	seq.s32 s5, $0x0;
	s5 =	sld [smem:$0x3F9F]  }
0x2b: {  	s6 =	sld [smem:$0x3FA0]  }
0x2c: {  	s7 =	sld [smem:$0x3FA1]  }
0x2d: {  	s3 =	simm.s32 $0x108;
	s8 =	sld [smem:$0x3FA2]  }
0x2e: {  	s3 =	simm.s32 @!p0 $0x1082;
	s9 =	sld [smem:$0x3FA3]  }
0x2f: {  	lr =	sadd.s32 s0, s3;
	s0 =	sld [smem:$0x3F9A]  }
0x30: {  	s3 =	sld [smem:$0x3F9D]  }
0x31: {  	[smem:$0x3FA6] =	sst s10  }
0x32: {  	s10 =	sld [smem:$0x3FA4];
	_ =	sdelay $0x3  }
0x33: {  	p0 =	seq.s32 s10, $0x1;
	s10 =	sld [smem:$0x3FA6];
	_ =	sdelay $0x3  }
0x34: {  	[smem:$0x3FA6] =	sst s10  }
0x35: {  	s10 =	sld [smem:$0x3FA5];
	_ =	sdelay $0x3  }
0x36: {  	p1 =	seq.s32 s10, $0x1;
	s10 =	sld [smem:$0x3FA6];
	_ =	sdelay $0x3  }
0x37: {  	[smem:$0x3FA6] =	sst s10  }
0x38: {  	s10 =	sld [smem:$0x3FA7]  }
0x39: {  	_ = 	snop;
	(pc) =	sbr.ind lr, $3  }
0x3a: {  	_ = 	snop  }
0x3b: {  	_ = 	snop  }
0x3c: {  	p2 =	seq.s32 s10, $0x1;
	s10 =	sld [smem:$0x3FA6]  }
0x3d: {  	_ =	shalt  }
0x3e: {  	_ =	shalt  }
0x3f: {  	_ =	shalt  }
0x40: {  	_ =	shalt  }
0x41: {  	_ =	shalt  }
0x42: {  	_ =	shalt  }
0x43: {  	_ =	shalt  }
0x44: {  	_ =	shalt  }
0x45: {  	_ =	shalt  }
0x46: {  	_ =	shalt  }
0x47: {  	_ =	shalt  }
0x48: {  	_ =	shalt  }
0x49: {  	_ =	shalt  }
0x4a: {  	_ =	shalt  }
0x4b: {  	_ =	shalt  }
0x4c: {  	_ =	shalt  }
0x4d: {  	_ =	shalt  }
0x4e: {  	_ =	shalt  }
0x4f: {  	_ =	shalt  }
0x50: {  	_ =	shalt  }
0x51: {  	_ =	shalt  }
0x52: {  	_ =	shalt  }
0x53: {  	_ =	shalt  }
0x54: {  	_ =	shalt  }
0x55: {  	_ =	shalt  }
0x56: {  	_ =	shalt  }
0x57: {  	_ =	shalt  }
0x58: {  	_ =	shalt  }
0x59: {  	_ =	shalt  }
0x5a: {  	_ =	shalt  }
0x5b: {  	_ =	shalt  }
0x5c: {  	_ =	shalt  }
0x5d: {  	_ =	shalt  }
0x5e: {  	_ =	shalt  }
0x5f: {  	_ =	shalt  }
0x60: {  	_ =	shalt  }
0x61: {  	_ =	shalt  }
0x62: {  	_ =	shalt  }
0x63: {  	_ =	shalt  }
0x64: {  	_ =	shalt  }
0x65: {  	_ =	shalt  }
0x66: {  	_ =	shalt  }
0x67: {  	_ =	shalt  }
0x68: {  	_ =	shalt  }
0x69: {  	_ =	shalt  }
0x6a: {  	_ =	shalt  }
0x6b: {  	_ =	shalt  }
0x6c: {  	_ =	shalt  }
0x6d: {  	_ =	shalt  }
0x6e: {  	_ =	shalt  }
0x6f: {  	_ =	shalt  }
0x70: {  	_ =	shalt  }
0x71: {  	_ =	shalt  }
0x72: {  	_ =	shalt  }
0x73: {  	_ =	shalt  }
0x74: {  	_ =	shalt  }
0x75: {  	_ =	shalt  }
0x76: {  	_ =	shalt  }
0x77: {  	_ =	shalt  }
0x78: {  	_ =	shalt  }
0x79: {  	_ =	shalt  }
0x7a: {  	_ =	shalt  }
0x7b: {  	_ =	shalt  }
0x7c: {  	_ =	shalt  }
0x7d: {  	_ =	shalt  }
0x7e: {  	_ =	shalt  }
0x7f: {  	_ =	shalt  }
0x80: {  	_ =	shalt  }
0x81: {  	_ =	shalt  }
0x82: {  	_ =	shalt  }
0x83: {  	_ =	shalt  }
0x84: {  	_ =	shalt  }
0x85: {  	_ =	shalt  }
0x86: {  	_ =	shalt  }
0x87: {  	_ =	shalt  }
.Lfunc_end0:
.L_simem_size_0:
called_computation.1_lowered:
.L_overlay_start_0:
0x88: {  	s2 =	sld [smem:$0x3FD9]  }
0x89: {  	s3 =	sld [smem:$0x3FFE];
	_ =	sdelay $0x1  }
0x8a: {  	s1 =	srdreg.scid  }
0x8b: {  	s0 =	sand.u32 $0x1, s1  }
0x8c: {  	s17 =	sshll.u32 s0, $0xA;
	s2 =	sadd.s32 s3, s2  }
0x8d: {  	s2 =	sadd.s32 s2, s17  }
0x8e: {  	[smem:$0x3FB2] =	sst s2  }
0x8f: {  	_ = 	snop  }
0x90: {  	s18 =	sld [smem:$0x3FC9];
	(tm) =	ssettm $0x1  }
0x91: {  	s19 =	sld [smem:$0x3FFB];
	_ =	sdelay $0x3  }
0x92: {  	_ =	strace s19  }
0x93: {  	s2 =	sld [smem:$0x3FFC];
	_ =	sdelay $0x3  }
0x94: {  	_ =	strace s2  }
0x95: {  	s2 =	sld [smem:$0x3FFD];
	_ =	sdelay $0x3  }
0x96: {  	_ =	strace s2  }
0x97: {  	_ =	strace $0x8FFFFFFF  }
0x98: {  	s20 =	sld [smem:$0x3FDB];
	_ =	sdelay $0x1  }
0x99: {  	s4 =	simm.s32 $_scs_section_size  }
0x9a: {  	s5 =	simm.s32 $_size__tile_overlayer_lowered;
	s6 =	simm.s32 $_tile_overlayer_lowered  }
0x9b: {  	s7 =	simm.s32 $0x1BFF;
	s21 =	sshll.u32 s6, $0x1;
	s4 =	sadd.s32 s4, s20  }
0x9c: {  	s22 =	simm.s32 $0x0;
	s5 =	sshll.u32 s5, $0x1;
	s6 =	sadd.s32 s21, s4  }
0x9d: {  	[timem:s22], [sflag:s7] =	dma.local [hbm:s6], s5  }
0x9e: {  	_ =	swait.ge [sflag:s7], s5  }
0x9f: {  	s5 =	ssub.s32 $0x0, s5;
	[sflag:s7] =	ssyncset.done $0x0  }
0xa0: {  	[sflag:s7] =	ssyncadd.s32 s5;
	_ =	sdelay $0x1  }
0xa1: {  	s23 =	simm.s32 $0x1B8B  }
0xa2: {  	_ =	swait.ge [sflag:s23], $0x1  }
0xa3: {  	[sflag:s23] =	ssyncset.done $0x0  }
0xa4: {  	[sflag:s23] =	ssyncadd.s32 $0xFFFFFFFF  }
0xa5: {  	s5 =	sld [smem:$0x0]  }
0xa6: {  	s6 =	sand.u32 $0xFFFFFFFE, s1  }
0xa7: {  	p0 =	sne.s32 s1, s6  }
0xa8: {  	s6 =	sshll.u32 @p0 s6, $0xE  }
0xa9: {  	s6 =	sadd.s32 @p0 $0x11B8D, s6;
	s7 =	sshll.u32 @p0 s5, $0x11  }
0xaa: {  	s6 =	sor.u32 @p0 s7, s6  }
0xab: {  	[sflag:s6] =	ssyncadd.remote.s32 @p0 $0x1;
	_ =	sdelay $0x1  }
0xac: {  	s6 =	simm.s32 @p0 $0x1B8D  }
0xad: {  	_ =	swait.eq @p0 [sflag:s6], $0x1  }
0xae: {  	[sflag:s6] =	ssyncadd.s32 @p0 $0xFFFFFFFF  }
0xaf: {  	s7 =	sshll.u32 @!p0 s1, $0xE  }
0xb0: {  	s7 =	sor.u32 @!p0 $0x4000, s7;
	s6 =	simm.s32 @!p0 $0x1B8D  }
0xb1: {  	s5 =	sshll.u32 @!p0 s5, $0x11;
	s7 =	sadd.s32 @!p0 $0x11B8D, s7;
	_ =	swait.eq @!p0 [sflag:s6], $0x1  }
0xb2: {  	s5 =	sor.u32 @!p0 s5, s7;
	[sflag:s6] =	ssyncadd.s32 @!p0 $0xFFFFFFFF  }
0xb3: {  	s25 =	simm.s32 $0x1B8E;
	s24 =	sld [smem:$0x3FFE];
	[sflag:s5] =	ssyncadd.remote.s32 @!p0 $0x1  }
0xb4: {  	s26 =	simm.s32 $execute0_lowered;
	[smem:$0x3FD2] =	sst s25  }
0xb5: {  	s6 =	sshll.u32 s26, $0x1;
	_ =	strace $0x80000049;
	[dreg:$0x1] =	wrdreg $0xFFFFFFFF  }
0xb6: {  	s28 =	simm.s32 $_size_execute0_lowered;
	s4 =	sadd.s32 s4, s6;
	[dreg:$0x0] =	wrdreg $0x0  }
0xb7: {  	s6 =	sshll.u32 s28, $0x1;
	[dreg:$0x2] =	wrdreg s4  }
0xb8: {  	[dreg:$0x3] =	wrdreg s6  }
0xb9: {  	[dreg:$0x4] =	wrdreg $0xC0  }
0xba: {  	_ =	task [dreg:s22], $0x5FFFF  }
0xbb: {  	[dreg:$0x1] =	wrdreg $0xFFFFFFFF  }
0xbc: {  	[dreg:$0x0] =	wrdreg $0x60  }
0xbd: {  	[dreg:$0x2] =	wrdreg s18  }
0xbe: {  	[dreg:$0x3] =	wrdreg s24  }
0xbf: {  	[dreg:$0x4] =	wrdreg $0xB7800  }
0xc0: {  	[dreg:$0x5] =	wrdreg $0xA  }
0xc1: {  	_ =	task.clear_ibuf [dreg:s22], $0x6FFFF;
	_ =	strace $0x90000049  }
0xc2: {  	s29 =	simm.s32 $0xA;
	_ =	strace $0x8000004B  }
0xc3: {  	_ =	swait.ge [sflag:s29], $0x1  }
0xc4: {  	[sflag:s29] =	ssyncadd.s32 $0xFFFFFFFF  }
0xc5: {  	_ =	strace $0x9000004B  }
0xc6: {  	_ =	sfence  }
0xc7: {  	s30 =	sld [smem:$0x0];
	_ =	sdelay $0x2  }
0xc8: {  	s31 =	sshll.u32 s1, $0xD;
	s1 =	sshrl.u32 s1, $0x2  }
0xc9: {  	s4 =	sand.u32 $0x4000, s31;
	s1 =	sadd.s32 s1, s30  }
0xca: {  	s0 =	sor.u32 s4, s0;
	s1 =	sshll.u32 s1, $0x11  }
0xcb: {  	s0 =	sor.u32 s1, s0  }
0xcc: {  	s0 =	sadd.s32 $0x8F2B, s0  }
0xcd: {  	[sflag:s0] =	ssyncadd.remote.s32 $0x1  }
0xce: {  	_ =	sfence.sel $0xFFFF  }
0xcf: {  	[dreg:$0x0] =	wrdreg $0xFFFFFFFF;
	(pc) =	sbr.abs _section_cstart, $3  }
0xd0: {  	[dreg:$0x1] =	wrdreg $0xFFFFFFFF  }
0xd1: {  	_ =	task.clear_ibuf [dreg:s22], $0x2FFFF;
	_ =	strace $0x9FFFFFFF  }
0xd2: {  	(tm) =	ssettm $0x7FFFFFFF  }
0xd3: {  	_ =	shalt  }
tec
execute0_lowered:
.L_overlay_start_1:
0x0: {  	(tag) =	ssettag $0x1  }
0x1: {  	s1 =	rddreg [dreg:$0x0]  }
0x2: {  	s0 =	srdreg.scid;
	s5 =	rddreg [dreg:$0x1]  }
0x3: {  	s9 =	stileid.u32;
	s3 =	rddreg [dreg:$0x2]  }
0x4: {  	s19 =	simm.s32 $0x5;
	s21 =	simm.s32 $0x8F80;
	s22 =	simm.s32 $0x50  }
0x5: {  	s23 =	simm.s32 $0x6780;
	s24 =	simm.s32 $0x1;
	s25 =	simm.s32 $0x2  }
0x6: {  	s26 =	simm.s32 $0x3;
	s28 =	simm.s32 $0x4;
	s8 =	smul.u32 $0x13C00, s9  }
0x7: {  	s2 =	sshll.u32 s9, $0x1;
	s4 =	sshrl.u32 s9, $0x2;
	s9 =	smul.u32 $0x4F000, s9  }
0x8: {  	s31 =	simm.s32 $0x6500;
	s0 =	sand.u32 $0x1, s0;
	s6 =	smul.u32 $0x13C00, s4  }
0x9: {  	s2 =	sor.u32 s0, s2;
	s4 =	simm.s32 $0x0;
	s29 =	smul.u32 $0x13C000, s0  }
0xa: {  	s0 =	ssub.s32 $0x2, s0;
	s7 =	sshll.u32 s2, $0x7;
	[smem:$0x7FF] =	sst s4  }
0xb: {  	s2 =	sshll.u32 s2, $0xB;
	s30 =	sshrl.u32 s0, $0x1;
	s9 =	sshrl.u32 s9, $0x2  }
0xc: {  	s7 =	sand.u32 $0x380, s7;
	_ =	strace $0x8000004A;
	s2 =	sadd.s32 s2, s5  }
0xd: {  	s0 =	ssub.s32 s0, s30;
	s6 =	sor.u32 s6, s7;
	s7 =	sadd.s32 s8, s29  }
0xe: {  	s16 =	smax.u32 s0, $0x1;
	s6 =	sshrl.u32 s6, $0x3;
	s7 =	sshrl.u32 s7, $0x3  }
0xf: {  	s0 =	simm.s32 $0x0;
	s6 =	sadd.s32 s6, s5;
	s15 =	sadd.s32 s7, s5  }
0x10: {  	s5 =	sadd.s32 s9, s3;
	s7 =	sadd.s32 $0x17600, s2;
	s2 =	simm.s32 $0x6580  }
0x11: {  	s6 =	sadd.s32 $0x27600, s6;
	s8 =	sadd.s32 $0x2800, s5;
	s9 =	sadd.s32 $0x5000, s5  }
0x12: {  	s10 =	sadd.s32 $0x7800, s5;
	s11 =	sadd.s32 $0xA000, s5;
	s12 =	sadd.s32 $0xC800, s5  }
0x13: {  	v0 =	vimm.f32 $0.0e+00;
	s13 =	sadd.s32 $0xF000, s5;
	s14 =	sadd.s32 $0x11800, s5;
	s15 =	sadd.s32 $0x31400, s15  }
.LBB2_1:
0x14: {  	s17 =	simm.s32 $0x80;
	s18 =	simm.s32 $0x400  }
0x15: {  	[tilespmem:s4], [sflag:$0x5] =	stream.strided.gather [hbm4b:s6+s17], $0x2780, s18, s17, $0x38;
	[tilespmem:$0x1F380] =	vst v63  }
0x16: {  	_ =	swait.ge [sflag:s19], $0x2780  }
0x17: {  	[sflag:s19] =	ssyncset.done $0x0  }
0x18: {  	s30 =	simm.s32 $0x2780;
	[sflag:s19] =	ssyncadd.s32 $0xFFFFD880  }
0x19: {  	[tilespmem:s30], [sflag:$0x5] =	stream.linear.gather [hbm4b:s7+s4], $0x3E80, $0x38;
	[tilespmem:$0x1F380] =	vst v63  }
0x1a: {  	_ =	swait.ge [sflag:s19], $0x3E80  }
0x1b: {  	[sflag:s19] =	ssyncset.done $0x0  }
0x1c: {  	s17 =	simm.s32 $0x0;
	s18 =	simm.s32 $0x200;
	[sflag:s19] =	ssyncadd.s32 $0xFFFFC180  }
.LBB2_2:
0x1d: {  	p0 =	sne.s32 s18, $0x9E00;
	[tilespmem:s17+$0x8FF0] =	vst v0  }
0x1e: {  	[tilespmem:s17+$0x8F80] =	vst v0  }
0x1f: {  	[tilespmem:s17+$0x8F90] =	vst v0  }
.Ltmp0:
0x20: {  	[tilespmem:s17+$0x8FA0] =	vst v0;
	(pc) =	sbr.rel @p0 .LBB2_2-.Ltmp0, $4  }
0x21: {  	[tilespmem:s17+$0x8FB0] =	vst v0  }
0x22: {  	[tilespmem:s17+$0x8FC0] =	vst v0  }
0x23: {  	[tilespmem:s17+$0x8FD0] =	vst v0  }
0x24: {  	[tilespmem:s17+$0x8FE0] =	vst v0;
	s17 =	sshra.s32 s18, $0x2;
	s18 =	sadd.s32 $0x200, s18  }
0x25: {  	[tilespmem:s17+$0x8FF0] =	vst v0  }
0x26: {  	[tilespmem:s17+$0x8F80] =	vst v0  }
0x27: {  	[tilespmem:s17+$0x8F90] =	vst v0  }
0x28: {  	[tilespmem:s17+$0x8FA0] =	vst v0  }
0x29: {  	[tilespmem:s17+$0x8FB0] =	vst v0  }
0x2a: {  	[tilespmem:s17+$0x8FC0] =	vst v0  }
0x2b: {  	[tilespmem:s17+$0x8FD0] =	vst v0  }
0x2c: {  	[tilespmem:s17+$0x8FE0] =	vst v0  }
0x2d: {  	[spmem:s5] =	stream.linear.scatter [tilespmem:s21], [sflag:$0x5], $0x2800, $0x38;
	[tilespmem:$0x1F380] =	vst v63  }
0x2e: {  	_ =	swait.ge [sflag:s19], $0x2800  }
0x2f: {  	[sflag:s19] =	ssyncset.done $0x0  }
0x30: {  	[sflag:s19] =	ssyncadd.s32 $0xFFFFD800  }
0x31: {  	[spmem:s8] =	stream.linear.scatter [tilespmem:s21], [sflag:$0x5], $0x2800, $0x38;
	[tilespmem:$0x1F380] =	vst v63  }
0x32: {  	_ =	swait.ge [sflag:s19], $0x2800  }
0x33: {  	[sflag:s19] =	ssyncset.done $0x0  }
0x34: {  	[sflag:s19] =	ssyncadd.s32 $0xFFFFD800  }
0x35: {  	[spmem:s9] =	stream.linear.scatter [tilespmem:s21], [sflag:$0x5], $0x2800, $0x38;
	[tilespmem:$0x1F380] =	vst v63  }
0x36: {  	_ =	swait.ge [sflag:s19], $0x2800  }
0x37: {  	[sflag:s19] =	ssyncset.done $0x0  }
0x38: {  	[sflag:s19] =	ssyncadd.s32 $0xFFFFD800  }
0x39: {  	[spmem:s10] =	stream.linear.scatter [tilespmem:s21], [sflag:$0x5], $0x2800, $0x38;
	[tilespmem:$0x1F380] =	vst v63  }
0x3a: {  	_ =	swait.ge [sflag:s19], $0x2800  }
0x3b: {  	[sflag:s19] =	ssyncset.done $0x0  }
0x3c: {  	[sflag:s19] =	ssyncadd.s32 $0xFFFFD800  }
0x3d: {  	[spmem:s11] =	stream.linear.scatter [tilespmem:s21], [sflag:$0x5], $0x2800, $0x38;
	[tilespmem:$0x1F380] =	vst v63  }
0x3e: {  	_ =	swait.ge [sflag:s19], $0x2800  }
0x3f: {  	[sflag:s19] =	ssyncset.done $0x0  }
0x40: {  	[sflag:s19] =	ssyncadd.s32 $0xFFFFD800  }
0x41: {  	[spmem:s12] =	stream.linear.scatter [tilespmem:s21], [sflag:$0x5], $0x2800, $0x38;
	[tilespmem:$0x1F380] =	vst v63  }
0x42: {  	_ =	swait.ge [sflag:s19], $0x2800  }
0x43: {  	[sflag:s19] =	ssyncset.done $0x0  }
0x44: {  	[sflag:s19] =	ssyncadd.s32 $0xFFFFD800  }
0x45: {  	[spmem:s13] =	stream.linear.scatter [tilespmem:s21], [sflag:$0x5], $0x2800, $0x38;
	[tilespmem:$0x1F380] =	vst v63  }
0x46: {  	_ =	swait.ge [sflag:s19], $0x2800  }
0x47: {  	[sflag:s19] =	ssyncset.done $0x0  }
0x48: {  	[sflag:s19] =	ssyncadd.s32 $0xFFFFD800  }
0x49: {  	[spmem:s14] =	stream.linear.scatter [tilespmem:s21], [sflag:$0x5], $0x2400, $0x38;
	[tilespmem:$0x1F380] =	vst v63  }
0x4a: {  	_ =	swait.ge [sflag:s19], $0x2400  }
0x4b: {  	[sflag:s19] =	ssyncset.done $0x0  }
0x4c: {  	[sflag:s19] =	ssyncadd.s32 $0xFFFFDC00  }
0x4d: {  	s18 =	simm.s32 $0x0;
	[bflag:$0x0] =	sbarrier.arrive $0xFFFF  }
0x4e: {  	[tilespmem:s23], [sflag:$0x1] =	stream.indirect.gather [hbm4b:s1+s22], $0x80, s18, s22, $0xb8;
	[tilespmem:$0x1F380] =	vst v63  }
0x4f: {  	_ = 	snop  }
0x50: {  	[tilespmem:s21], [sflag:$0x2] =	stream.indirect.gather [hbm4b:s1+s22], $0x80, s22, s22, $0xb8;
	[tilespmem:$0x1F380] =	vst v63  }
0x51: {  	_ =	swait.ge [sflag:s24], $0x2800  }
0x52: {  	[sflag:s24] =	ssyncset.done $0x0  }
0x53: {  	s20 =	simm.s32 $0x2780;
	[sflag:s24] =	ssyncadd.s32 $0xFFFFD800  }
0x54: {  	[spmem:s3] =	stream.indirect.scatter.add.f32 [tilespmem:s23], [sflag:$0x3], $0x80, s20, s22, $0xb8;
	[tilespmem:$0x1F380] =	vst v63  }
0x55: {  	_ =	swait.ge [sflag:s25], $0x2800  }
0x56: {  	[sflag:s25] =	ssyncset.done $0x0  }
0x57: {  	[sflag:s25] =	ssyncadd.s32 $0xFFFFD800  }
0x58: {  	_ =	swait.ge [sflag:s26], $0x2800  }
0x59: {  	[sflag:s26] =	ssyncset.done $0x0  }
0x5a: {  	s29 =	simm.s32 $0xA0;
	[sflag:s26] =	ssyncadd.s32 $0xFFFFD800  }
0x5b: {  	[tilespmem:s23], [sflag:$0x1] =	stream.indirect.gather [hbm4b:s1+s22], $0x80, s29, s22, $0xb8;
	[tilespmem:$0x1F380] =	vst v63  }
0x5c: {  	s30 =	simm.s32 $0x2800  }
0x5d: {  	[spmem:s3] =	stream.indirect.scatter.add.f32 [tilespmem:s21], [sflag:$0x4], $0x80, s30, s22, $0xb8;
	[tilespmem:$0x1F380] =	vst v63  }
0x5e: {  	_ =	swait.ge [sflag:s28], $0x2800  }
0x5f: {  	s17 =	simm.s32 $0xF0;
	[sflag:s28] =	ssyncset.done $0x0  }
0x60: {  	s18 =	simm.s32 $0x400;
	s20 =	simm.s32 $0x190;
	[sflag:s28] =	ssyncadd.s32 $0xFFFFD800  }
.LBB2_4:
0x61: {  	[tilespmem:s21], [sflag:$0x2] =	stream.indirect.gather [hbm4b:s1+s22], $0x80, s17, s22, $0xb8;
	[tilespmem:$0x1F380] =	vst v63  }
0x62: {  	s29 =	smov.u32 s18;
	s17 =	smov.u32 s20  }
0x63: {  	p0 =	sne.s32 s18, $0xF000;
	s18 =	sadd.s32 $0x400, s18;
	_ =	swait.ge [sflag:s24], $0x2800  }
0x64: {  	s29 =	sshra.s32 s29, $0x2;
	[sflag:s24] =	ssyncset.done $0x0  }
0x65: {  	s30 =	sadd.s32 $0x2780, s29;
	[sflag:s24] =	ssyncadd.s32 $0xFFFFD800  }
0x66: {  	[spmem:s3] =	stream.indirect.scatter.add.f32 [tilespmem:s23], [sflag:$0x3], $0x80, s30, s22, $0xb8;
	[tilespmem:$0x1F380] =	vst v63  }
0x67: {  	_ =	swait.ge [sflag:s25], $0x2800  }
0x68: {  	[sflag:s25] =	ssyncset.done $0x0  }
0x69: {  	[sflag:s25] =	ssyncadd.s32 $0xFFFFD800  }
0x6a: {  	_ =	swait.ge [sflag:s26], $0x2800  }
0x6b: {  	[sflag:s26] =	ssyncset.done $0x0  }
0x6c: {  	s30 =	sadd.s32 $0xFFFFFFB0, s20;
	[sflag:s26] =	ssyncadd.s32 $0xFFFFD800  }
0x6d: {  	[tilespmem:s23], [sflag:$0x1] =	stream.indirect.gather [hbm4b:s1+s22], $0x80, s30, s22, $0xb8;
	[tilespmem:$0x1F380] =	vst v63  }
.Ltmp1:
0x6e: {  	s29 =	sadd.s32 $0x2800, s29;
	(pc) =	sbr.rel @p0 .LBB2_4-.Ltmp1, $4  }
0x6f: {  	[spmem:s3] =	stream.indirect.scatter.add.f32 [tilespmem:s21], [sflag:$0x4], $0x80, s29, s22, $0xb8;
	[tilespmem:$0x1F380] =	vst v63  }
0x70: {  	_ =	swait.ge [sflag:s28], $0x2800  }
0x71: {  	[sflag:s28] =	ssyncset.done $0x0  }
0x72: {  	s20 =	sadd.s32 $0xA0, s20;
	[sflag:s28] =	ssyncadd.s32 $0xFFFFD800  }
0x73: {  	[tilespmem:s21], [sflag:$0x2] =	stream.indirect.gather [hbm4b:s1+s22], $0x80, s17, s22, $0xb8;
	[tilespmem:$0x1F380] =	vst v63  }
0x74: {  	_ =	swait.ge [sflag:s24], $0x2800  }
0x75: {  	[sflag:s24] =	ssyncset.done $0x0  }
0x76: {  	s20 =	simm.s32 $0x6480;
	[sflag:s24] =	ssyncadd.s32 $0xFFFFD800  }
0x77: {  	[spmem:s3] =	stream.indirect.scatter.add.f32 [tilespmem:s23], [sflag:$0x3], $0x80, s20, s22, $0xb8;
	[tilespmem:$0x1F380] =	vst v63  }
0x78: {  	_ =	swait.ge [sflag:s25], $0x2800  }
0x79: {  	[sflag:s25] =	ssyncset.done $0x0  }
0x7a: {  	[sflag:s25] =	ssyncadd.s32 $0xFFFFD800  }
0x7b: {  	_ =	swait.ge [sflag:s26], $0x2800  }
0x7c: {  	[sflag:s26] =	ssyncset.done $0x0  }
0x7d: {  	s29 =	simm.s32 $0x26C0;
	[sflag:s26] =	ssyncadd.s32 $0xFFFFD800  }
0x7e: {  	[tilespmem:s23], [sflag:$0x1] =	stream.indirect.gather [hbm4b:s1+s22], $0x80, s29, s22, $0xb8;
	[tilespmem:$0x1F380] =	vst v63  }
0x7f: {  	_ = 	snop  }
0x80: {  	[spmem:s3] =	stream.indirect.scatter.add.f32 [tilespmem:s21], [sflag:$0x4], $0x80, s31, s22, $0xb8;
	[tilespmem:$0x1F380] =	vst v63  }
0x81: {  	_ =	swait.ge [sflag:s28], $0x2800  }
0x82: {  	[sflag:s28] =	ssyncset.done $0x0  }
0x83: {  	[sflag:s28] =	ssyncadd.s32 $0xFFFFD800  }
0x84: {  	_ =	swait.ge [sflag:s24], $0x2800  }
0x85: {  	[sflag:s24] =	ssyncset.done $0x0  }
0x86: {  	[sflag:s24] =	ssyncadd.s32 $0xFFFFD800  }
0x87: {  	[spmem:s3] =	stream.indirect.scatter.add.f32 [tilespmem:s23], [sflag:$0x3], $0x80, s2, s22, $0xb8;
	[tilespmem:$0x1F380] =	vst v63  }
0x88: {  	s30 =	stileid.u32;
	_ =	swait.ge [sflag:s26], $0x2800  }
0x89: {  	s18 =	sshrl.u32 s5, $0x3;
	s0 =	sadd.s32 $0x1, s0;
	[sflag:s26] =	ssyncset.done $0x0  }
0x8a: {  	s17 =	sshll.u32 s30, $0x6;
	p0 =	sne.s32 s0, s16;
	[sflag:s26] =	ssyncadd.s32 $0xFFFFD800  }
.Ltmp2:
0x8b: {  	s17 =	sor.u32 $0x1C05, s17;
	[bflag:$0x0] =	sbarrier.arrive $0xFFFF;
	(pc) =	sbr.rel @p0 .LBB2_1-.Ltmp2, $4  }
0x8c: {  	[hbm:s15], [sflag:s17] =	dma.local [spmem:s18], $0x2780  }
0x8d: {  	_ =	swait.ge [sflag:s19], $0x2780  }
0x8e: {  	[sflag:s19] =	ssyncset.done $0x0  }
0x8f: {  	[sflag:s19] =	ssyncadd.s32 $0xFFFFD880  }
0x90: {  	_ =	sfence.sel $0x180000  }
0x91: {  	[bflag:$0x0] =	sbarrier.arrive $0xFFFF  }
0x92: {  	_ =	strace $0x9000004A  }
0x93: {  	s0 =	stileid.u32;
	[bflag:$0x2] =	sbarrier.arrive $0xFFFF  }
0x94: {  	p0 =	sne.s32 s0, $0x0;
	s0 =	rddreg [dreg:$0x3]  }
0x95: {  	s0 =	sadd.s32 @!p0 $0x100000, s0  }
0x96: {  	[sflag:s0] =	ssyncadd.tile.s32 @!p0 $0x1;
	_ =	shalt  }
.Lfunc_end2:
_tile_overlayer_lowered:
.L_overlay_start_2:
0x97: {  	(tag) =	ssettag $0x2  }
0x98: {  	s0 =	rddreg [dreg:$0x0];
	s2 =	stileid.u32  }
0x99: {  	s1 =	rddreg [dreg:$0x1];
	p0 =	sne.s32 s2, $0x0  }
0x9a: {  	s3 =	rddreg [dreg:$0x2];
	[bflag:$0x3] =	sbarrier.arrive $0xFFFF;
	s2 =	simm.s32 @!p0 $0x1C05  }
0x9b: {  	[timem:s3], [sflag:s2] =	dma.local @!p0 [hbm:s0], s1  }
0x9c: {  	s0 =	simm.s32 @!p0 $0x5  }
0x9d: {  	_ =	swait.ge @!p0 [sflag:s0], s1  }
0x9e: {  	s1 =	ssub.s32 @!p0 $0x0, s1;
	[sflag:s0] =	ssyncset.done @!p0 $0x0  }
0x9f: {  	[sflag:s0] =	ssyncadd.s32 @!p0 s1  }
0xa0: {  	[bflag:$0x3] =	sbarrier.arrive $0xFFFF  }
0xa1: {  	_ =	shalt  }

// kernel: kernel.18.cloned.1.call-start
scs
__scs_entry_jumppad:
0x0: {  	(pc) =	sbr.rel $0x88, $3  }
0x1: {  	(tag) =	ssettag $0x0;
	lr =	simm.s32 $0x1  }
0x2: {  	[smem:$0x3F8B] =	sst lr;
	_ =	strace $0xD0000000  }
0x3: {  	_ = 	snop  }
0x4: {  	_ = 	snop  }
0x5: {  	_ = 	snop  }
0x6: {  	_ = 	snop  }
0x7: {  	_ = 	snop  }
__scs_overlays_trampoline_lowered:
0x8: {  	[smem:$0x3F9A] =	sst s0  }
0x9: {  	[smem:$0x3F9B] =	sst s1  }
0xa: {  	[smem:$0x3F9C] =	sst s2  }
0xb: {  	[smem:$0x3F9D] =	sst s3  }
0xc: {  	[smem:$0x3F9E] =	sst s4  }
0xd: {  	[smem:$0x3F9F] =	sst s5  }
0xe: {  	[smem:$0x3FA0] =	sst s6  }
0xf: {  	[smem:$0x3FA1] =	sst s7  }
0x10: {  	[smem:$0x3FA2] =	sst s8  }
0x11: {  	[smem:$0x3FA3] =	sst s9;
	s0 =	simm.s32 @!p0 $0x0  }
0x12: {  	s1 =	sld [smem:$0x3F89];
	s0 =	simm.s32 @p0 $0x1  }
0x13: {  	[smem:$0x3FA4] =	sst s0;
	s0 =	simm.s32 @!p1 $0x0  }
0x14: {  	s2 =	sld [smem:$0x3F88];
	s0 =	simm.s32 @p1 $0x1  }
0x15: {  	[smem:$0x3FA5] =	sst s0;
	s0 =	simm.s32 @!p2 $0x0  }
0x16: {  	s3 =	sld [smem:$0x3FDB];
	s0 =	simm.s32 @p2 $0x1  }
0x17: {  	s4 =	simm.s32 $0x1BF5;
	[smem:$0x3FA7] =	sst s0  }
0x18: {  	s0 =	sld [smem:$0x3F8A];
	_ =	swait.ge [sflag:s4], $0x0  }
0x19: {  	s7 =	sld [smem:$0x3F8B]  }
0x1a: {  	s8 =	sadd.s32 $0xFFFFE003, lr  }
0x1b: {  	s9 =	sadd.s32 $0xFFFFFEF7, lr;
	s5 =	simm.s32 $0xFFFFFFFF;
	p2 =	slt.u32 s8, $0xFFFFF086  }
0x1c: {  	p1 =	slt.u32 s9, $0xF7A;
	s5 =	simm.s32 @!p2 $0x0  }
0x1d: {  	s5 =	simm.s32 @p1 $0x1;
	p0 =	seq.s32 s7, s2  }
0x1e: {  	s7 =	smul.u32 @!p0 $0xF7A, s2;
	p2 =	seq.s32 @!p0 s5, $0x0  }
0x1f: {  	s9 =	smul.u32 $0xF7A, s1;
	s8 =	simm.s32 @!p0 $0x1BF5;
	p2 =	por !p2, p0  }
0x20: {  	[sflag:s8] =	ssyncset.s32 @!p0 $0xFFFFF086;
	s6 =	sadd.s32 @!p0 s3, s7;
	s7 =	simm.s32 @!p0 $0x108  }
0x21: {  	s3 =	sadd.s32 s3, s9;
	s6 =	sadd.s32 @!p0 $0x88, s6;
	s7 =	simm.s32 @p2 $0x1082  }
0x22: {  	[simem:s7], [sflag:s8] =	dma.local @!p0 [hbm:s6], $0xF7A  }
0x23: {  	s9 =	sor.u32 $0xD0000000, s2;
	s6 =	simm.s32 $0x108;
	_ =	swait.ge @!p0 [sflag:s8], $0x0  }
0x24: {  	s3 =	sadd.s32 $0x88, s3;
	s6 =	simm.s32 @!p1 $0x1082;
	[sflag:s4] =	ssyncset.s32 $0xFFFFF086  }
0x25: {  	[simem:s6], [sflag:s4] =	dma.local [hbm:s3], $0xF7A  }
0x26: {  	[smem:$0x3F8B] =	sst s1;
	(tag) =	ssettag s2;
	_ =	strace s9  }
0x27: {  	s1 =	sld [smem:$0x3F9B]  }
0x28: {  	s2 =	sld [smem:$0x3F9C]  }
0x29: {  	s4 =	sld [smem:$0x3F9E]  }
0x2a: {  	p0 =	seq.s32 s5, $0x0;
	s5 =	sld [smem:$0x3F9F]  }
0x2b: {  	s6 =	sld [smem:$0x3FA0]  }
0x2c: {  	s7 =	sld [smem:$0x3FA1]  }
0x2d: {  	s3 =	simm.s32 $0x108;
	s8 =	sld [smem:$0x3FA2]  }
0x2e: {  	s3 =	simm.s32 @!p0 $0x1082;
	s9 =	sld [smem:$0x3FA3]  }
0x2f: {  	lr =	sadd.s32 s0, s3;
	s0 =	sld [smem:$0x3F9A]  }
0x30: {  	s3 =	sld [smem:$0x3F9D]  }
0x31: {  	[smem:$0x3FA6] =	sst s10  }
0x32: {  	s10 =	sld [smem:$0x3FA4];
	_ =	sdelay $0x3  }
0x33: {  	p0 =	seq.s32 s10, $0x1;
	s10 =	sld [smem:$0x3FA6];
	_ =	sdelay $0x3  }
0x34: {  	[smem:$0x3FA6] =	sst s10  }
0x35: {  	s10 =	sld [smem:$0x3FA5];
	_ =	sdelay $0x3  }
0x36: {  	p1 =	seq.s32 s10, $0x1;
	s10 =	sld [smem:$0x3FA6];
	_ =	sdelay $0x3  }
0x37: {  	[smem:$0x3FA6] =	sst s10  }
0x38: {  	s10 =	sld [smem:$0x3FA7]  }
0x39: {  	_ = 	snop;
	(pc) =	sbr.ind lr, $3  }
0x3a: {  	_ = 	snop  }
0x3b: {  	_ = 	snop  }
0x3c: {  	p2 =	seq.s32 s10, $0x1;
	s10 =	sld [smem:$0x3FA6]  }
0x3d: {  	_ =	shalt  }
0x3e: {  	_ =	shalt  }
0x3f: {  	_ =	shalt  }
0x40: {  	_ =	shalt  }
0x41: {  	_ =	shalt  }
0x42: {  	_ =	shalt  }
0x43: {  	_ =	shalt  }
0x44: {  	_ =	shalt  }
0x45: {  	_ =	shalt  }
0x46: {  	_ =	shalt  }
0x47: {  	_ =	shalt  }
0x48: {  	_ =	shalt  }
0x49: {  	_ =	shalt  }
0x4a: {  	_ =	shalt  }
0x4b: {  	_ =	shalt  }
0x4c: {  	_ =	shalt  }
0x4d: {  	_ =	shalt  }
0x4e: {  	_ =	shalt  }
0x4f: {  	_ =	shalt  }
0x50: {  	_ =	shalt  }
0x51: {  	_ =	shalt  }
0x52: {  	_ =	shalt  }
0x53: {  	_ =	shalt  }
0x54: {  	_ =	shalt  }
0x55: {  	_ =	shalt  }
0x56: {  	_ =	shalt  }
0x57: {  	_ =	shalt  }
0x58: {  	_ =	shalt  }
0x59: {  	_ =	shalt  }
0x5a: {  	_ =	shalt  }
0x5b: {  	_ =	shalt  }
0x5c: {  	_ =	shalt  }
0x5d: {  	_ =	shalt  }
0x5e: {  	_ =	shalt  }
0x5f: {  	_ =	shalt  }
0x60: {  	_ =	shalt  }
0x61: {  	_ =	shalt  }
0x62: {  	_ =	shalt  }
0x63: {  	_ =	shalt  }
0x64: {  	_ =	shalt  }
0x65: {  	_ =	shalt  }
0x66: {  	_ =	shalt  }
0x67: {  	_ =	shalt  }
0x68: {  	_ =	shalt  }
0x69: {  	_ =	shalt  }
0x6a: {  	_ =	shalt  }
0x6b: {  	_ =	shalt  }
0x6c: {  	_ =	shalt  }
0x6d: {  	_ =	shalt  }
0x6e: {  	_ =	shalt  }
0x6f: {  	_ =	shalt  }
0x70: {  	_ =	shalt  }
0x71: {  	_ =	shalt  }
0x72: {  	_ =	shalt  }
0x73: {  	_ =	shalt  }
0x74: {  	_ =	shalt  }
0x75: {  	_ =	shalt  }
0x76: {  	_ =	shalt  }
0x77: {  	_ =	shalt  }
0x78: {  	_ =	shalt  }
0x79: {  	_ =	shalt  }
0x7a: {  	_ =	shalt  }
0x7b: {  	_ =	shalt  }
0x7c: {  	_ =	shalt  }
0x7d: {  	_ =	shalt  }
0x7e: {  	_ =	shalt  }
0x7f: {  	_ =	shalt  }
0x80: {  	_ =	shalt  }
0x81: {  	_ =	shalt  }
0x82: {  	_ =	shalt  }
0x83: {  	_ =	shalt  }
0x84: {  	_ =	shalt  }
0x85: {  	_ =	shalt  }
0x86: {  	_ =	shalt  }
0x87: {  	_ =	shalt  }
.Lfunc_end0:
.L_simem_size_0:
called_computation.2_lowered:
.L_overlay_start_0:
0x88: {  	s2 =	sld [smem:$0x3FD9]  }
0x89: {  	s3 =	sld [smem:$0x3FFE];
	_ =	sdelay $0x1  }
0x8a: {  	s1 =	srdreg.scid  }
0x8b: {  	s0 =	sand.u32 $0x1, s1  }
0x8c: {  	s16 =	sshll.u32 s0, $0xA;
	s2 =	sadd.s32 s3, s2  }
0x8d: {  	s2 =	sadd.s32 s2, s16  }
0x8e: {  	[smem:$0x3FB2] =	sst s2  }
0x8f: {  	_ = 	snop  }
0x90: {  	(tm) =	ssettm $0x1  }
0x91: {  	s17 =	sld [smem:$0x3FFB];
	_ =	sdelay $0x3  }
0x92: {  	_ =	strace s17  }
0x93: {  	s2 =	sld [smem:$0x3FFC];
	_ =	sdelay $0x3  }
0x94: {  	_ =	strace s2  }
0x95: {  	s2 =	sld [smem:$0x3FFD];
	_ =	sdelay $0x3  }
0x96: {  	_ =	strace s2  }
0x97: {  	_ =	strace $0x8FFFFFFF  }
0x98: {  	s18 =	sld [smem:$0x3FDB];
	_ =	sdelay $0x1  }
0x99: {  	s19 =	simm.s32 $_scs_section_size  }
0x9a: {  	s4 =	simm.s32 $_size__tile_overlayer_lowered;
	s5 =	simm.s32 $_tile_overlayer_lowered  }
0x9b: {  	s22 =	simm.s32 $0x1BFF;
	s21 =	sshll.u32 s5, $0x1;
	s2 =	sadd.s32 s19, s18  }
0x9c: {  	s6 =	simm.s32 $0x0;
	s20 =	sshll.u32 s4, $0x1;
	s4 =	sadd.s32 s21, s2  }
0x9d: {  	[timem:s6], [sflag:s22] =	dma.local [hbm:s4], s20  }
0x9e: {  	_ =	swait.ge [sflag:s22], s20  }
0x9f: {  	s3 =	ssub.s32 $0x0, s20;
	[sflag:s22] =	ssyncset.done $0x0  }
0xa0: {  	[sflag:s22] =	ssyncadd.s32 s3;
	_ =	sdelay $0x1  }
0xa1: {  	s23 =	simm.s32 $0x1B8B  }
0xa2: {  	_ =	swait.ge [sflag:s23], $0x1  }
0xa3: {  	[sflag:s23] =	ssyncset.done $0x0  }
0xa4: {  	s25 =	simm.s32 $0x1B8E;
	s24 =	sld [smem:$0x3FFE];
	[sflag:s23] =	ssyncadd.s32 $0xFFFFFFFF  }
0xa5: {  	s26 =	simm.s32 $execute0_lowered;
	[smem:$0x3FD2] =	sst s25  }
0xa6: {  	s4 =	sshll.u32 s26, $0x1;
	_ =	strace $0x8000004C;
	[dreg:$0x1] =	wrdreg $0xFFFFFFFF  }
0xa7: {  	s28 =	simm.s32 $_size_execute0_lowered;
	s2 =	sadd.s32 s2, s4;
	[dreg:$0x0] =	wrdreg $0x0  }
0xa8: {  	s4 =	sshll.u32 s28, $0x1;
	[dreg:$0x2] =	wrdreg s2  }
0xa9: {  	[dreg:$0x3] =	wrdreg s4  }
0xaa: {  	[dreg:$0x4] =	wrdreg $0xC0  }
0xab: {  	_ =	task [dreg:s6], $0x5FFFF  }
0xac: {  	[dreg:$0x1] =	wrdreg $0xFFFFFFFF  }
0xad: {  	[dreg:$0x0] =	wrdreg $0x60  }
0xae: {  	[dreg:$0x2] =	wrdreg s24  }
0xaf: {  	[dreg:$0x3] =	wrdreg $0xB7800  }
0xb0: {  	[dreg:$0x4] =	wrdreg $0x9  }
0xb1: {  	_ =	task.clear_ibuf [dreg:s6], $0x5FFFF;
	_ =	strace $0x9000004C  }
0xb2: {  	s29 =	simm.s32 $0x9;
	_ =	strace $0x8000004E  }
0xb3: {  	_ =	swait.ge [sflag:s29], $0x1  }
0xb4: {  	[sflag:s29] =	ssyncadd.s32 $0xFFFFFFFF  }
0xb5: {  	_ =	strace $0x9000004E  }
0xb6: {  	_ =	sfence  }
0xb7: {  	s30 =	sld [smem:$0x0];
	_ =	sdelay $0x2  }
0xb8: {  	s31 =	sshll.u32 s1, $0xD;
	s1 =	sshrl.u32 s1, $0x2  }
0xb9: {  	s3 =	sand.u32 $0x4000, s31;
	s1 =	sadd.s32 s1, s30  }
0xba: {  	s0 =	sor.u32 s3, s0;
	s1 =	sshll.u32 s1, $0x11  }
0xbb: {  	s0 =	sor.u32 s1, s0  }
0xbc: {  	s0 =	sadd.s32 $0x8F2B, s0  }
0xbd: {  	[sflag:s0] =	ssyncadd.remote.s32 $0x1  }
0xbe: {  	_ =	sfence.sel $0xFFFF  }
0xbf: {  	[dreg:$0x0] =	wrdreg $0xFFFFFFFF;
	(pc) =	sbr.abs _section_cstart, $3  }
0xc0: {  	[dreg:$0x1] =	wrdreg $0xFFFFFFFF  }
0xc1: {  	_ =	task.clear_ibuf [dreg:s6], $0x2FFFF;
	_ =	strace $0x9FFFFFFF  }
0xc2: {  	(tm) =	ssettm $0x7FFFFFFF  }
0xc3: {  	_ =	shalt  }
tec
execute0_lowered:
.L_overlay_start_1:
0x0: {  	(tag) =	ssettag $0x1  }
0x1: {  	s0 =	rddreg [dreg:$0x0];
	s1 =	srdreg.scid  }
0x2: {  	s9 =	stileid.u32;
	s2 =	rddreg [dreg:$0x1];
	s19 =	simm.s32 $0x5  }
0x3: {  	s21 =	simm.s32 $0x8F80;
	s22 =	simm.s32 $0x50;
	s23 =	simm.s32 $0x6780  }
0x4: {  	s24 =	simm.s32 $0x1;
	s25 =	simm.s32 $0x2;
	s28 =	simm.s32 $0x4  }
0x5: {  	s31 =	simm.s32 $0x6500;
	s1 =	sand.u32 $0x1, s1;
	s8 =	smul.u32 $0x13C00, s9  }
0x6: {  	s3 =	sshll.u32 s9, $0x1;
	s4 =	sshrl.u32 s9, $0x2;
	s9 =	smul.u32 $0x4F000, s9  }
0x7: {  	s5 =	sor.u32 s1, s3;
	s3 =	simm.s32 $0x0;
	s4 =	smul.u32 $0x13C00, s4  }
0x8: {  	s7 =	smul.u32 $0x13C000, s1;
	s1 =	ssub.s32 $0x2, s1;
	s6 =	sshll.u32 s5, $0x7  }
0x9: {  	[smem:$0x7FF] =	sst s3;
	s5 =	sshll.u32 s5, $0xB;
	s29 =	sshrl.u32 s1, $0x1  }
0xa: {  	s30 =	sshrl.u32 s9, $0x2;
	s6 =	sand.u32 $0x380, s6;
	_ =	strace $0x8000004D  }
0xb: {  	s10 =	sadd.s32 s5, s0;
	s26 =	sadd.s32 s8, s7;
	s1 =	ssub.s32 s1, s29  }
0xc: {  	s6 =	sor.u32 s4, s6;
	s4 =	sadd.s32 $0x31400, s0;
	s5 =	sshrl.u32 s26, $0x3  }
0xd: {  	s7 =	sadd.s32 $0x17600, s10;
	s16 =	smax.u32 s1, $0x1;
	s6 =	sshrl.u32 s6, $0x3  }
0xe: {  	s26 =	simm.s32 $0x3;
	s1 =	simm.s32 $0x6580;
	s6 =	sadd.s32 s6, s0  }
0xf: {  	s0 =	sadd.s32 s5, s0;
	s5 =	sadd.s32 s30, s2;
	s6 =	sadd.s32 $0x27600, s6  }
0x10: {  	s8 =	sadd.s32 $0x2800, s5;
	s9 =	sadd.s32 $0x5000, s5;
	s10 =	sadd.s32 $0x7800, s5  }
0x11: {  	s11 =	sadd.s32 $0xA000, s5;
	s12 =	sadd.s32 $0xC800, s5;
	s13 =	sadd.s32 $0xF000, s5  }
0x12: {  	v0 =	vimm.f32 $0.0e+00;
	s14 =	sadd.s32 $0x11800, s5;
	s15 =	sadd.s32 $0x58600, s0;
	s0 =	simm.s32 $0x0  }
.LBB2_1:
0x13: {  	s17 =	simm.s32 $0x80;
	s18 =	simm.s32 $0x400  }
0x14: {  	[tilespmem:s3], [sflag:$0x5] =	stream.strided.gather [hbm4b:s6+s17], $0x2780, s18, s17, $0x38;
	[tilespmem:$0x1F380] =	vst v63  }
0x15: {  	_ =	swait.ge [sflag:s19], $0x2780  }
0x16: {  	[sflag:s19] =	ssyncset.done $0x0  }
0x17: {  	s30 =	simm.s32 $0x2780;
	[sflag:s19] =	ssyncadd.s32 $0xFFFFD880  }
0x18: {  	[tilespmem:s30], [sflag:$0x5] =	stream.linear.gather [hbm4b:s7+s3], $0x3E80, $0x38;
	[tilespmem:$0x1F380] =	vst v63  }
0x19: {  	_ =	swait.ge [sflag:s19], $0x3E80  }
0x1a: {  	[sflag:s19] =	ssyncset.done $0x0  }
0x1b: {  	s17 =	simm.s32 $0x0;
	s18 =	simm.s32 $0x200;
	[sflag:s19] =	ssyncadd.s32 $0xFFFFC180  }
.LBB2_2:
0x1c: {  	p0 =	sne.s32 s18, $0x9E00;
	[tilespmem:s17+$0x8FF0] =	vst v0  }
0x1d: {  	[tilespmem:s17+$0x8F80] =	vst v0  }
0x1e: {  	[tilespmem:s17+$0x8F90] =	vst v0  }
.Ltmp0:
0x1f: {  	[tilespmem:s17+$0x8FA0] =	vst v0;
	(pc) =	sbr.rel @p0 .LBB2_2-.Ltmp0, $4  }
0x20: {  	[tilespmem:s17+$0x8FB0] =	vst v0  }
0x21: {  	[tilespmem:s17+$0x8FC0] =	vst v0  }
0x22: {  	[tilespmem:s17+$0x8FD0] =	vst v0  }
0x23: {  	[tilespmem:s17+$0x8FE0] =	vst v0;
	s17 =	sshra.s32 s18, $0x2;
	s18 =	sadd.s32 $0x200, s18  }
0x24: {  	[tilespmem:s17+$0x8FF0] =	vst v0  }
0x25: {  	[tilespmem:s17+$0x8F80] =	vst v0  }
0x26: {  	[tilespmem:s17+$0x8F90] =	vst v0  }
0x27: {  	[tilespmem:s17+$0x8FA0] =	vst v0  }
0x28: {  	[tilespmem:s17+$0x8FB0] =	vst v0  }
0x29: {  	[tilespmem:s17+$0x8FC0] =	vst v0  }
0x2a: {  	[tilespmem:s17+$0x8FD0] =	vst v0  }
0x2b: {  	[tilespmem:s17+$0x8FE0] =	vst v0  }
0x2c: {  	[spmem:s5] =	stream.linear.scatter [tilespmem:s21], [sflag:$0x5], $0x2800, $0x38;
	[tilespmem:$0x1F380] =	vst v63  }
0x2d: {  	_ =	swait.ge [sflag:s19], $0x2800  }
0x2e: {  	[sflag:s19] =	ssyncset.done $0x0  }
0x2f: {  	[sflag:s19] =	ssyncadd.s32 $0xFFFFD800  }
0x30: {  	[spmem:s8] =	stream.linear.scatter [tilespmem:s21], [sflag:$0x5], $0x2800, $0x38;
	[tilespmem:$0x1F380] =	vst v63  }
0x31: {  	_ =	swait.ge [sflag:s19], $0x2800  }
0x32: {  	[sflag:s19] =	ssyncset.done $0x0  }
0x33: {  	[sflag:s19] =	ssyncadd.s32 $0xFFFFD800  }
0x34: {  	[spmem:s9] =	stream.linear.scatter [tilespmem:s21], [sflag:$0x5], $0x2800, $0x38;
	[tilespmem:$0x1F380] =	vst v63  }
0x35: {  	_ =	swait.ge [sflag:s19], $0x2800  }
0x36: {  	[sflag:s19] =	ssyncset.done $0x0  }
0x37: {  	[sflag:s19] =	ssyncadd.s32 $0xFFFFD800  }
0x38: {  	[spmem:s10] =	stream.linear.scatter [tilespmem:s21], [sflag:$0x5], $0x2800, $0x38;
	[tilespmem:$0x1F380] =	vst v63  }
0x39: {  	_ =	swait.ge [sflag:s19], $0x2800  }
0x3a: {  	[sflag:s19] =	ssyncset.done $0x0  }
0x3b: {  	[sflag:s19] =	ssyncadd.s32 $0xFFFFD800  }
0x3c: {  	[spmem:s11] =	stream.linear.scatter [tilespmem:s21], [sflag:$0x5], $0x2800, $0x38;
	[tilespmem:$0x1F380] =	vst v63  }
0x3d: {  	_ =	swait.ge [sflag:s19], $0x2800  }
0x3e: {  	[sflag:s19] =	ssyncset.done $0x0  }
0x3f: {  	[sflag:s19] =	ssyncadd.s32 $0xFFFFD800  }
0x40: {  	[spmem:s12] =	stream.linear.scatter [tilespmem:s21], [sflag:$0x5], $0x2800, $0x38;
	[tilespmem:$0x1F380] =	vst v63  }
0x41: {  	_ =	swait.ge [sflag:s19], $0x2800  }
0x42: {  	[sflag:s19] =	ssyncset.done $0x0  }
0x43: {  	[sflag:s19] =	ssyncadd.s32 $0xFFFFD800  }
0x44: {  	[spmem:s13] =	stream.linear.scatter [tilespmem:s21], [sflag:$0x5], $0x2800, $0x38;
	[tilespmem:$0x1F380] =	vst v63  }
0x45: {  	_ =	swait.ge [sflag:s19], $0x2800  }
0x46: {  	[sflag:s19] =	ssyncset.done $0x0  }
0x47: {  	[sflag:s19] =	ssyncadd.s32 $0xFFFFD800  }
0x48: {  	[spmem:s14] =	stream.linear.scatter [tilespmem:s21], [sflag:$0x5], $0x2400, $0x38;
	[tilespmem:$0x1F380] =	vst v63  }
0x49: {  	_ =	swait.ge [sflag:s19], $0x2400  }
0x4a: {  	[sflag:s19] =	ssyncset.done $0x0  }
0x4b: {  	[sflag:s19] =	ssyncadd.s32 $0xFFFFDC00  }
0x4c: {  	s18 =	simm.s32 $0x0;
	[bflag:$0x0] =	sbarrier.arrive $0xFFFF  }
0x4d: {  	[tilespmem:s23], [sflag:$0x1] =	stream.indirect.gather [hbm4b:s4+s22], $0x80, s18, s22, $0xb8;
	[tilespmem:$0x1F380] =	vst v63  }
0x4e: {  	_ = 	snop  }
0x4f: {  	[tilespmem:s21], [sflag:$0x2] =	stream.indirect.gather [hbm4b:s4+s22], $0x80, s22, s22, $0xb8;
	[tilespmem:$0x1F380] =	vst v63  }
0x50: {  	_ =	swait.ge [sflag:s24], $0x2800  }
0x51: {  	[sflag:s24] =	ssyncset.done $0x0  }
0x52: {  	s20 =	simm.s32 $0x2780;
	[sflag:s24] =	ssyncadd.s32 $0xFFFFD800  }
0x53: {  	[spmem:s2] =	stream.indirect.scatter.add.f32 [tilespmem:s23], [sflag:$0x3], $0x80, s20, s22, $0xb8;
	[tilespmem:$0x1F380] =	vst v63  }
0x54: {  	_ =	swait.ge [sflag:s25], $0x2800  }
0x55: {  	[sflag:s25] =	ssyncset.done $0x0  }
0x56: {  	[sflag:s25] =	ssyncadd.s32 $0xFFFFD800  }
0x57: {  	_ =	swait.ge [sflag:s26], $0x2800  }
0x58: {  	[sflag:s26] =	ssyncset.done $0x0  }
0x59: {  	s29 =	simm.s32 $0xA0;
	[sflag:s26] =	ssyncadd.s32 $0xFFFFD800  }
0x5a: {  	[tilespmem:s23], [sflag:$0x1] =	stream.indirect.gather [hbm4b:s4+s22], $0x80, s29, s22, $0xb8;
	[tilespmem:$0x1F380] =	vst v63  }
0x5b: {  	s30 =	simm.s32 $0x2800  }
0x5c: {  	[spmem:s2] =	stream.indirect.scatter.add.f32 [tilespmem:s21], [sflag:$0x4], $0x80, s30, s22, $0xb8;
	[tilespmem:$0x1F380] =	vst v63  }
0x5d: {  	_ =	swait.ge [sflag:s28], $0x2800  }
0x5e: {  	s17 =	simm.s32 $0xF0;
	[sflag:s28] =	ssyncset.done $0x0  }
0x5f: {  	s18 =	simm.s32 $0x400;
	s20 =	simm.s32 $0x190;
	[sflag:s28] =	ssyncadd.s32 $0xFFFFD800  }
.LBB2_4:
0x60: {  	[tilespmem:s21], [sflag:$0x2] =	stream.indirect.gather [hbm4b:s4+s22], $0x80, s17, s22, $0xb8;
	[tilespmem:$0x1F380] =	vst v63  }
0x61: {  	s29 =	smov.u32 s18;
	s17 =	smov.u32 s20  }
0x62: {  	p0 =	sne.s32 s18, $0xF000;
	s18 =	sadd.s32 $0x400, s18;
	_ =	swait.ge [sflag:s24], $0x2800  }
0x63: {  	s29 =	sshra.s32 s29, $0x2;
	[sflag:s24] =	ssyncset.done $0x0  }
0x64: {  	s30 =	sadd.s32 $0x2780, s29;
	[sflag:s24] =	ssyncadd.s32 $0xFFFFD800  }
0x65: {  	[spmem:s2] =	stream.indirect.scatter.add.f32 [tilespmem:s23], [sflag:$0x3], $0x80, s30, s22, $0xb8;
	[tilespmem:$0x1F380] =	vst v63  }
0x66: {  	_ =	swait.ge [sflag:s25], $0x2800  }
0x67: {  	[sflag:s25] =	ssyncset.done $0x0  }
0x68: {  	[sflag:s25] =	ssyncadd.s32 $0xFFFFD800  }
0x69: {  	_ =	swait.ge [sflag:s26], $0x2800  }
0x6a: {  	[sflag:s26] =	ssyncset.done $0x0  }
0x6b: {  	s30 =	sadd.s32 $0xFFFFFFB0, s20;
	[sflag:s26] =	ssyncadd.s32 $0xFFFFD800  }
0x6c: {  	[tilespmem:s23], [sflag:$0x1] =	stream.indirect.gather [hbm4b:s4+s22], $0x80, s30, s22, $0xb8;
	[tilespmem:$0x1F380] =	vst v63  }
.Ltmp1:
0x6d: {  	s29 =	sadd.s32 $0x2800, s29;
	(pc) =	sbr.rel @p0 .LBB2_4-.Ltmp1, $4  }
0x6e: {  	[spmem:s2] =	stream.indirect.scatter.add.f32 [tilespmem:s21], [sflag:$0x4], $0x80, s29, s22, $0xb8;
	[tilespmem:$0x1F380] =	vst v63  }
0x6f: {  	_ =	swait.ge [sflag:s28], $0x2800  }
0x70: {  	[sflag:s28] =	ssyncset.done $0x0  }
0x71: {  	s20 =	sadd.s32 $0xA0, s20;
	[sflag:s28] =	ssyncadd.s32 $0xFFFFD800  }
0x72: {  	[tilespmem:s21], [sflag:$0x2] =	stream.indirect.gather [hbm4b:s4+s22], $0x80, s17, s22, $0xb8;
	[tilespmem:$0x1F380] =	vst v63  }
0x73: {  	_ =	swait.ge [sflag:s24], $0x2800  }
0x74: {  	[sflag:s24] =	ssyncset.done $0x0  }
0x75: {  	s20 =	simm.s32 $0x6480;
	[sflag:s24] =	ssyncadd.s32 $0xFFFFD800  }
0x76: {  	[spmem:s2] =	stream.indirect.scatter.add.f32 [tilespmem:s23], [sflag:$0x3], $0x80, s20, s22, $0xb8;
	[tilespmem:$0x1F380] =	vst v63  }
0x77: {  	_ =	swait.ge [sflag:s25], $0x2800  }
0x78: {  	[sflag:s25] =	ssyncset.done $0x0  }
0x79: {  	[sflag:s25] =	ssyncadd.s32 $0xFFFFD800  }
0x7a: {  	_ =	swait.ge [sflag:s26], $0x2800  }
0x7b: {  	[sflag:s26] =	ssyncset.done $0x0  }
0x7c: {  	s29 =	simm.s32 $0x26C0;
	[sflag:s26] =	ssyncadd.s32 $0xFFFFD800  }
0x7d: {  	[tilespmem:s23], [sflag:$0x1] =	stream.indirect.gather [hbm4b:s4+s22], $0x80, s29, s22, $0xb8;
	[tilespmem:$0x1F380] =	vst v63  }
0x7e: {  	_ = 	snop  }
0x7f: {  	[spmem:s2] =	stream.indirect.scatter.add.f32 [tilespmem:s21], [sflag:$0x4], $0x80, s31, s22, $0xb8;
	[tilespmem:$0x1F380] =	vst v63  }
0x80: {  	_ =	swait.ge [sflag:s28], $0x2800  }
0x81: {  	[sflag:s28] =	ssyncset.done $0x0  }
0x82: {  	[sflag:s28] =	ssyncadd.s32 $0xFFFFD800  }
0x83: {  	_ =	swait.ge [sflag:s24], $0x2800  }
0x84: {  	[sflag:s24] =	ssyncset.done $0x0  }
0x85: {  	[sflag:s24] =	ssyncadd.s32 $0xFFFFD800  }
0x86: {  	[spmem:s2] =	stream.indirect.scatter.add.f32 [tilespmem:s23], [sflag:$0x3], $0x80, s1, s22, $0xb8;
	[tilespmem:$0x1F380] =	vst v63  }
0x87: {  	s30 =	stileid.u32;
	_ =	swait.ge [sflag:s26], $0x2800  }
0x88: {  	s18 =	sshrl.u32 s5, $0x3;
	s0 =	sadd.s32 $0x1, s0;
	[sflag:s26] =	ssyncset.done $0x0  }
0x89: {  	s17 =	sshll.u32 s30, $0x6;
	p0 =	sne.s32 s0, s16;
	[sflag:s26] =	ssyncadd.s32 $0xFFFFD800  }
.Ltmp2:
0x8a: {  	s17 =	sor.u32 $0x1C05, s17;
	[bflag:$0x0] =	sbarrier.arrive $0xFFFF;
	(pc) =	sbr.rel @p0 .LBB2_1-.Ltmp2, $4  }
0x8b: {  	[hbm:s15], [sflag:s17] =	dma.local [spmem:s18], $0x2780  }
0x8c: {  	_ =	swait.ge [sflag:s19], $0x2780  }
0x8d: {  	[sflag:s19] =	ssyncset.done $0x0  }
0x8e: {  	[sflag:s19] =	ssyncadd.s32 $0xFFFFD880  }
0x8f: {  	_ =	sfence.sel $0x180000  }
0x90: {  	[bflag:$0x0] =	sbarrier.arrive $0xFFFF  }
0x91: {  	_ =	strace $0x9000004D  }
0x92: {  	s0 =	stileid.u32;
	[bflag:$0x2] =	sbarrier.arrive $0xFFFF  }
0x93: {  	p0 =	sne.s32 s0, $0x0;
	s0 =	rddreg [dreg:$0x2]  }
0x94: {  	s0 =	sadd.s32 @!p0 $0x100000, s0  }
0x95: {  	[sflag:s0] =	ssyncadd.tile.s32 @!p0 $0x1;
	_ =	shalt  }
.Lfunc_end2:
_tile_overlayer_lowered:
.L_overlay_start_2:
0x96: {  	(tag) =	ssettag $0x2  }
0x97: {  	s0 =	rddreg [dreg:$0x0];
	s2 =	stileid.u32  }
0x98: {  	s1 =	rddreg [dreg:$0x1];
	p0 =	sne.s32 s2, $0x0  }
0x99: {  	s3 =	rddreg [dreg:$0x2];
	[bflag:$0x3] =	sbarrier.arrive $0xFFFF;
	s2 =	simm.s32 @!p0 $0x1C05  }
0x9a: {  	[timem:s3], [sflag:s2] =	dma.local @!p0 [hbm:s0], s1  }
0x9b: {  	s0 =	simm.s32 @!p0 $0x5  }
0x9c: {  	_ =	swait.ge @!p0 [sflag:s0], s1  }
0x9d: {  	s1 =	ssub.s32 @!p0 $0x0, s1;
	[sflag:s0] =	ssyncset.done @!p0 $0x0  }
0x9e: {  	[sflag:s0] =	ssyncadd.s32 @!p0 s1  }
0x9f: {  	[bflag:$0x3] =	sbarrier.arrive $0xFFFF  }
0xa0: {  	_ =	shalt  }

// kernel: kernel.21.cloned.1.call-start
scs
__scs_entry_jumppad:
0x0: {  	(pc) =	sbr.rel $0x88, $3  }
0x1: {  	(tag) =	ssettag $0x0;
	lr =	simm.s32 $0x1  }
0x2: {  	[smem:$0x3F8B] =	sst lr;
	_ =	strace $0xD0000000  }
0x3: {  	_ = 	snop  }
0x4: {  	_ = 	snop  }
0x5: {  	_ = 	snop  }
0x6: {  	_ = 	snop  }
0x7: {  	_ = 	snop  }
__scs_overlays_trampoline_lowered:
0x8: {  	[smem:$0x3F9A] =	sst s0  }
0x9: {  	[smem:$0x3F9B] =	sst s1  }
0xa: {  	[smem:$0x3F9C] =	sst s2  }
0xb: {  	[smem:$0x3F9D] =	sst s3  }
0xc: {  	[smem:$0x3F9E] =	sst s4  }
0xd: {  	[smem:$0x3F9F] =	sst s5  }
0xe: {  	[smem:$0x3FA0] =	sst s6  }
0xf: {  	[smem:$0x3FA1] =	sst s7  }
0x10: {  	[smem:$0x3FA2] =	sst s8  }
0x11: {  	[smem:$0x3FA3] =	sst s9;
	s0 =	simm.s32 @!p0 $0x0  }
0x12: {  	s1 =	sld [smem:$0x3F89];
	s0 =	simm.s32 @p0 $0x1  }
0x13: {  	[smem:$0x3FA4] =	sst s0;
	s0 =	simm.s32 @!p1 $0x0  }
0x14: {  	s2 =	sld [smem:$0x3F88];
	s0 =	simm.s32 @p1 $0x1  }
0x15: {  	[smem:$0x3FA5] =	sst s0;
	s0 =	simm.s32 @!p2 $0x0  }
0x16: {  	s3 =	sld [smem:$0x3FDB];
	s0 =	simm.s32 @p2 $0x1  }
0x17: {  	s4 =	simm.s32 $0x1BF5;
	[smem:$0x3FA7] =	sst s0  }
0x18: {  	s0 =	sld [smem:$0x3F8A];
	_ =	swait.ge [sflag:s4], $0x0  }
0x19: {  	s7 =	sld [smem:$0x3F8B]  }
0x1a: {  	s8 =	sadd.s32 $0xFFFFE003, lr  }
0x1b: {  	s9 =	sadd.s32 $0xFFFFFEF7, lr;
	s5 =	simm.s32 $0xFFFFFFFF;
	p2 =	slt.u32 s8, $0xFFFFF086  }
0x1c: {  	p1 =	slt.u32 s9, $0xF7A;
	s5 =	simm.s32 @!p2 $0x0  }
0x1d: {  	s5 =	simm.s32 @p1 $0x1;
	p0 =	seq.s32 s7, s2  }
0x1e: {  	s7 =	smul.u32 @!p0 $0xF7A, s2;
	p2 =	seq.s32 @!p0 s5, $0x0  }
0x1f: {  	s9 =	smul.u32 $0xF7A, s1;
	s8 =	simm.s32 @!p0 $0x1BF5;
	p2 =	por !p2, p0  }
0x20: {  	[sflag:s8] =	ssyncset.s32 @!p0 $0xFFFFF086;
	s6 =	sadd.s32 @!p0 s3, s7;
	s7 =	simm.s32 @!p0 $0x108  }
0x21: {  	s3 =	sadd.s32 s3, s9;
	s6 =	sadd.s32 @!p0 $0x88, s6;
	s7 =	simm.s32 @p2 $0x1082  }
0x22: {  	[simem:s7], [sflag:s8] =	dma.local @!p0 [hbm:s6], $0xF7A  }
0x23: {  	s9 =	sor.u32 $0xD0000000, s2;
	s6 =	simm.s32 $0x108;
	_ =	swait.ge @!p0 [sflag:s8], $0x0  }
0x24: {  	s3 =	sadd.s32 $0x88, s3;
	s6 =	simm.s32 @!p1 $0x1082;
	[sflag:s4] =	ssyncset.s32 $0xFFFFF086  }
0x25: {  	[simem:s6], [sflag:s4] =	dma.local [hbm:s3], $0xF7A  }
0x26: {  	[smem:$0x3F8B] =	sst s1;
	(tag) =	ssettag s2;
	_ =	strace s9  }
0x27: {  	s1 =	sld [smem:$0x3F9B]  }
0x28: {  	s2 =	sld [smem:$0x3F9C]  }
0x29: {  	s4 =	sld [smem:$0x3F9E]  }
0x2a: {  	p0 =	seq.s32 s5, $0x0;
	s5 =	sld [smem:$0x3F9F]  }
0x2b: {  	s6 =	sld [smem:$0x3FA0]  }
0x2c: {  	s7 =	sld [smem:$0x3FA1]  }
0x2d: {  	s3 =	simm.s32 $0x108;
	s8 =	sld [smem:$0x3FA2]  }
0x2e: {  	s3 =	simm.s32 @!p0 $0x1082;
	s9 =	sld [smem:$0x3FA3]  }
0x2f: {  	lr =	sadd.s32 s0, s3;
	s0 =	sld [smem:$0x3F9A]  }
0x30: {  	s3 =	sld [smem:$0x3F9D]  }
0x31: {  	[smem:$0x3FA6] =	sst s10  }
0x32: {  	s10 =	sld [smem:$0x3FA4];
	_ =	sdelay $0x3  }
0x33: {  	p0 =	seq.s32 s10, $0x1;
	s10 =	sld [smem:$0x3FA6];
	_ =	sdelay $0x3  }
0x34: {  	[smem:$0x3FA6] =	sst s10  }
0x35: {  	s10 =	sld [smem:$0x3FA5];
	_ =	sdelay $0x3  }
0x36: {  	p1 =	seq.s32 s10, $0x1;
	s10 =	sld [smem:$0x3FA6];
	_ =	sdelay $0x3  }
0x37: {  	[smem:$0x3FA6] =	sst s10  }
0x38: {  	s10 =	sld [smem:$0x3FA7]  }
0x39: {  	_ = 	snop;
	(pc) =	sbr.ind lr, $3  }
0x3a: {  	_ = 	snop  }
0x3b: {  	_ = 	snop  }
0x3c: {  	p2 =	seq.s32 s10, $0x1;
	s10 =	sld [smem:$0x3FA6]  }
0x3d: {  	_ =	shalt  }
0x3e: {  	_ =	shalt  }
0x3f: {  	_ =	shalt  }
0x40: {  	_ =	shalt  }
0x41: {  	_ =	shalt  }
0x42: {  	_ =	shalt  }
0x43: {  	_ =	shalt  }
0x44: {  	_ =	shalt  }
0x45: {  	_ =	shalt  }
0x46: {  	_ =	shalt  }
0x47: {  	_ =	shalt  }
0x48: {  	_ =	shalt  }
0x49: {  	_ =	shalt  }
0x4a: {  	_ =	shalt  }
0x4b: {  	_ =	shalt  }
0x4c: {  	_ =	shalt  }
0x4d: {  	_ =	shalt  }
0x4e: {  	_ =	shalt  }
0x4f: {  	_ =	shalt  }
0x50: {  	_ =	shalt  }
0x51: {  	_ =	shalt  }
0x52: {  	_ =	shalt  }
0x53: {  	_ =	shalt  }
0x54: {  	_ =	shalt  }
0x55: {  	_ =	shalt  }
0x56: {  	_ =	shalt  }
0x57: {  	_ =	shalt  }
0x58: {  	_ =	shalt  }
0x59: {  	_ =	shalt  }
0x5a: {  	_ =	shalt  }
0x5b: {  	_ =	shalt  }
0x5c: {  	_ =	shalt  }
0x5d: {  	_ =	shalt  }
0x5e: {  	_ =	shalt  }
0x5f: {  	_ =	shalt  }
0x60: {  	_ =	shalt  }
0x61: {  	_ =	shalt  }
0x62: {  	_ =	shalt  }
0x63: {  	_ =	shalt  }
0x64: {  	_ =	shalt  }
0x65: {  	_ =	shalt  }
0x66: {  	_ =	shalt  }
0x67: {  	_ =	shalt  }
0x68: {  	_ =	shalt  }
0x69: {  	_ =	shalt  }
0x6a: {  	_ =	shalt  }
0x6b: {  	_ =	shalt  }
0x6c: {  	_ =	shalt  }
0x6d: {  	_ =	shalt  }
0x6e: {  	_ =	shalt  }
0x6f: {  	_ =	shalt  }
0x70: {  	_ =	shalt  }
0x71: {  	_ =	shalt  }
0x72: {  	_ =	shalt  }
0x73: {  	_ =	shalt  }
0x74: {  	_ =	shalt  }
0x75: {  	_ =	shalt  }
0x76: {  	_ =	shalt  }
0x77: {  	_ =	shalt  }
0x78: {  	_ =	shalt  }
0x79: {  	_ =	shalt  }
0x7a: {  	_ =	shalt  }
0x7b: {  	_ =	shalt  }
0x7c: {  	_ =	shalt  }
0x7d: {  	_ =	shalt  }
0x7e: {  	_ =	shalt  }
0x7f: {  	_ =	shalt  }
0x80: {  	_ =	shalt  }
0x81: {  	_ =	shalt  }
0x82: {  	_ =	shalt  }
0x83: {  	_ =	shalt  }
0x84: {  	_ =	shalt  }
0x85: {  	_ =	shalt  }
0x86: {  	_ =	shalt  }
0x87: {  	_ =	shalt  }
.Lfunc_end0:
.L_simem_size_0:
called_computation.3_lowered:
.L_overlay_start_0:
0x88: {  	s2 =	sld [smem:$0x3FD9]  }
0x89: {  	s3 =	sld [smem:$0x3FFE];
	_ =	sdelay $0x1  }
0x8a: {  	s1 =	srdreg.scid  }
0x8b: {  	s0 =	sand.u32 $0x1, s1  }
0x8c: {  	s16 =	sshll.u32 s0, $0xA;
	s2 =	sadd.s32 s3, s2  }
0x8d: {  	s2 =	sadd.s32 s2, s16  }
0x8e: {  	[smem:$0x3FB2] =	sst s2  }
0x8f: {  	_ = 	snop  }
0x90: {  	(tm) =	ssettm $0x1  }
0x91: {  	s17 =	sld [smem:$0x3FFB];
	_ =	sdelay $0x3  }
0x92: {  	_ =	strace s17  }
0x93: {  	s2 =	sld [smem:$0x3FFC];
	_ =	sdelay $0x3  }
0x94: {  	_ =	strace s2  }
0x95: {  	s2 =	sld [smem:$0x3FFD];
	_ =	sdelay $0x3  }
0x96: {  	_ =	strace s2  }
0x97: {  	_ =	strace $0x8FFFFFFF  }
0x98: {  	s18 =	sld [smem:$0x3FDB];
	_ =	sdelay $0x1  }
0x99: {  	s19 =	simm.s32 $_scs_section_size  }
0x9a: {  	s4 =	simm.s32 $_size__tile_overlayer_lowered;
	s5 =	simm.s32 $_tile_overlayer_lowered  }
0x9b: {  	s22 =	simm.s32 $0x1BFF;
	s21 =	sshll.u32 s5, $0x1;
	s2 =	sadd.s32 s19, s18  }
0x9c: {  	s6 =	simm.s32 $0x0;
	s20 =	sshll.u32 s4, $0x1;
	s4 =	sadd.s32 s21, s2  }
0x9d: {  	[timem:s6], [sflag:s22] =	dma.local [hbm:s4], s20  }
0x9e: {  	_ =	swait.ge [sflag:s22], s20  }
0x9f: {  	s3 =	ssub.s32 $0x0, s20;
	[sflag:s22] =	ssyncset.done $0x0  }
0xa0: {  	[sflag:s22] =	ssyncadd.s32 s3;
	_ =	sdelay $0x1  }
0xa1: {  	s23 =	simm.s32 $0x1B8B  }
0xa2: {  	_ =	swait.ge [sflag:s23], $0x1  }
0xa3: {  	[sflag:s23] =	ssyncset.done $0x0  }
0xa4: {  	s25 =	simm.s32 $0x1B8E;
	s24 =	sld [smem:$0x3FFE];
	[sflag:s23] =	ssyncadd.s32 $0xFFFFFFFF  }
0xa5: {  	s26 =	simm.s32 $execute0_lowered;
	[smem:$0x3FD2] =	sst s25  }
0xa6: {  	s4 =	sshll.u32 s26, $0x1;
	_ =	strace $0x8000004F;
	[dreg:$0x1] =	wrdreg $0xFFFFFFFF  }
0xa7: {  	s28 =	simm.s32 $_size_execute0_lowered;
	s2 =	sadd.s32 s2, s4;
	[dreg:$0x0] =	wrdreg $0x0  }
0xa8: {  	s4 =	sshll.u32 s28, $0x1;
	[dreg:$0x2] =	wrdreg s2  }
0xa9: {  	[dreg:$0x3] =	wrdreg s4  }
0xaa: {  	[dreg:$0x4] =	wrdreg $0xC0  }
0xab: {  	_ =	task [dreg:s6], $0x5FFFF  }
0xac: {  	[dreg:$0x1] =	wrdreg $0xFFFFFFFF  }
0xad: {  	[dreg:$0x0] =	wrdreg $0x60  }
0xae: {  	[dreg:$0x2] =	wrdreg s24  }
0xaf: {  	[dreg:$0x3] =	wrdreg $0xB7800  }
0xb0: {  	[dreg:$0x4] =	wrdreg $0x9  }
0xb1: {  	_ =	task.clear_ibuf [dreg:s6], $0x5FFFF;
	_ =	strace $0x9000004F  }
0xb2: {  	s29 =	simm.s32 $0x9;
	_ =	strace $0x80000051  }
0xb3: {  	_ =	swait.ge [sflag:s29], $0x1  }
0xb4: {  	[sflag:s29] =	ssyncadd.s32 $0xFFFFFFFF  }
0xb5: {  	_ =	strace $0x90000051  }
0xb6: {  	_ =	sfence  }
0xb7: {  	s30 =	sld [smem:$0x0];
	_ =	sdelay $0x2  }
0xb8: {  	s31 =	sshll.u32 s1, $0xD;
	s1 =	sshrl.u32 s1, $0x2  }
0xb9: {  	s3 =	sand.u32 $0x4000, s31;
	s1 =	sadd.s32 s1, s30  }
0xba: {  	s0 =	sor.u32 s3, s0;
	s1 =	sshll.u32 s1, $0x11  }
0xbb: {  	s0 =	sor.u32 s1, s0  }
0xbc: {  	s0 =	sadd.s32 $0x8F2B, s0  }
0xbd: {  	[sflag:s0] =	ssyncadd.remote.s32 $0x1  }
0xbe: {  	_ =	sfence.sel $0xFFFF  }
0xbf: {  	[dreg:$0x0] =	wrdreg $0xFFFFFFFF;
	(pc) =	sbr.abs _section_cstart, $3  }
0xc0: {  	[dreg:$0x1] =	wrdreg $0xFFFFFFFF  }
0xc1: {  	_ =	task.clear_ibuf [dreg:s6], $0x2FFFF;
	_ =	strace $0x9FFFFFFF  }
0xc2: {  	(tm) =	ssettm $0x7FFFFFFF  }
0xc3: {  	_ =	shalt  }
tec
execute0_lowered:
.L_overlay_start_1:
0x0: {  	(tag) =	ssettag $0x1  }
0x1: {  	s0 =	rddreg [dreg:$0x0];
	s1 =	srdreg.scid  }
0x2: {  	s9 =	stileid.u32;
	s2 =	rddreg [dreg:$0x1];
	s19 =	simm.s32 $0x5  }
0x3: {  	s21 =	simm.s32 $0x8F80;
	s22 =	simm.s32 $0x50;
	s23 =	simm.s32 $0x6780  }
0x4: {  	s24 =	simm.s32 $0x1;
	s25 =	simm.s32 $0x2;
	s28 =	simm.s32 $0x4  }
0x5: {  	s31 =	simm.s32 $0x6500;
	s1 =	sand.u32 $0x1, s1;
	s8 =	smul.u32 $0x13C00, s9  }
0x6: {  	s3 =	sshll.u32 s9, $0x1;
	s4 =	sshrl.u32 s9, $0x2;
	s9 =	smul.u32 $0x4F000, s9  }
0x7: {  	s5 =	sor.u32 s1, s3;
	s3 =	simm.s32 $0x0;
	s4 =	smul.u32 $0x13C00, s4  }
0x8: {  	s7 =	smul.u32 $0x13C000, s1;
	s1 =	ssub.s32 $0x2, s1;
	s6 =	sshll.u32 s5, $0x7  }
0x9: {  	[smem:$0x7FF] =	sst s3;
	s5 =	sshll.u32 s5, $0xB;
	s29 =	sshrl.u32 s1, $0x1  }
0xa: {  	s30 =	sshrl.u32 s9, $0x2;
	s6 =	sand.u32 $0x380, s6;
	_ =	strace $0x80000050  }
0xb: {  	s10 =	sadd.s32 s5, s0;
	s26 =	sadd.s32 s8, s7;
	s1 =	ssub.s32 s1, s29  }
0xc: {  	s6 =	sor.u32 s4, s6;
	s4 =	sadd.s32 $0x31400, s0;
	s5 =	sshrl.u32 s26, $0x3  }
0xd: {  	s7 =	sadd.s32 $0x17600, s10;
	s16 =	smax.u32 s1, $0x1;
	s6 =	sshrl.u32 s6, $0x3  }
0xe: {  	s26 =	simm.s32 $0x3;
	s1 =	simm.s32 $0x6580;
	s6 =	sadd.s32 s6, s0  }
0xf: {  	s0 =	sadd.s32 s5, s0;
	s5 =	sadd.s32 s30, s2;
	s6 =	sadd.s32 $0x27600, s6  }
0x10: {  	s8 =	sadd.s32 $0x2800, s5;
	s9 =	sadd.s32 $0x5000, s5;
	s10 =	sadd.s32 $0x7800, s5  }
0x11: {  	s11 =	sadd.s32 $0xA000, s5;
	s12 =	sadd.s32 $0xC800, s5;
	s13 =	sadd.s32 $0xF000, s5  }
0x12: {  	v0 =	vimm.f32 $0.0e+00;
	s14 =	sadd.s32 $0x11800, s5;
	s15 =	sadd.s32 $0x58600, s0;
	s0 =	simm.s32 $0x0  }
.LBB2_1:
0x13: {  	s17 =	simm.s32 $0x80;
	s18 =	simm.s32 $0x400  }
0x14: {  	[tilespmem:s3], [sflag:$0x5] =	stream.strided.gather [hbm4b:s6+s17], $0x2780, s18, s17, $0x38;
	[tilespmem:$0x1F380] =	vst v63  }
0x15: {  	_ =	swait.ge [sflag:s19], $0x2780  }
0x16: {  	[sflag:s19] =	ssyncset.done $0x0  }
0x17: {  	s30 =	simm.s32 $0x2780;
	[sflag:s19] =	ssyncadd.s32 $0xFFFFD880  }
0x18: {  	[tilespmem:s30], [sflag:$0x5] =	stream.linear.gather [hbm4b:s7+s3], $0x3E80, $0x38;
	[tilespmem:$0x1F380] =	vst v63  }
0x19: {  	_ =	swait.ge [sflag:s19], $0x3E80  }
0x1a: {  	[sflag:s19] =	ssyncset.done $0x0  }
0x1b: {  	s17 =	simm.s32 $0x0;
	s18 =	simm.s32 $0x200;
	[sflag:s19] =	ssyncadd.s32 $0xFFFFC180  }
.LBB2_2:
0x1c: {  	p0 =	sne.s32 s18, $0x9E00;
	[tilespmem:s17+$0x8FF0] =	vst v0  }
0x1d: {  	[tilespmem:s17+$0x8F80] =	vst v0  }
0x1e: {  	[tilespmem:s17+$0x8F90] =	vst v0  }
.Ltmp0:
0x1f: {  	[tilespmem:s17+$0x8FA0] =	vst v0;
	(pc) =	sbr.rel @p0 .LBB2_2-.Ltmp0, $4  }
0x20: {  	[tilespmem:s17+$0x8FB0] =	vst v0  }
0x21: {  	[tilespmem:s17+$0x8FC0] =	vst v0  }
0x22: {  	[tilespmem:s17+$0x8FD0] =	vst v0  }
0x23: {  	[tilespmem:s17+$0x8FE0] =	vst v0;
	s17 =	sshra.s32 s18, $0x2;
	s18 =	sadd.s32 $0x200, s18  }
0x24: {  	[tilespmem:s17+$0x8FF0] =	vst v0  }
0x25: {  	[tilespmem:s17+$0x8F80] =	vst v0  }
0x26: {  	[tilespmem:s17+$0x8F90] =	vst v0  }
0x27: {  	[tilespmem:s17+$0x8FA0] =	vst v0  }
0x28: {  	[tilespmem:s17+$0x8FB0] =	vst v0  }
0x29: {  	[tilespmem:s17+$0x8FC0] =	vst v0  }
0x2a: {  	[tilespmem:s17+$0x8FD0] =	vst v0  }
0x2b: {  	[tilespmem:s17+$0x8FE0] =	vst v0  }
0x2c: {  	[spmem:s5] =	stream.linear.scatter [tilespmem:s21], [sflag:$0x5], $0x2800, $0x38;
	[tilespmem:$0x1F380] =	vst v63  }
0x2d: {  	_ =	swait.ge [sflag:s19], $0x2800  }
0x2e: {  	[sflag:s19] =	ssyncset.done $0x0  }
0x2f: {  	[sflag:s19] =	ssyncadd.s32 $0xFFFFD800  }
0x30: {  	[spmem:s8] =	stream.linear.scatter [tilespmem:s21], [sflag:$0x5], $0x2800, $0x38;
	[tilespmem:$0x1F380] =	vst v63  }
0x31: {  	_ =	swait.ge [sflag:s19], $0x2800  }
0x32: {  	[sflag:s19] =	ssyncset.done $0x0  }
0x33: {  	[sflag:s19] =	ssyncadd.s32 $0xFFFFD800  }
0x34: {  	[spmem:s9] =	stream.linear.scatter [tilespmem:s21], [sflag:$0x5], $0x2800, $0x38;
	[tilespmem:$0x1F380] =	vst v63  }
0x35: {  	_ =	swait.ge [sflag:s19], $0x2800  }
0x36: {  	[sflag:s19] =	ssyncset.done $0x0  }
0x37: {  	[sflag:s19] =	ssyncadd.s32 $0xFFFFD800  }
0x38: {  	[spmem:s10] =	stream.linear.scatter [tilespmem:s21], [sflag:$0x5], $0x2800, $0x38;
	[tilespmem:$0x1F380] =	vst v63  }
0x39: {  	_ =	swait.ge [sflag:s19], $0x2800  }
0x3a: {  	[sflag:s19] =	ssyncset.done $0x0  }
0x3b: {  	[sflag:s19] =	ssyncadd.s32 $0xFFFFD800  }
0x3c: {  	[spmem:s11] =	stream.linear.scatter [tilespmem:s21], [sflag:$0x5], $0x2800, $0x38;
	[tilespmem:$0x1F380] =	vst v63  }
0x3d: {  	_ =	swait.ge [sflag:s19], $0x2800  }
0x3e: {  	[sflag:s19] =	ssyncset.done $0x0  }
0x3f: {  	[sflag:s19] =	ssyncadd.s32 $0xFFFFD800  }
0x40: {  	[spmem:s12] =	stream.linear.scatter [tilespmem:s21], [sflag:$0x5], $0x2800, $0x38;
	[tilespmem:$0x1F380] =	vst v63  }
0x41: {  	_ =	swait.ge [sflag:s19], $0x2800  }
0x42: {  	[sflag:s19] =	ssyncset.done $0x0  }
0x43: {  	[sflag:s19] =	ssyncadd.s32 $0xFFFFD800  }
0x44: {  	[spmem:s13] =	stream.linear.scatter [tilespmem:s21], [sflag:$0x5], $0x2800, $0x38;
	[tilespmem:$0x1F380] =	vst v63  }
0x45: {  	_ =	swait.ge [sflag:s19], $0x2800  }
0x46: {  	[sflag:s19] =	ssyncset.done $0x0  }
0x47: {  	[sflag:s19] =	ssyncadd.s32 $0xFFFFD800  }
0x48: {  	[spmem:s14] =	stream.linear.scatter [tilespmem:s21], [sflag:$0x5], $0x2400, $0x38;
	[tilespmem:$0x1F380] =	vst v63  }
0x49: {  	_ =	swait.ge [sflag:s19], $0x2400  }
0x4a: {  	[sflag:s19] =	ssyncset.done $0x0  }
0x4b: {  	[sflag:s19] =	ssyncadd.s32 $0xFFFFDC00  }
0x4c: {  	s18 =	simm.s32 $0x0;
	[bflag:$0x0] =	sbarrier.arrive $0xFFFF  }
0x4d: {  	[tilespmem:s23], [sflag:$0x1] =	stream.indirect.gather [hbm4b:s4+s22], $0x80, s18, s22, $0xb8;
	[tilespmem:$0x1F380] =	vst v63  }
0x4e: {  	_ = 	snop  }
0x4f: {  	[tilespmem:s21], [sflag:$0x2] =	stream.indirect.gather [hbm4b:s4+s22], $0x80, s22, s22, $0xb8;
	[tilespmem:$0x1F380] =	vst v63  }
0x50: {  	_ =	swait.ge [sflag:s24], $0x2800  }
0x51: {  	[sflag:s24] =	ssyncset.done $0x0  }
0x52: {  	s20 =	simm.s32 $0x2780;
	[sflag:s24] =	ssyncadd.s32 $0xFFFFD800  }
0x53: {  	[spmem:s2] =	stream.indirect.scatter.add.f32 [tilespmem:s23], [sflag:$0x3], $0x80, s20, s22, $0xb8;
	[tilespmem:$0x1F380] =	vst v63  }
0x54: {  	_ =	swait.ge [sflag:s25], $0x2800  }
0x55: {  	[sflag:s25] =	ssyncset.done $0x0  }
0x56: {  	[sflag:s25] =	ssyncadd.s32 $0xFFFFD800  }
0x57: {  	_ =	swait.ge [sflag:s26], $0x2800  }
0x58: {  	[sflag:s26] =	ssyncset.done $0x0  }
0x59: {  	s29 =	simm.s32 $0xA0;
	[sflag:s26] =	ssyncadd.s32 $0xFFFFD800  }
0x5a: {  	[tilespmem:s23], [sflag:$0x1] =	stream.indirect.gather [hbm4b:s4+s22], $0x80, s29, s22, $0xb8;
	[tilespmem:$0x1F380] =	vst v63  }
0x5b: {  	s30 =	simm.s32 $0x2800  }
0x5c: {  	[spmem:s2] =	stream.indirect.scatter.add.f32 [tilespmem:s21], [sflag:$0x4], $0x80, s30, s22, $0xb8;
	[tilespmem:$0x1F380] =	vst v63  }
0x5d: {  	_ =	swait.ge [sflag:s28], $0x2800  }
0x5e: {  	s17 =	simm.s32 $0xF0;
	[sflag:s28] =	ssyncset.done $0x0  }
0x5f: {  	s18 =	simm.s32 $0x400;
	s20 =	simm.s32 $0x190;
	[sflag:s28] =	ssyncadd.s32 $0xFFFFD800  }
.LBB2_4:
0x60: {  	[tilespmem:s21], [sflag:$0x2] =	stream.indirect.gather [hbm4b:s4+s22], $0x80, s17, s22, $0xb8;
	[tilespmem:$0x1F380] =	vst v63  }
0x61: {  	s29 =	smov.u32 s18;
	s17 =	smov.u32 s20  }
0x62: {  	p0 =	sne.s32 s18, $0xF000;
	s18 =	sadd.s32 $0x400, s18;
	_ =	swait.ge [sflag:s24], $0x2800  }
0x63: {  	s29 =	sshra.s32 s29, $0x2;
	[sflag:s24] =	ssyncset.done $0x0  }
0x64: {  	s30 =	sadd.s32 $0x2780, s29;
	[sflag:s24] =	ssyncadd.s32 $0xFFFFD800  }
0x65: {  	[spmem:s2] =	stream.indirect.scatter.add.f32 [tilespmem:s23], [sflag:$0x3], $0x80, s30, s22, $0xb8;
	[tilespmem:$0x1F380] =	vst v63  }
0x66: {  	_ =	swait.ge [sflag:s25], $0x2800  }
0x67: {  	[sflag:s25] =	ssyncset.done $0x0  }
0x68: {  	[sflag:s25] =	ssyncadd.s32 $0xFFFFD800  }
0x69: {  	_ =	swait.ge [sflag:s26], $0x2800  }
0x6a: {  	[sflag:s26] =	ssyncset.done $0x0  }
0x6b: {  	s30 =	sadd.s32 $0xFFFFFFB0, s20;
	[sflag:s26] =	ssyncadd.s32 $0xFFFFD800  }
0x6c: {  	[tilespmem:s23], [sflag:$0x1] =	stream.indirect.gather [hbm4b:s4+s22], $0x80, s30, s22, $0xb8;
	[tilespmem:$0x1F380] =	vst v63  }
.Ltmp1:
0x6d: {  	s29 =	sadd.s32 $0x2800, s29;
	(pc) =	sbr.rel @p0 .LBB2_4-.Ltmp1, $4  }
0x6e: {  	[spmem:s2] =	stream.indirect.scatter.add.f32 [tilespmem:s21], [sflag:$0x4], $0x80, s29, s22, $0xb8;
	[tilespmem:$0x1F380] =	vst v63  }
0x6f: {  	_ =	swait.ge [sflag:s28], $0x2800  }
0x70: {  	[sflag:s28] =	ssyncset.done $0x0  }
0x71: {  	s20 =	sadd.s32 $0xA0, s20;
	[sflag:s28] =	ssyncadd.s32 $0xFFFFD800  }
0x72: {  	[tilespmem:s21], [sflag:$0x2] =	stream.indirect.gather [hbm4b:s4+s22], $0x80, s17, s22, $0xb8;
	[tilespmem:$0x1F380] =	vst v63  }
0x73: {  	_ =	swait.ge [sflag:s24], $0x2800  }
0x74: {  	[sflag:s24] =	ssyncset.done $0x0  }
0x75: {  	s20 =	simm.s32 $0x6480;
	[sflag:s24] =	ssyncadd.s32 $0xFFFFD800  }
0x76: {  	[spmem:s2] =	stream.indirect.scatter.add.f32 [tilespmem:s23], [sflag:$0x3], $0x80, s20, s22, $0xb8;
	[tilespmem:$0x1F380] =	vst v63  }
0x77: {  	_ =	swait.ge [sflag:s25], $0x2800  }
0x78: {  	[sflag:s25] =	ssyncset.done $0x0  }
0x79: {  	[sflag:s25] =	ssyncadd.s32 $0xFFFFD800  }
0x7a: {  	_ =	swait.ge [sflag:s26], $0x2800  }
0x7b: {  	[sflag:s26] =	ssyncset.done $0x0  }
0x7c: {  	s29 =	simm.s32 $0x26C0;
	[sflag:s26] =	ssyncadd.s32 $0xFFFFD800  }
0x7d: {  	[tilespmem:s23], [sflag:$0x1] =	stream.indirect.gather [hbm4b:s4+s22], $0x80, s29, s22, $0xb8;
	[tilespmem:$0x1F380] =	vst v63  }
0x7e: {  	_ = 	snop  }
0x7f: {  	[spmem:s2] =	stream.indirect.scatter.add.f32 [tilespmem:s21], [sflag:$0x4], $0x80, s31, s22, $0xb8;
	[tilespmem:$0x1F380] =	vst v63  }
0x80: {  	_ =	swait.ge [sflag:s28], $0x2800  }
0x81: {  	[sflag:s28] =	ssyncset.done $0x0  }
0x82: {  	[sflag:s28] =	ssyncadd.s32 $0xFFFFD800  }
0x83: {  	_ =	swait.ge [sflag:s24], $0x2800  }
0x84: {  	[sflag:s24] =	ssyncset.done $0x0  }
0x85: {  	[sflag:s24] =	ssyncadd.s32 $0xFFFFD800  }
0x86: {  	[spmem:s2] =	stream.indirect.scatter.add.f32 [tilespmem:s23], [sflag:$0x3], $0x80, s1, s22, $0xb8;
	[tilespmem:$0x1F380] =	vst v63  }
0x87: {  	s30 =	stileid.u32;
	_ =	swait.ge [sflag:s26], $0x2800  }
0x88: {  	s18 =	sshrl.u32 s5, $0x3;
	s0 =	sadd.s32 $0x1, s0;
	[sflag:s26] =	ssyncset.done $0x0  }
0x89: {  	s17 =	sshll.u32 s30, $0x6;
	p0 =	sne.s32 s0, s16;
	[sflag:s26] =	ssyncadd.s32 $0xFFFFD800  }
.Ltmp2:
0x8a: {  	s17 =	sor.u32 $0x1C05, s17;
	[bflag:$0x0] =	sbarrier.arrive $0xFFFF;
	(pc) =	sbr.rel @p0 .LBB2_1-.Ltmp2, $4  }
0x8b: {  	[hbm:s15], [sflag:s17] =	dma.local [spmem:s18], $0x2780  }
0x8c: {  	_ =	swait.ge [sflag:s19], $0x2780  }
0x8d: {  	[sflag:s19] =	ssyncset.done $0x0  }
0x8e: {  	[sflag:s19] =	ssyncadd.s32 $0xFFFFD880  }
0x8f: {  	_ =	sfence.sel $0x180000  }
0x90: {  	[bflag:$0x0] =	sbarrier.arrive $0xFFFF  }
0x91: {  	_ =	strace $0x90000050  }
0x92: {  	s0 =	stileid.u32;
	[bflag:$0x2] =	sbarrier.arrive $0xFFFF  }
0x93: {  	p0 =	sne.s32 s0, $0x0;
	s0 =	rddreg [dreg:$0x2]  }
0x94: {  	s0 =	sadd.s32 @!p0 $0x100000, s0  }
0x95: {  	[sflag:s0] =	ssyncadd.tile.s32 @!p0 $0x1;
	_ =	shalt  }
.Lfunc_end2:
_tile_overlayer_lowered:
.L_overlay_start_2:
0x96: {  	(tag) =	ssettag $0x2  }
0x97: {  	s0 =	rddreg [dreg:$0x0];
	s2 =	stileid.u32  }
0x98: {  	s1 =	rddreg [dreg:$0x1];
	p0 =	sne.s32 s2, $0x0  }
0x99: {  	s3 =	rddreg [dreg:$0x2];
	[bflag:$0x3] =	sbarrier.arrive $0xFFFF;
	s2 =	simm.s32 @!p0 $0x1C05  }
0x9a: {  	[timem:s3], [sflag:s2] =	dma.local @!p0 [hbm:s0], s1  }
0x9b: {  	s0 =	simm.s32 @!p0 $0x5  }
0x9c: {  	_ =	swait.ge @!p0 [sflag:s0], s1  }
0x9d: {  	s1 =	ssub.s32 @!p0 $0x0, s1;
	[sflag:s0] =	ssyncset.done @!p0 $0x0  }
0x9e: {  	[sflag:s0] =	ssyncadd.s32 @!p0 s1  }
0x9f: {  	[bflag:$0x3] =	sbarrier.arrive $0xFFFF  }
0xa0: {  	_ =	shalt  }

</sc_bundles>
